<compile_context>
chip_gen: v7x
topology: tpu7x:2x2x1
jax: 0.10.2.dev20260603
libtpu: 0.0.44.dev20260713+nightly
codegen_flags: <defaults>
</compile_context>

<pallas_src>
import functools

import jax
import jax.numpy as jnp
from jax import lax
from jax.experimental import pallas as pl
from jax.experimental.pallas import tpu as pltpu
from jax.experimental.pallas import tpu_sc as plsc

N = 10000
E = 320000
IN_C = 128
HID = 64
OUT = 64

NC = 2
NS = 16
NW = NC * NS
EPW = E // NW
K = 80
GS = 2
NCH = EPW // K
NG = (NCH - 1) // GS

DGC = 624
DGW = 640
ZR = 32
ONES = 80

_f32 = jnp.float32


@functools.cache
def _sc_scatter_pass(with_deg: bool):

    out_type = [jax.ShapeDtypeStruct((NC, N, IN_C), _f32)]
    if with_deg:
        out_type.append(jax.ShapeDtypeStruct((NC * N,), _f32))

    scratch = [
        pltpu.VMEM_SHARED((N, IN_C), _f32),
        pltpu.VMEM((ZR, IN_C), _f32),
        [[pltpu.VMEM((K, IN_C), _f32) for _ in range(GS)] for _ in range(2)],
        [[pltpu.VMEM((K,), jnp.int32) for _ in range(GS)] for _ in range(2)],
        [[pltpu.VMEM((K,), jnp.int32) for _ in range(GS)] for _ in range(2)],
        [[pltpu.SemaphoreType.DMA for _ in range(GS)] for _ in range(2)],
        [[pltpu.SemaphoreType.DMA for _ in range(GS)] for _ in range(2)],
        [[pltpu.SemaphoreType.DMA for _ in range(GS)] for _ in range(2)],
    ]
    if with_deg:
        scratch += [
            pltpu.VMEM_SHARED((N,), _f32),
            pltpu.VMEM((DGW,), _f32),
            pltpu.VMEM((ONES,), _f32),
            [[pltpu.SemaphoreType.DMA for _ in range(GS)] for _ in range(2)],
        ]

    def body(table_hbm, edge_hbm, *rest):
        if with_deg:
            (agg_out, deg_out,
             acc_sh, zero_buf, rows, srcb, dstb, isem, gsem, ssem,
             deg_sh, zdeg_buf, ones_buf, dsem) = rest
        else:
            (agg_out,
             acc_sh, zero_buf, rows, srcb, dstb, isem, gsem, ssem) = rest
            deg_out = deg_sh = zdeg_buf = ones_buf = dsem = None

        cid = lax.axis_index("c")
        sid = lax.axis_index("s")
        base_e = (cid * NS + sid) * EPW

        def fire_gathers(g, s):
            ih = []
            for j in range(GS):
                e0 = base_e + (g * GS + j) * K
                ih.append((
                    pltpu.async_copy(edge_hbm.at[pl.ds(e0, K)], srcb[s][j], isem[s][j]),
                    pltpu.async_copy(edge_hbm.at[pl.ds(E + e0, K)], dstb[s][j], isem[s][j]),
                ))
            for j in range(GS):
                ih[j][0].wait()
                ih[j][1].wait()
                pltpu.async_copy(table_hbm.at[srcb[s][j]], rows[s][j], gsem[s][j])

        def fire_scatters(s):
            for j in range(GS):
                pltpu.make_async_copy(table_hbm.at[srcb[s][j]], rows[s][j],
                                      gsem[s][j]).wait()
                pltpu.async_copy(rows[s][j], acc_sh.at[dstb[s][j]], ssem[s][j],
                                 add=True)
                if with_deg:
                    pltpu.async_copy(ones_buf.at[pl.ds(0, K)],
                                     deg_sh.at[dstb[s][j]], dsem[s][j], add=True)

        def drain_scatters(s):
            for j in range(GS):
                pltpu.make_async_copy(rows[s][j], acc_sh.at[dstb[s][j]],
                                      ssem[s][j]).wait()
                if with_deg:
                    pltpu.make_async_copy(ones_buf.at[pl.ds(0, K)],
                                          deg_sh.at[dstb[s][j]], dsem[s][j]).wait()

        fire_gathers(0, 0)
        fire_gathers(1, 1)

        zv = jnp.zeros((16,), _f32)

        def zfill(i, _):
            zero_buf[i // (IN_C // 16), pl.ds((i % (IN_C // 16)) * 16, 16)] = zv
            return 0
        lax.fori_loop(0, ZR * (IN_C // 16), zfill, 0)
        if with_deg:
            def zfill_d(i, _):
                zdeg_buf[pl.ds(i * 16, 16)] = zv
                return 0
            lax.fori_loop(0, DGW // 16, zfill_d, 0)
            ov = jnp.ones((16,), _f32)
            for j in range(ONES // 16):
                ones_buf[pl.ds(j * 16, 16)] = ov

        zh = [pltpu.async_copy(zero_buf,
                               acc_sh.at[pl.ds(sid * DGC + j * ZR, ZR)],
                               ssem[0][0])
              for j in range(DGW // ZR)]
        if with_deg:
            zh.append(pltpu.async_copy(zdeg_buf,
                                       deg_sh.at[pl.ds(sid * DGC, DGW)],
                                       ssem[0][1]))
        for h in zh:
            h.wait()
        plsc.subcore_barrier()

        fire_scatters(0)

        def outer(t, _):
            g0 = 2 * t
            drain_scatters(0)
            fire_gathers(g0, 0)
            fire_scatters(1)
            drain_scatters(1)
            fire_gathers(g0 + 1, 1)
            fire_scatters(0)
            return 0
        lax.fori_loop(1, NG // 2, outer, 0)

        fire_scatters(1)
        drain_scatters(0)
        drain_scatters(1)
        e0 = base_e + (NCH - 1) * K
        h0 = pltpu.async_copy(edge_hbm.at[pl.ds(e0, K)], srcb[0][0], isem[0][0])
        h1 = pltpu.async_copy(edge_hbm.at[pl.ds(E + e0, K)], dstb[0][0], isem[0][0])
        h0.wait()
        h1.wait()
        pltpu.async_copy(table_hbm.at[srcb[0][0]], rows[0][0], gsem[0][0]).wait()
        pltpu.async_copy(rows[0][0], acc_sh.at[dstb[0][0]], ssem[0][0],
                         add=True).wait()
        if with_deg:
            pltpu.async_copy(ones_buf.at[pl.ds(0, K)], deg_sh.at[dstb[0][0]],
                             dsem[0][0], add=True).wait()

        plsc.subcore_barrier()

        oh = pltpu.async_copy(acc_sh.at[pl.ds(sid * DGC, DGW)],
                              agg_out.at[cid, pl.ds(sid * DGC, DGW)],
                              gsem[0][0])
        if with_deg:
            pltpu.async_copy(deg_sh.at[pl.ds(sid * DGC, DGW)], zdeg_buf,
                             gsem[0][1]).wait()
            pltpu.async_copy(zdeg_buf,
                             deg_out.at[pl.ds(cid * N + sid * DGC, DGW)],
                             gsem[1][0]).wait()
        oh.wait()

    mesh = plsc.VectorSubcoreMesh(core_axis_name="c", subcore_axis_name="s",
                                  num_cores=NC, num_subcores=NS)
    return pl.kernel(
        body,
        out_type=tuple(out_type),
        mesh=mesh,
        scratch_types=tuple(scratch),
        name="edge_scatter_deg" if with_deg else "edge_scatter",
    )


BLK = 1000


def _tc_mid_body(x_ref, agg_ref, deg_ref, w1_ref, b1_ref, wc_ref, y_ref):
    xb = x_ref[...] + agg_ref[0] + agg_ref[1]
    h = jnp.dot(xb, w1_ref[...], preferred_element_type=_f32) + b1_ref[...]
    h = jnp.maximum(h, 0.0)
    dinv = lax.rsqrt(deg_ref[0, 0] + deg_ref[0, 1] + 1.0)
    y = jnp.dot(h, wc_ref[...], preferred_element_type=_f32)
    y_ref[...] = y * dinv[:, None]


def _tc_mid(x, agg1, degp, W1, b1, Wc):
    grid = N // BLK
    return pl.pallas_call(
        _tc_mid_body,
        grid=(grid,),
        in_specs=[
            pl.BlockSpec((BLK, IN_C), lambda i: (i, 0)),
            pl.BlockSpec((NC, BLK, IN_C), lambda i: (0, i, 0)),
            pl.BlockSpec((1, NC, BLK), lambda i: (i, 0, 0)),
            pl.BlockSpec((IN_C, HID), lambda i: (0, 0)),
            pl.BlockSpec((1, HID), lambda i: (0, 0)),
            pl.BlockSpec((HID, 2 * OUT), lambda i: (0, 0)),
        ],
        out_specs=pl.BlockSpec((BLK, 2 * OUT), lambda i: (i, 0)),
        out_shape=jax.ShapeDtypeStruct((N, 2 * OUT), _f32),
        name="gcn_mid",
    )(x, agg1, degp, W1, b1, Wc)


def _tc_out_body(agg_ref, y_ref, deg_ref, bmu_ref, blv_ref, mu_ref, lv_ref):
    acc = agg_ref[0] + agg_ref[1] + y_ref[...]
    dinv = lax.rsqrt(deg_ref[0, 0] + deg_ref[0, 1] + 1.0)
    outc = acc * dinv[:, None]
    mu_ref[...] = jnp.maximum(outc[:, :OUT] + bmu_ref[...], 0.0)
    lv_ref[...] = outc[:, OUT:] + blv_ref[...]


def _tc_out(agg2, y, degp, bmu, blv):
    grid = N // BLK
    return pl.pallas_call(
        _tc_out_body,
        grid=(grid,),
        in_specs=[
            pl.BlockSpec((NC, BLK, 2 * OUT), lambda i: (0, i, 0)),
            pl.BlockSpec((BLK, 2 * OUT), lambda i: (i, 0)),
            pl.BlockSpec((1, NC, BLK), lambda i: (i, 0, 0)),
            pl.BlockSpec((1, OUT), lambda i: (0, 0)),
            pl.BlockSpec((1, OUT), lambda i: (0, 0)),
        ],
        out_specs=[
            pl.BlockSpec((BLK, OUT), lambda i: (i, 0)),
            pl.BlockSpec((BLK, OUT), lambda i: (i, 0)),
        ],
        out_shape=[
            jax.ShapeDtypeStruct((N, OUT), _f32),
            jax.ShapeDtypeStruct((N, OUT), _f32),
        ],
        name="gcn_out",
    )(agg2, y, degp, bmu, blv)


def kernel(x, edge_index, W1, b1, Wmu, bmu, Wlv, blv):
    ei_flat = edge_index.reshape(2 * E)
    agg1, degp_flat = _sc_scatter_pass(True)(x, ei_flat)
    degp = degp_flat.reshape(NC, N // BLK, BLK).transpose(1, 0, 2)
    Wc = jnp.concatenate([Wmu, Wlv], axis=1)
    y = _tc_mid(x, agg1, degp, W1, b1.reshape(1, HID), Wc)
    (agg2,) = _sc_scatter_pass(False)(y, ei_flat)
    mu, lv = _tc_out(agg2, y, degp,
                     bmu.reshape(1, OUT), blv.reshape(1, OUT))
    return mu, lv

# --- scband reference (transcript-rebuilt; emitter-appended) ---
"""Pipeline reference for scband-gcnencoder1-11948599018106 (READ-ONLY COPY).

The authoritative reference and input builder live on the scoring server;
editing this copy changes nothing except your own understanding.
"""

import jax, jax.numpy as jnp
import numpy as np

N = 10000
E = 320000
IN_C = 128
HID = 64
OUT = 64


def setup_inputs(seed: int = 0) -> dict:
    key = jax.random.key(seed)
    ks = jax.random.split(key, 8)
    x = jax.random.normal(ks[0], (N, IN_C), dtype=jnp.float32)
    edge_index = jax.random.randint(ks[1], (2, E), 0, N, dtype=jnp.int32)
    W1 = jax.random.normal(ks[2], (IN_C, HID), dtype=jnp.float32) * (1.0 / np.sqrt(IN_C))
    b1 = jnp.zeros((HID,), dtype=jnp.float32)
    Wmu = jax.random.normal(ks[3], (HID, OUT), dtype=jnp.float32) * (1.0 / np.sqrt(HID))
    bmu = jnp.zeros((OUT,), dtype=jnp.float32)
    Wlv = jax.random.normal(ks[4], (HID, OUT), dtype=jnp.float32) * (1.0 / np.sqrt(HID))
    blv = jnp.zeros((OUT,), dtype=jnp.float32)
    return {"x": x, "edge_index": edge_index, "W1": W1, "b1": b1,
            "Wmu": Wmu, "bmu": bmu, "Wlv": Wlv, "blv": blv}


def _gcn_layer(h, src, dst, W, b):
    n = h.shape[0]
    xw = h @ W
    loop = jnp.arange(n, dtype=src.dtype)
    s = jnp.concatenate([src, loop])
    d = jnp.concatenate([dst, loop])
    deg = jnp.zeros((n,), dtype=xw.dtype).at[d].add(1.0)
    dinv = jax.lax.rsqrt(jnp.maximum(deg, 1.0))
    norm = dinv[s] * dinv[d]
    msg = xw[s] * norm[:, None]
    out = jnp.zeros_like(xw).at[d].add(msg)
    return out + b


def reference(x, edge_index, W1, b1, Wmu, bmu, Wlv, blv):
    src = edge_index[0]
    dst = edge_index[1]
    # GINConv with eps=0: h_i = MLP((1+eps)*x_i + sum_{j in N(i)} x_j)
    agg = jnp.zeros_like(x).at[dst].add(x[src])
    h = x + agg
    h = h @ W1 + b1
    h = jax.nn.relu(h)
    # Two GCNConv heads (symmetric-normalized with self loops)
    mu = jax.nn.relu(_gcn_layer(h, src, dst, Wmu, bmu))
    logvar = _gcn_layer(h, src, dst, Wlv, blv)
    return mu, logvar

if __name__ == "__main__":
    import jax
    _d = setup_inputs()
    print(jax.jit(kernel)(*tuple(_d.values())))

</pallas_src>

<mosaic_0001>
#map = affine_map<(d0, d1) -> (0, 0)>
#map1 = affine_map<(d0, d1) -> (0)>
#map2 = affine_map<(d0, d1) -> (0, 0, 0)>
module attributes {stable_mosaic.version = 14 : i64} {
  func.func @edge_scatter_deg(%arg0: i32, %arg1: i32, %arg2: memref<10000x128xf32, #tpu.memory_space<hbm>>, %arg3: memref<640000xi32, #tpu.memory_space<hbm>>, %arg4: memref<2x10000x128xf32, #tpu.memory_space<hbm>>, %arg5: memref<20000xf32, #tpu.memory_space<hbm>>, %arg6: memref<10000x128xf32, #tpu.memory_space<vmem_shared>>, %arg7: memref<32x128xf32, #tpu.memory_space<vmem>>, %arg8: memref<80x128xf32, #tpu.memory_space<vmem>>, %arg9: memref<80x128xf32, #tpu.memory_space<vmem>>, %arg10: memref<80x128xf32, #tpu.memory_space<vmem>>, %arg11: memref<80x128xf32, #tpu.memory_space<vmem>>, %arg12: memref<80xi32, #tpu.memory_space<vmem>>, %arg13: memref<80xi32, #tpu.memory_space<vmem>>, %arg14: memref<80xi32, #tpu.memory_space<vmem>>, %arg15: memref<80xi32, #tpu.memory_space<vmem>>, %arg16: memref<80xi32, #tpu.memory_space<vmem>>, %arg17: memref<80xi32, #tpu.memory_space<vmem>>, %arg18: memref<80xi32, #tpu.memory_space<vmem>>, %arg19: memref<80xi32, #tpu.memory_space<vmem>>, %arg20: memref<!tpu.dma_semaphore, #tpu.memory_space<semaphore_mem>>, %arg21: memref<!tpu.dma_semaphore, #tpu.memory_space<semaphore_mem>>, %arg22: memref<!tpu.dma_semaphore, #tpu.memory_space<semaphore_mem>>, %arg23: memref<!tpu.dma_semaphore, #tpu.memory_space<semaphore_mem>>, %arg24: memref<!tpu.dma_semaphore, #tpu.memory_space<semaphore_mem>>, %arg25: memref<!tpu.dma_semaphore, #tpu.memory_space<semaphore_mem>>, %arg26: memref<!tpu.dma_semaphore, #tpu.memory_space<semaphore_mem>>, %arg27: memref<!tpu.dma_semaphore, #tpu.memory_space<semaphore_mem>>, %arg28: memref<!tpu.dma_semaphore, #tpu.memory_space<semaphore_mem>>, %arg29: memref<!tpu.dma_semaphore, #tpu.memory_space<semaphore_mem>>, %arg30: memref<!tpu.dma_semaphore, #tpu.memory_space<semaphore_mem>>, %arg31: memref<!tpu.dma_semaphore, #tpu.memory_space<semaphore_mem>>, %arg32: memref<10000xf32, #tpu.memory_space<vmem_shared>>, %arg33: memref<640xf32, #tpu.memory_space<vmem>>, %arg34: memref<80xf32, #tpu.memory_space<vmem>>, %arg35: memref<!tpu.dma_semaphore, #tpu.memory_space<semaphore_mem>>, %arg36: memref<!tpu.dma_semaphore, #tpu.memory_space<semaphore_mem>>, %arg37: memref<!tpu.dma_semaphore, #tpu.memory_space<semaphore_mem>>, %arg38: memref<!tpu.dma_semaphore, #tpu.memory_space<semaphore_mem>>) attributes {dimension_semantics = [#tpu.dimension_semantics<core_parallel>, #tpu.dimension_semantics<subcore_parallel>], iteration_bounds = array<i64: 2, 16>, scalar_prefetch = 0 : i64, scratch_operands = 33 : i64, tpu.core_type = #tpu.core_type<sc_vector_subcore>, window_params = [{transform_indices = #map}, {transform_indices = #map1}, {transform_indices = #map2}, {transform_indices = #map1}]} {
    %mul3A = arith.constant 16 : i32
    %mul3A_0 = arith.muli %arg0, %mul3A : i32
    %add3A = arith.addi %mul3A_0, %arg1 : i32
    %mul3A_1 = arith.constant 10000 : i32
    %mul3A_2 = arith.muli %add3A, %mul3A_1 : i32
    %add3A_3 = arith.constant 0 : i32
    %add3A_4 = arith.addi %mul3A_2, %add3A_3 : i32
    %dma_start3A = tpu.memref_slice %arg3[%add3A_4] : memref<640000xi32, #tpu.memory_space<hbm>> -> memref<80xi32, #tpu.memory_space<hbm>>
    %dma_start3A_5 = tpu.memref_slice %arg3[%add3A_4] : memref<640000xi32, #tpu.memory_space<hbm>> -> memref<80xi32, #tpu.memory_space<hbm>>
    tpu.enqueue_dma source(%dma_start3A_5 : memref<80xi32, #tpu.memory_space<hbm>>) target(%arg12 : memref<80xi32, #tpu.memory_space<vmem>>) target_semaphore(%arg20 : memref<!tpu.dma_semaphore, #tpu.memory_space<semaphore_mem>>)
    %add3A_6 = arith.constant 320000 : i32
    %add3A_7 = arith.addi %add3A_6, %add3A_4 : i32
    %dma_start3A_8 = tpu.memref_slice %arg3[%add3A_7] : memref<640000xi32, #tpu.memory_space<hbm>> -> memref<80xi32, #tpu.memory_space<hbm>>
    %dma_start3A_9 = tpu.memref_slice %arg3[%add3A_7] : memref<640000xi32, #tpu.memory_space<hbm>> -> memref<80xi32, #tpu.memory_space<hbm>>
    tpu.enqueue_dma source(%dma_start3A_9 : memref<80xi32, #tpu.memory_space<hbm>>) target(%arg16 : memref<80xi32, #tpu.memory_space<vmem>>) target_semaphore(%arg20 : memref<!tpu.dma_semaphore, #tpu.memory_space<semaphore_mem>>)
    %add3A_10 = arith.constant 80 : i32
    %add3A_11 = arith.addi %mul3A_2, %add3A_10 : i32
    %dma_start3A_12 = tpu.memref_slice %arg3[%add3A_11] : memref<640000xi32, #tpu.memory_space<hbm>> -> memref<80xi32, #tpu.memory_space<hbm>>
    %dma_start3A_13 = tpu.memref_slice %arg3[%add3A_11] : memref<640000xi32, #tpu.memory_space<hbm>> -> memref<80xi32, #tpu.memory_space<hbm>>
    tpu.enqueue_dma source(%dma_start3A_13 : memref<80xi32, #tpu.memory_space<hbm>>) target(%arg13 : memref<80xi32, #tpu.memory_space<vmem>>) target_semaphore(%arg21 : memref<!tpu.dma_semaphore, #tpu.memory_space<semaphore_mem>>)
    %add3A_14 = arith.constant 320000 : i32
    %add3A_15 = arith.addi %add3A_14, %add3A_11 : i32
    %dma_start3A_16 = tpu.memref_slice %arg3[%add3A_15] : memref<640000xi32, #tpu.memory_space<hbm>> -> memref<80xi32, #tpu.memory_space<hbm>>
    %dma_start3A_17 = tpu.memref_slice %arg3[%add3A_15] : memref<640000xi32, #tpu.memory_space<hbm>> -> memref<80xi32, #tpu.memory_space<hbm>>
    tpu.enqueue_dma source(%dma_start3A_17 : memref<80xi32, #tpu.memory_space<hbm>>) target(%arg17 : memref<80xi32, #tpu.memory_space<vmem>>) target_semaphore(%arg21 : memref<!tpu.dma_semaphore, #tpu.memory_space<semaphore_mem>>)
    %dma_wait3A = tpu.memref_slice %arg3[%add3A_4] : memref<640000xi32, #tpu.memory_space<hbm>> -> memref<80xi32, #tpu.memory_space<hbm>>
    %dma_wait3A_18 = tpu.memref_slice %arg3[%add3A_4] : memref<640000xi32, #tpu.memory_space<hbm>> -> memref<80xi32, #tpu.memory_space<hbm>>
    tpu.wait_dma2 semaphore(%arg20 : memref<!tpu.dma_semaphore, #tpu.memory_space<semaphore_mem>>) src(%dma_wait3A_18 : memref<80xi32, #tpu.memory_space<hbm>>) dst(%arg12 : memref<80xi32, #tpu.memory_space<vmem>>)
    %dma_wait3A_19 = tpu.memref_slice %arg3[%add3A_7] : memref<640000xi32, #tpu.memory_space<hbm>> -> memref<80xi32, #tpu.memory_space<hbm>>
    %dma_wait3A_20 = tpu.memref_slice %arg3[%add3A_7] : memref<640000xi32, #tpu.memory_space<hbm>> -> memref<80xi32, #tpu.memory_space<hbm>>
    tpu.wait_dma2 semaphore(%arg20 : memref<!tpu.dma_semaphore, #tpu.memory_space<semaphore_mem>>) src(%dma_wait3A_20 : memref<80xi32, #tpu.memory_space<hbm>>) dst(%arg16 : memref<80xi32, #tpu.memory_space<vmem>>)
    %dma_start3A_21 = arith.constant 0 : i32
    %dma_start3A_22 = arith.constant 0 : i32
    %dma_start3A_23 = tpu.memref_slice %arg2[%dma_start3A_21, %dma_start3A_22] : memref<10000x128xf32, #tpu.memory_space<hbm>> -> memref<10000x128xf32, #tpu.memory_space<hbm>>
    tpu.enqueue_indirect_dma source(%dma_start3A_23 : memref<10000x128xf32, #tpu.memory_space<hbm>>) target(%arg8 : memref<80x128xf32, #tpu.memory_space<vmem>>) offsets(%arg12 : memref<80xi32, #tpu.memory_space<vmem>>) semaphore(%arg24 : memref<!tpu.dma_semaphore, #tpu.memory_space<semaphore_mem>>)
    %dma_wait3A_24 = tpu.memref_slice %arg3[%add3A_11] : memref<640000xi32, #tpu.memory_space<hbm>> -> memref<80xi32, #tpu.memory_space<hbm>>
    %dma_wait3A_25 = tpu.memref_slice %arg3[%add3A_11] : memref<640000xi32, #tpu.memory_space<hbm>> -> memref<80xi32, #tpu.memory_space<hbm>>
    tpu.wait_dma2 semaphore(%arg21 : memref<!tpu.dma_semaphore, #tpu.memory_space<semaphore_mem>>) src(%dma_wait3A_25 : memref<80xi32, #tpu.memory_space<hbm>>) dst(%arg13 : memref<80xi32, #tpu.memory_space<vmem>>)
    %dma_wait3A_26 = tpu.memref_slice %arg3[%add3A_15] : memref<640000xi32, #tpu.memory_space<hbm>> -> memref<80xi32, #tpu.memory_space<hbm>>
    %dma_wait3A_27 = tpu.memref_slice %arg3[%add3A_15] : memref<640000xi32, #tpu.memory_space<hbm>> -> memref<80xi32, #tpu.memory_space<hbm>>
    tpu.wait_dma2 semaphore(%arg21 : memref<!tpu.dma_semaphore, #tpu.memory_space<semaphore_mem>>) src(%dma_wait3A_27 : memref<80xi32, #tpu.memory_space<hbm>>) dst(%arg17 : memref<80xi32, #tpu.memory_space<vmem>>)
    %dma_start3A_28 = arith.constant 0 : i32
    %dma_start3A_29 = arith.constant 0 : i32
    %dma_start3A_30 = tpu.memref_slice %arg2[%dma_start3A_28, %dma_start3A_29] : memref<10000x128xf32, #tpu.memory_space<hbm>> -> memref<10000x128xf32, #tpu.memory_space<hbm>>
    tpu.enqueue_indirect_dma source(%dma_start3A_30 : memref<10000x128xf32, #tpu.memory_space<hbm>>) target(%arg9 : memref<80x128xf32, #tpu.memory_space<vmem>>) offsets(%arg13 : memref<80xi32, #tpu.memory_space<vmem>>) semaphore(%arg25 : memref<!tpu.dma_semaphore, #tpu.memory_space<semaphore_mem>>)
    %add3A_31 = arith.constant 160 : i32
    %add3A_32 = arith.addi %mul3A_2, %add3A_31 : i32
    %dma_start3A_33 = tpu.memref_slice %arg3[%add3A_32] : memref<640000xi32, #tpu.memory_space<hbm>> -> memref<80xi32, #tpu.memory_space<hbm>>
    %dma_start3A_34 = tpu.memref_slice %arg3[%add3A_32] : memref<640000xi32, #tpu.memory_space<hbm>> -> memref<80xi32, #tpu.memory_space<hbm>>
    tpu.enqueue_dma source(%dma_start3A_34 : memref<80xi32, #tpu.memory_space<hbm>>) target(%arg14 : memref<80xi32, #tpu.memory_space<vmem>>) target_semaphore(%arg22 : memref<!tpu.dma_semaphore, #tpu.memory_space<semaphore_mem>>)
    %add3A_35 = arith.constant 320000 : i32
    %add3A_36 = arith.addi %add3A_35, %add3A_32 : i32
    %dma_start3A_37 = tpu.memref_slice %arg3[%add3A_36] : memref<640000xi32, #tpu.memory_space<hbm>> -> memref<80xi32, #tpu.memory_space<hbm>>
    %dma_start3A_38 = tpu.memref_slice %arg3[%add3A_36] : memref<640000xi32, #tpu.memory_space<hbm>> -> memref<80xi32, #tpu.memory_space<hbm>>
    tpu.enqueue_dma source(%dma_start3A_38 : memref<80xi32, #tpu.memory_space<hbm>>) target(%arg18 : memref<80xi32, #tpu.memory_space<vmem>>) target_semaphore(%arg22 : memref<!tpu.dma_semaphore, #tpu.memory_space<semaphore_mem>>)
    %add3A_39 = arith.constant 240 : i32
    %add3A_40 = arith.addi %mul3A_2, %add3A_39 : i32
    %dma_start3A_41 = tpu.memref_slice %arg3[%add3A_40] : memref<640000xi32, #tpu.memory_space<hbm>> -> memref<80xi32, #tpu.memory_space<hbm>>
    %dma_start3A_42 = tpu.memref_slice %arg3[%add3A_40] : memref<640000xi32, #tpu.memory_space<hbm>> -> memref<80xi32, #tpu.memory_space<hbm>>
    tpu.enqueue_dma source(%dma_start3A_42 : memref<80xi32, #tpu.memory_space<hbm>>) target(%arg15 : memref<80xi32, #tpu.memory_space<vmem>>) target_semaphore(%arg23 : memref<!tpu.dma_semaphore, #tpu.memory_space<semaphore_mem>>)
    %add3A_43 = arith.constant 320000 : i32
    %add3A_44 = arith.addi %add3A_43, %add3A_40 : i32
    %dma_start3A_45 = tpu.memref_slice %arg3[%add3A_44] : memref<640000xi32, #tpu.memory_space<hbm>> -> memref<80xi32, #tpu.memory_space<hbm>>
    %dma_start3A_46 = tpu.memref_slice %arg3[%add3A_44] : memref<640000xi32, #tpu.memory_space<hbm>> -> memref<80xi32, #tpu.memory_space<hbm>>
    tpu.enqueue_dma source(%dma_start3A_46 : memref<80xi32, #tpu.memory_space<hbm>>) target(%arg19 : memref<80xi32, #tpu.memory_space<vmem>>) target_semaphore(%arg23 : memref<!tpu.dma_semaphore, #tpu.memory_space<semaphore_mem>>)
    %dma_wait3A_47 = tpu.memref_slice %arg3[%add3A_32] : memref<640000xi32, #tpu.memory_space<hbm>> -> memref<80xi32, #tpu.memory_space<hbm>>
    %dma_wait3A_48 = tpu.memref_slice %arg3[%add3A_32] : memref<640000xi32, #tpu.memory_space<hbm>> -> memref<80xi32, #tpu.memory_space<hbm>>
    tpu.wait_dma2 semaphore(%arg22 : memref<!tpu.dma_semaphore, #tpu.memory_space<semaphore_mem>>) src(%dma_wait3A_48 : memref<80xi32, #tpu.memory_space<hbm>>) dst(%arg14 : memref<80xi32, #tpu.memory_space<vmem>>)
    %dma_wait3A_49 = tpu.memref_slice %arg3[%add3A_36] : memref<640000xi32, #tpu.memory_space<hbm>> -> memref<80xi32, #tpu.memory_space<hbm>>
    %dma_wait3A_50 = tpu.memref_slice %arg3[%add3A_36] : memref<640000xi32, #tpu.memory_space<hbm>> -> memref<80xi32, #tpu.memory_space<hbm>>
    tpu.wait_dma2 semaphore(%arg22 : memref<!tpu.dma_semaphore, #tpu.memory_space<semaphore_mem>>) src(%dma_wait3A_50 : memref<80xi32, #tpu.memory_space<hbm>>) dst(%arg18 : memref<80xi32, #tpu.memory_space<vmem>>)
    %dma_start3A_51 = arith.constant 0 : i32
    %dma_start3A_52 = arith.constant 0 : i32
    %dma_start3A_53 = tpu.memref_slice %arg2[%dma_start3A_51, %dma_start3A_52] : memref<10000x128xf32, #tpu.memory_space<hbm>> -> memref<10000x128xf32, #tpu.memory_space<hbm>>
    tpu.enqueue_indirect_dma source(%dma_start3A_53 : memref<10000x128xf32, #tpu.memory_space<hbm>>) target(%arg10 : memref<80x128xf32, #tpu.memory_space<vmem>>) offsets(%arg14 : memref<80xi32, #tpu.memory_space<vmem>>) semaphore(%arg26 : memref<!tpu.dma_semaphore, #tpu.memory_space<semaphore_mem>>)
    %dma_wait3A_54 = tpu.memref_slice %arg3[%add3A_40] : memref<640000xi32, #tpu.memory_space<hbm>> -> memref<80xi32, #tpu.memory_space<hbm>>
    %dma_wait3A_55 = tpu.memref_slice %arg3[%add3A_40] : memref<640000xi32, #tpu.memory_space<hbm>> -> memref<80xi32, #tpu.memory_space<hbm>>
    tpu.wait_dma2 semaphore(%arg23 : memref<!tpu.dma_semaphore, #tpu.memory_space<semaphore_mem>>) src(%dma_wait3A_55 : memref<80xi32, #tpu.memory_space<hbm>>) dst(%arg15 : memref<80xi32, #tpu.memory_space<vmem>>)
    %dma_wait3A_56 = tpu.memref_slice %arg3[%add3A_44] : memref<640000xi32, #tpu.memory_space<hbm>> -> memref<80xi32, #tpu.memory_space<hbm>>
    %dma_wait3A_57 = tpu.memref_slice %arg3[%add3A_44] : memref<640000xi32, #tpu.memory_space<hbm>> -> memref<80xi32, #tpu.memory_space<hbm>>
    tpu.wait_dma2 semaphore(%arg23 : memref<!tpu.dma_semaphore, #tpu.memory_space<semaphore_mem>>) src(%dma_wait3A_57 : memref<80xi32, #tpu.memory_space<hbm>>) dst(%arg19 : memref<80xi32, #tpu.memory_space<vmem>>)
    %dma_start3A_58 = arith.constant 0 : i32
    %dma_start3A_59 = arith.constant 0 : i32
    %dma_start3A_60 = tpu.memref_slice %arg2[%dma_start3A_58, %dma_start3A_59] : memref<10000x128xf32, #tpu.memory_space<hbm>> -> memref<10000x128xf32, #tpu.memory_space<hbm>>
    tpu.enqueue_indirect_dma source(%dma_start3A_60 : memref<10000x128xf32, #tpu.memory_space<hbm>>) target(%arg11 : memref<80x128xf32, #tpu.memory_space<vmem>>) offsets(%arg15 : memref<80xi32, #tpu.memory_space<vmem>>) semaphore(%arg27 : memref<!tpu.dma_semaphore, #tpu.memory_space<semaphore_mem>>)
    %broadcast_in_dim3A = arith.constant 0.000000e+00 : f32
    %broadcast_in_dim3A_61 = vector.broadcast %broadcast_in_dim3A : f32 to vector<16xf32>
    %scan3A = arith.constant 0 : i32
    %scan3A_62 = arith.constant 0 : i32
    %scan3A_63 = arith.constant 256 : i32
    %scan3A_64 = arith.addi %scan3A_62, %scan3A_63 : i32
    %scan3A_65 = arith.constant 1 : i32
    %scan3A_66 = scf.for %scan3A_479 = %scan3A_62 to %scan3A_64 step %scan3A_65 iter_args(%scan3A_480 = %scan3A) -> (i32)  : i32 {
      %jit3A = arith.constant 8 : i32
      %div3A = arith.divsi %scan3A_479, %jit3A : i32
      %sign3A = arith.constant 0 : i32
      %sign3A_481 = arith.cmpi sgt, %scan3A_479, %sign3A : i32
      %sign3A_482 = arith.extui %sign3A_481 : i1 to i32
      %sign3A_483 = arith.constant 0 : i32
      %sign3A_484 = arith.cmpi slt, %scan3A_479, %sign3A_483 : i32
      %sign3A_485 = arith.extui %sign3A_484 : i1 to i32
      %sign3A_486 = arith.subi %sign3A_482, %sign3A_485 : i32
      %sign3A_487 = arith.constant 0 : i32
      %sign3A_488 = arith.cmpi sgt, %jit3A, %sign3A_487 : i32
      %sign3A_489 = arith.extui %sign3A_488 : i1 to i32
      %sign3A_490 = arith.constant 0 : i32
      %sign3A_491 = arith.cmpi slt, %jit3A, %sign3A_490 : i32
      %sign3A_492 = arith.extui %sign3A_491 : i1 to i32
      %sign3A_493 = arith.subi %sign3A_489, %sign3A_492 : i32
      %ne3A = arith.cmpi ne, %sign3A_486, %sign3A_493 : i32
      %rem3A = arith.remsi %scan3A_479, %jit3A : i32
      %ne3A_494 = arith.constant 0 : i32
      %ne3A_495 = arith.cmpi ne, %rem3A, %ne3A_494 : i32
      %and3A = arith.andi %ne3A, %ne3A_495 : i1
      %sub3A = arith.constant 1 : i32
      %sub3A_496 = arith.subi %div3A, %sub3A : i32
      %select_n3A = arith.select %and3A, %sub3A_496, %div3A : i32
      %jit3A_497 = arith.constant 8 : i32
      %eq3A = arith.constant 0 : i32
      %eq3A_498 = arith.cmpi eq, %jit3A_497, %eq3A : i32
      %jit3A_499 = arith.constant 1 : i32
      %select_n3A_500 = arith.select %eq3A_498, %jit3A_499, %jit3A_497 : i32
      %rem3A_501 = arith.remsi %scan3A_479, %select_n3A_500 : i32
      %ne3A_502 = arith.constant 0 : i32
      %ne3A_503 = arith.cmpi ne, %rem3A_501, %ne3A_502 : i32
      %lt3A = arith.constant 0 : i32
      %lt3A_504 = arith.cmpi slt, %rem3A_501, %lt3A : i32
      %lt3A_505 = arith.constant 0 : i32
      %lt3A_506 = arith.cmpi slt, %select_n3A_500, %lt3A_505 : i32
      %ne3A_507 = arith.xori %lt3A_504, %lt3A_506 : i1
      %and3A_508 = arith.andi %ne3A_507, %ne3A_503 : i1
      %add3A_509 = arith.addi %rem3A_501, %select_n3A_500 : i32
      %select_n3A_510 = arith.select %and3A_508, %add3A_509, %rem3A_501 : i32
      %mul3A_511 = arith.constant 16 : i32
      %mul3A_512 = arith.muli %select_n3A_510, %mul3A_511 : i32
      %swap3A_513 = arith.index_cast %select_n3A : i32 to index
      %swap3A_514 = arith.index_cast %mul3A_512 : i32 to index
      %swap3A_515 = tpu.vector_load %arg7[%swap3A_513, %swap3A_514] {strides = array<i32>} : memref<32x128xf32, #tpu.memory_space<vmem>>, vector<1x16xf32>,
      %swap3A_516 = vector.shape_cast %swap3A_515 : vector<1x16xf32> to vector<16xf32>
      %swap3A_517 = vector.shape_cast %broadcast_in_dim3A_61 : vector<16xf32> to vector<1x16xf32>
      tpu.vector_store %arg7[%swap3A_513, %swap3A_514], %swap3A_517 {strides = array<i32>} : memref<32x128xf32, #tpu.memory_space<vmem>>, vector<1x16xf32>,
      %scan3A_518 = arith.constant 0 : i32
      scf.yield %scan3A_518 : i32
    }
    %scan3A_67 = arith.constant 256 : i32
    %scan3A_68 = arith.constant 0 : i32
    %scan3A_69 = arith.constant 0 : i32
    %scan3A_70 = arith.constant 40 : i32
    %scan3A_71 = arith.addi %scan3A_69, %scan3A_70 : i32
    %scan3A_72 = arith.constant 1 : i32
    %scan3A_73 = scf.for %scan3A_479 = %scan3A_69 to %scan3A_71 step %scan3A_72 iter_args(%scan3A_480 = %scan3A_68) -> (i32)  : i32 {
      %mul3A_481 = arith.constant 16 : i32
      %mul3A_482 = arith.muli %scan3A_479, %mul3A_481 : i32
      %swap3A_483 = arith.index_cast %mul3A_482 : i32 to index
      %swap3A_484 = tpu.vector_load %arg33[%swap3A_483] {strides = array<i32>} : memref<640xf32, #tpu.memory_space<vmem>>, vector<16xf32>,
      %swap3A_485 = vector.shape_cast %swap3A_484 : vector<16xf32> to vector<16xf32>
      %swap3A_486 = vector.shape_cast %broadcast_in_dim3A_61 : vector<16xf32> to vector<16xf32>
      tpu.vector_store %arg33[%swap3A_483], %swap3A_486 {strides = array<i32>} : memref<640xf32, #tpu.memory_space<vmem>>, vector<16xf32>,
      %scan3A_487 = arith.constant 0 : i32
      scf.yield %scan3A_487 : i32
    }
    %scan3A_74 = arith.constant 40 : i32
    %broadcast_in_dim3A_75 = arith.constant 1.000000e+00 : f32
    %broadcast_in_dim3A_76 = vector.broadcast %broadcast_in_dim3A_75 : f32 to vector<16xf32>
    %swap3A = arith.constant 0 : index
    %swap3A_77 = tpu.vector_load %arg34[%swap3A] {strides = array<i32>} : memref<80xf32, #tpu.memory_space<vmem>>, vector<16xf32>,
    %swap3A_78 = vector.shape_cast %swap3A_77 : vector<16xf32> to vector<16xf32>
    %swap3A_79 = vector.shape_cast %broadcast_in_dim3A_76 : vector<16xf32> to vector<16xf32>
    tpu.vector_store %arg34[%swap3A], %swap3A_79 {strides = array<i32>} : memref<80xf32, #tpu.memory_space<vmem>>, vector<16xf32>,
    %swap3A_80 = arith.constant 16 : index
    %swap3A_81 = tpu.vector_load %arg34[%swap3A_80] {strides = array<i32>} : memref<80xf32, #tpu.memory_space<vmem>>, vector<16xf32>,
    %swap3A_82 = vector.shape_cast %swap3A_81 : vector<16xf32> to vector<16xf32>
    %swap3A_83 = vector.shape_cast %broadcast_in_dim3A_76 : vector<16xf32> to vector<16xf32>
    tpu.vector_store %arg34[%swap3A_80], %swap3A_83 {strides = array<i32>} : memref<80xf32, #tpu.memory_space<vmem>>, vector<16xf32>,
    %swap3A_84 = arith.constant 32 : index
    %swap3A_85 = tpu.vector_load %arg34[%swap3A_84] {strides = array<i32>} : memref<80xf32, #tpu.memory_space<vmem>>, vector<16xf32>,
    %swap3A_86 = vector.shape_cast %swap3A_85 : vector<16xf32> to vector<16xf32>
    %swap3A_87 = vector.shape_cast %broadcast_in_dim3A_76 : vector<16xf32> to vector<16xf32>
    tpu.vector_store %arg34[%swap3A_84], %swap3A_87 {strides = array<i32>} : memref<80xf32, #tpu.memory_space<vmem>>, vector<16xf32>,
    %swap3A_88 = arith.constant 48 : index
    %swap3A_89 = tpu.vector_load %arg34[%swap3A_88] {strides = array<i32>} : memref<80xf32, #tpu.memory_space<vmem>>, vector<16xf32>,
    %swap3A_90 = vector.shape_cast %swap3A_89 : vector<16xf32> to vector<16xf32>
    %swap3A_91 = vector.shape_cast %broadcast_in_dim3A_76 : vector<16xf32> to vector<16xf32>
    tpu.vector_store %arg34[%swap3A_88], %swap3A_91 {strides = array<i32>} : memref<80xf32, #tpu.memory_space<vmem>>, vector<16xf32>,
    %swap3A_92 = arith.constant 64 : index
    %swap3A_93 = tpu.vector_load %arg34[%swap3A_92] {strides = array<i32>} : memref<80xf32, #tpu.memory_space<vmem>>, vector<16xf32>,
    %swap3A_94 = vector.shape_cast %swap3A_93 : vector<16xf32> to vector<16xf32>
    %swap3A_95 = vector.shape_cast %broadcast_in_dim3A_76 : vector<16xf32> to vector<16xf32>
    tpu.vector_store %arg34[%swap3A_92], %swap3A_95 {strides = array<i32>} : memref<80xf32, #tpu.memory_space<vmem>>, vector<16xf32>,
    %mul3A_96 = arith.constant 624 : i32
    %mul3A_97 = arith.muli %arg1, %mul3A_96 : i32
    %add3A_98 = arith.constant 0 : i32
    %add3A_99 = arith.addi %mul3A_97, %add3A_98 : i32
    %dma_start3A_100 = arith.constant 0 : i32
    %dma_start3A_101 = tpu.memref_slice %arg6[%add3A_99, %dma_start3A_100] : memref<10000x128xf32, #tpu.memory_space<vmem_shared>> -> memref<32x128xf32, #tpu.memory_space<vmem_shared>>
    %dma_start3A_102 = arith.constant 0 : i32
    %dma_start3A_103 = tpu.memref_slice %arg6[%add3A_99, %dma_start3A_102] : memref<10000x128xf32, #tpu.memory_space<vmem_shared>> -> memref<32x128xf32, #tpu.memory_space<vmem_shared>>
    tpu.enqueue_dma source(%arg7 : memref<32x128xf32, #tpu.memory_space<vmem>>) target(%dma_start3A_103 : memref<32x128xf32, #tpu.memory_space<vmem_shared>>) target_semaphore(%arg28 : memref<!tpu.dma_semaphore, #tpu.memory_space<semaphore_mem>>)
    %mul3A_104 = arith.constant 624 : i32
    %mul3A_105 = arith.muli %arg1, %mul3A_104 : i32
    %add3A_106 = arith.constant 32 : i32
    %add3A_107 = arith.addi %mul3A_105, %add3A_106 : i32
    %dma_start3A_108 = arith.constant 0 : i32
    %dma_start3A_109 = tpu.memref_slice %arg6[%add3A_107, %dma_start3A_108] : memref<10000x128xf32, #tpu.memory_space<vmem_shared>> -> memref<32x128xf32, #tpu.memory_space<vmem_shared>>
    %dma_start3A_110 = arith.constant 0 : i32
    %dma_start3A_111 = tpu.memref_slice %arg6[%add3A_107, %dma_start3A_110] : memref<10000x128xf32, #tpu.memory_space<vmem_shared>> -> memref<32x128xf32, #tpu.memory_space<vmem_shared>>
    tpu.enqueue_dma source(%arg7 : memref<32x128xf32, #tpu.memory_space<vmem>>) target(%dma_start3A_111 : memref<32x128xf32, #tpu.memory_space<vmem_shared>>) target_semaphore(%arg28 : memref<!tpu.dma_semaphore, #tpu.memory_space<semaphore_mem>>)
    %mul3A_112 = arith.constant 624 : i32
    %mul3A_113 = arith.muli %arg1, %mul3A_112 : i32
    %add3A_114 = arith.constant 64 : i32
    %add3A_115 = arith.addi %mul3A_113, %add3A_114 : i32
    %dma_start3A_116 = arith.constant 0 : i32
    %dma_start3A_117 = tpu.memref_slice %arg6[%add3A_115, %dma_start3A_116] : memref<10000x128xf32, #tpu.memory_space<vmem_shared>> -> memref<32x128xf32, #tpu.memory_space<vmem_shared>>
    %dma_start3A_118 = arith.constant 0 : i32
    %dma_start3A_119 = tpu.memref_slice %arg6[%add3A_115, %dma_start3A_118] : memref<10000x128xf32, #tpu.memory_space<vmem_shared>> -> memref<32x128xf32, #tpu.memory_space<vmem_shared>>
    tpu.enqueue_dma source(%arg7 : memref<32x128xf32, #tpu.memory_space<vmem>>) target(%dma_start3A_119 : memref<32x128xf32, #tpu.memory_space<vmem_shared>>) target_semaphore(%arg28 : memref<!tpu.dma_semaphore, #tpu.memory_space<semaphore_mem>>)
    %mul3A_120 = arith.constant 624 : i32
    %mul3A_121 = arith.muli %arg1, %mul3A_120 : i32
    %add3A_122 = arith.constant 96 : i32
    %add3A_123 = arith.addi %mul3A_121, %add3A_122 : i32
    %dma_start3A_124 = arith.constant 0 : i32
    %dma_start3A_125 = tpu.memref_slice %arg6[%add3A_123, %dma_start3A_124] : memref<10000x128xf32, #tpu.memory_space<vmem_shared>> -> memref<32x128xf32, #tpu.memory_space<vmem_shared>>
    %dma_start3A_126 = arith.constant 0 : i32
    %dma_start3A_127 = tpu.memref_slice %arg6[%add3A_123, %dma_start3A_126] : memref<10000x128xf32, #tpu.memory_space<vmem_shared>> -> memref<32x128xf32, #tpu.memory_space<vmem_shared>>
    tpu.enqueue_dma source(%arg7 : memref<32x128xf32, #tpu.memory_space<vmem>>) target(%dma_start3A_127 : memref<32x128xf32, #tpu.memory_space<vmem_shared>>) target_semaphore(%arg28 : memref<!tpu.dma_semaphore, #tpu.memory_space<semaphore_mem>>)
    %mul3A_128 = arith.constant 624 : i32
    %mul3A_129 = arith.muli %arg1, %mul3A_128 : i32
    %add3A_130 = arith.constant 128 : i32
    %add3A_131 = arith.addi %mul3A_129, %add3A_130 : i32
    %dma_start3A_132 = arith.constant 0 : i32
    %dma_start3A_133 = tpu.memref_slice %arg6[%add3A_131, %dma_start3A_132] : memref<10000x128xf32, #tpu.memory_space<vmem_shared>> -> memref<32x128xf32, #tpu.memory_space<vmem_shared>>
    %dma_start3A_134 = arith.constant 0 : i32
    %dma_start3A_135 = tpu.memref_slice %arg6[%add3A_131, %dma_start3A_134] : memref<10000x128xf32, #tpu.memory_space<vmem_shared>> -> memref<32x128xf32, #tpu.memory_space<vmem_shared>>
    tpu.enqueue_dma source(%arg7 : memref<32x128xf32, #tpu.memory_space<vmem>>) target(%dma_start3A_135 : memref<32x128xf32, #tpu.memory_space<vmem_shared>>) target_semaphore(%arg28 : memref<!tpu.dma_semaphore, #tpu.memory_space<semaphore_mem>>)
    %mul3A_136 = arith.constant 624 : i32
    %mul3A_137 = arith.muli %arg1, %mul3A_136 : i32
    %add3A_138 = arith.constant 160 : i32
    %add3A_139 = arith.addi %mul3A_137, %add3A_138 : i32
    %dma_start3A_140 = arith.constant 0 : i32
    %dma_start3A_141 = tpu.memref_slice %arg6[%add3A_139, %dma_start3A_140] : memref<10000x128xf32, #tpu.memory_space<vmem_shared>> -> memref<32x128xf32, #tpu.memory_space<vmem_shared>>
    %dma_start3A_142 = arith.constant 0 : i32
    %dma_start3A_143 = tpu.memref_slice %arg6[%add3A_139, %dma_start3A_142] : memref<10000x128xf32, #tpu.memory_space<vmem_shared>> -> memref<32x128xf32, #tpu.memory_space<vmem_shared>>
    tpu.enqueue_dma source(%arg7 : memref<32x128xf32, #tpu.memory_space<vmem>>) target(%dma_start3A_143 : memref<32x128xf32, #tpu.memory_space<vmem_shared>>) target_semaphore(%arg28 : memref<!tpu.dma_semaphore, #tpu.memory_space<semaphore_mem>>)
    %mul3A_144 = arith.constant 624 : i32
    %mul3A_145 = arith.muli %arg1, %mul3A_144 : i32
    %add3A_146 = arith.constant 192 : i32
    %add3A_147 = arith.addi %mul3A_145, %add3A_146 : i32
    %dma_start3A_148 = arith.constant 0 : i32
    %dma_start3A_149 = tpu.memref_slice %arg6[%add3A_147, %dma_start3A_148] : memref<10000x128xf32, #tpu.memory_space<vmem_shared>> -> memref<32x128xf32, #tpu.memory_space<vmem_shared>>
    %dma_start3A_150 = arith.constant 0 : i32
    %dma_start3A_151 = tpu.memref_slice %arg6[%add3A_147, %dma_start3A_150] : memref<10000x128xf32, #tpu.memory_space<vmem_shared>> -> memref<32x128xf32, #tpu.memory_space<vmem_shared>>
    tpu.enqueue_dma source(%arg7 : memref<32x128xf32, #tpu.memory_space<vmem>>) target(%dma_start3A_151 : memref<32x128xf32, #tpu.memory_space<vmem_shared>>) target_semaphore(%arg28 : memref<!tpu.dma_semaphore, #tpu.memory_space<semaphore_mem>>)
    %mul3A_152 = arith.constant 624 : i32
    %mul3A_153 = arith.muli %arg1, %mul3A_152 : i32
    %add3A_154 = arith.constant 224 : i32
    %add3A_155 = arith.addi %mul3A_153, %add3A_154 : i32
    %dma_start3A_156 = arith.constant 0 : i32
    %dma_start3A_157 = tpu.memref_slice %arg6[%add3A_155, %dma_start3A_156] : memref<10000x128xf32, #tpu.memory_space<vmem_shared>> -> memref<32x128xf32, #tpu.memory_space<vmem_shared>>
    %dma_start3A_158 = arith.constant 0 : i32
    %dma_start3A_159 = tpu.memref_slice %arg6[%add3A_155, %dma_start3A_158] : memref<10000x128xf32, #tpu.memory_space<vmem_shared>> -> memref<32x128xf32, #tpu.memory_space<vmem_shared>>
    tpu.enqueue_dma source(%arg7 : memref<32x128xf32, #tpu.memory_space<vmem>>) target(%dma_start3A_159 : memref<32x128xf32, #tpu.memory_space<vmem_shared>>) target_semaphore(%arg28 : memref<!tpu.dma_semaphore, #tpu.memory_space<semaphore_mem>>)
    %mul3A_160 = arith.constant 624 : i32
    %mul3A_161 = arith.muli %arg1, %mul3A_160 : i32
    %add3A_162 = arith.constant 256 : i32
    %add3A_163 = arith.addi %mul3A_161, %add3A_162 : i32
    %dma_start3A_164 = arith.constant 0 : i32
    %dma_start3A_165 = tpu.memref_slice %arg6[%add3A_163, %dma_start3A_164] : memref<10000x128xf32, #tpu.memory_space<vmem_shared>> -> memref<32x128xf32, #tpu.memory_space<vmem_shared>>
    %dma_start3A_166 = arith.constant 0 : i32
    %dma_start3A_167 = tpu.memref_slice %arg6[%add3A_163, %dma_start3A_166] : memref<10000x128xf32, #tpu.memory_space<vmem_shared>> -> memref<32x128xf32, #tpu.memory_space<vmem_shared>>
    tpu.enqueue_dma source(%arg7 : memref<32x128xf32, #tpu.memory_space<vmem>>) target(%dma_start3A_167 : memref<32x128xf32, #tpu.memory_space<vmem_shared>>) target_semaphore(%arg28 : memref<!tpu.dma_semaphore, #tpu.memory_space<semaphore_mem>>)
    %mul3A_168 = arith.constant 624 : i32
    %mul3A_169 = arith.muli %arg1, %mul3A_168 : i32
    %add3A_170 = arith.constant 288 : i32
    %add3A_171 = arith.addi %mul3A_169, %add3A_170 : i32
    %dma_start3A_172 = arith.constant 0 : i32
    %dma_start3A_173 = tpu.memref_slice %arg6[%add3A_171, %dma_start3A_172] : memref<10000x128xf32, #tpu.memory_space<vmem_shared>> -> memref<32x128xf32, #tpu.memory_space<vmem_shared>>
    %dma_start3A_174 = arith.constant 0 : i32
    %dma_start3A_175 = tpu.memref_slice %arg6[%add3A_171, %dma_start3A_174] : memref<10000x128xf32, #tpu.memory_space<vmem_shared>> -> memref<32x128xf32, #tpu.memory_space<vmem_shared>>
    tpu.enqueue_dma source(%arg7 : memref<32x128xf32, #tpu.memory_space<vmem>>) target(%dma_start3A_175 : memref<32x128xf32, #tpu.memory_space<vmem_shared>>) target_semaphore(%arg28 : memref<!tpu.dma_semaphore, #tpu.memory_space<semaphore_mem>>)
    %mul3A_176 = arith.constant 624 : i32
    %mul3A_177 = arith.muli %arg1, %mul3A_176 : i32
    %add3A_178 = arith.constant 320 : i32
    %add3A_179 = arith.addi %mul3A_177, %add3A_178 : i32
    %dma_start3A_180 = arith.constant 0 : i32
    %dma_start3A_181 = tpu.memref_slice %arg6[%add3A_179, %dma_start3A_180] : memref<10000x128xf32, #tpu.memory_space<vmem_shared>> -> memref<32x128xf32, #tpu.memory_space<vmem_shared>>
    %dma_start3A_182 = arith.constant 0 : i32
    %dma_start3A_183 = tpu.memref_slice %arg6[%add3A_179, %dma_start3A_182] : memref<10000x128xf32, #tpu.memory_space<vmem_shared>> -> memref<32x128xf32, #tpu.memory_space<vmem_shared>>
    tpu.enqueue_dma source(%arg7 : memref<32x128xf32, #tpu.memory_space<vmem>>) target(%dma_start3A_183 : memref<32x128xf32, #tpu.memory_space<vmem_shared>>) target_semaphore(%arg28 : memref<!tpu.dma_semaphore, #tpu.memory_space<semaphore_mem>>)
    %mul3A_184 = arith.constant 624 : i32
    %mul3A_185 = arith.muli %arg1, %mul3A_184 : i32
    %add3A_186 = arith.constant 352 : i32
    %add3A_187 = arith.addi %mul3A_185, %add3A_186 : i32
    %dma_start3A_188 = arith.constant 0 : i32
    %dma_start3A_189 = tpu.memref_slice %arg6[%add3A_187, %dma_start3A_188] : memref<10000x128xf32, #tpu.memory_space<vmem_shared>> -> memref<32x128xf32, #tpu.memory_space<vmem_shared>>
    %dma_start3A_190 = arith.constant 0 : i32
    %dma_start3A_191 = tpu.memref_slice %arg6[%add3A_187, %dma_start3A_190] : memref<10000x128xf32, #tpu.memory_space<vmem_shared>> -> memref<32x128xf32, #tpu.memory_space<vmem_shared>>
    tpu.enqueue_dma source(%arg7 : memref<32x128xf32, #tpu.memory_space<vmem>>) target(%dma_start3A_191 : memref<32x128xf32, #tpu.memory_space<vmem_shared>>) target_semaphore(%arg28 : memref<!tpu.dma_semaphore, #tpu.memory_space<semaphore_mem>>)
    %mul3A_192 = arith.constant 624 : i32
    %mul3A_193 = arith.muli %arg1, %mul3A_192 : i32
    %add3A_194 = arith.constant 384 : i32
    %add3A_195 = arith.addi %mul3A_193, %add3A_194 : i32
    %dma_start3A_196 = arith.constant 0 : i32
    %dma_start3A_197 = tpu.memref_slice %arg6[%add3A_195, %dma_start3A_196] : memref<10000x128xf32, #tpu.memory_space<vmem_shared>> -> memref<32x128xf32, #tpu.memory_space<vmem_shared>>
    %dma_start3A_198 = arith.constant 0 : i32
    %dma_start3A_199 = tpu.memref_slice %arg6[%add3A_195, %dma_start3A_198] : memref<10000x128xf32, #tpu.memory_space<vmem_shared>> -> memref<32x128xf32, #tpu.memory_space<vmem_shared>>
    tpu.enqueue_dma source(%arg7 : memref<32x128xf32, #tpu.memory_space<vmem>>) target(%dma_start3A_199 : memref<32x128xf32, #tpu.memory_space<vmem_shared>>) target_semaphore(%arg28 : memref<!tpu.dma_semaphore, #tpu.memory_space<semaphore_mem>>)
    %mul3A_200 = arith.constant 624 : i32
    %mul3A_201 = arith.muli %arg1, %mul3A_200 : i32
    %add3A_202 = arith.constant 416 : i32
    %add3A_203 = arith.addi %mul3A_201, %add3A_202 : i32
    %dma_start3A_204 = arith.constant 0 : i32
    %dma_start3A_205 = tpu.memref_slice %arg6[%add3A_203, %dma_start3A_204] : memref<10000x128xf32, #tpu.memory_space<vmem_shared>> -> memref<32x128xf32, #tpu.memory_space<vmem_shared>>
    %dma_start3A_206 = arith.constant 0 : i32
    %dma_start3A_207 = tpu.memref_slice %arg6[%add3A_203, %dma_start3A_206] : memref<10000x128xf32, #tpu.memory_space<vmem_shared>> -> memref<32x128xf32, #tpu.memory_space<vmem_shared>>
    tpu.enqueue_dma source(%arg7 : memref<32x128xf32, #tpu.memory_space<vmem>>) target(%dma_start3A_207 : memref<32x128xf32, #tpu.memory_space<vmem_shared>>) target_semaphore(%arg28 : memref<!tpu.dma_semaphore, #tpu.memory_space<semaphore_mem>>)
    %mul3A_208 = arith.constant 624 : i32
    %mul3A_209 = arith.muli %arg1, %mul3A_208 : i32
    %add3A_210 = arith.constant 448 : i32
    %add3A_211 = arith.addi %mul3A_209, %add3A_210 : i32
    %dma_start3A_212 = arith.constant 0 : i32
    %dma_start3A_213 = tpu.memref_slice %arg6[%add3A_211, %dma_start3A_212] : memref<10000x128xf32, #tpu.memory_space<vmem_shared>> -> memref<32x128xf32, #tpu.memory_space<vmem_shared>>
    %dma_start3A_214 = arith.constant 0 : i32
    %dma_start3A_215 = tpu.memref_slice %arg6[%add3A_211, %dma_start3A_214] : memref<10000x128xf32, #tpu.memory_space<vmem_shared>> -> memref<32x128xf32, #tpu.memory_space<vmem_shared>>
    tpu.enqueue_dma source(%arg7 : memref<32x128xf32, #tpu.memory_space<vmem>>) target(%dma_start3A_215 : memref<32x128xf32, #tpu.memory_space<vmem_shared>>) target_semaphore(%arg28 : memref<!tpu.dma_semaphore, #tpu.memory_space<semaphore_mem>>)
    %mul3A_216 = arith.constant 624 : i32
    %mul3A_217 = arith.muli %arg1, %mul3A_216 : i32
    %add3A_218 = arith.constant 480 : i32
    %add3A_219 = arith.addi %mul3A_217, %add3A_218 : i32
    %dma_start3A_220 = arith.constant 0 : i32
    %dma_start3A_221 = tpu.memref_slice %arg6[%add3A_219, %dma_start3A_220] : memref<10000x128xf32, #tpu.memory_space<vmem_shared>> -> memref<32x128xf32, #tpu.memory_space<vmem_shared>>
    %dma_start3A_222 = arith.constant 0 : i32
    %dma_start3A_223 = tpu.memref_slice %arg6[%add3A_219, %dma_start3A_222] : memref<10000x128xf32, #tpu.memory_space<vmem_shared>> -> memref<32x128xf32, #tpu.memory_space<vmem_shared>>
    tpu.enqueue_dma source(%arg7 : memref<32x128xf32, #tpu.memory_space<vmem>>) target(%dma_start3A_223 : memref<32x128xf32, #tpu.memory_space<vmem_shared>>) target_semaphore(%arg28 : memref<!tpu.dma_semaphore, #tpu.memory_space<semaphore_mem>>)
    %mul3A_224 = arith.constant 624 : i32
    %mul3A_225 = arith.muli %arg1, %mul3A_224 : i32
    %add3A_226 = arith.constant 512 : i32
    %add3A_227 = arith.addi %mul3A_225, %add3A_226 : i32
    %dma_start3A_228 = arith.constant 0 : i32
    %dma_start3A_229 = tpu.memref_slice %arg6[%add3A_227, %dma_start3A_228] : memref<10000x128xf32, #tpu.memory_space<vmem_shared>> -> memref<32x128xf32, #tpu.memory_space<vmem_shared>>
    %dma_start3A_230 = arith.constant 0 : i32
    %dma_start3A_231 = tpu.memref_slice %arg6[%add3A_227, %dma_start3A_230] : memref<10000x128xf32, #tpu.memory_space<vmem_shared>> -> memref<32x128xf32, #tpu.memory_space<vmem_shared>>
    tpu.enqueue_dma source(%arg7 : memref<32x128xf32, #tpu.memory_space<vmem>>) target(%dma_start3A_231 : memref<32x128xf32, #tpu.memory_space<vmem_shared>>) target_semaphore(%arg28 : memref<!tpu.dma_semaphore, #tpu.memory_space<semaphore_mem>>)
    %mul3A_232 = arith.constant 624 : i32
    %mul3A_233 = arith.muli %arg1, %mul3A_232 : i32
    %add3A_234 = arith.constant 544 : i32
    %add3A_235 = arith.addi %mul3A_233, %add3A_234 : i32
    %dma_start3A_236 = arith.constant 0 : i32
    %dma_start3A_237 = tpu.memref_slice %arg6[%add3A_235, %dma_start3A_236] : memref<10000x128xf32, #tpu.memory_space<vmem_shared>> -> memref<32x128xf32, #tpu.memory_space<vmem_shared>>
    %dma_start3A_238 = arith.constant 0 : i32
    %dma_start3A_239 = tpu.memref_slice %arg6[%add3A_235, %dma_start3A_238] : memref<10000x128xf32, #tpu.memory_space<vmem_shared>> -> memref<32x128xf32, #tpu.memory_space<vmem_shared>>
    tpu.enqueue_dma source(%arg7 : memref<32x128xf32, #tpu.memory_space<vmem>>) target(%dma_start3A_239 : memref<32x128xf32, #tpu.memory_space<vmem_shared>>) target_semaphore(%arg28 : memref<!tpu.dma_semaphore, #tpu.memory_space<semaphore_mem>>)
    %mul3A_240 = arith.constant 624 : i32
    %mul3A_241 = arith.muli %arg1, %mul3A_240 : i32
    %add3A_242 = arith.constant 576 : i32
    %add3A_243 = arith.addi %mul3A_241, %add3A_242 : i32
    %dma_start3A_244 = arith.constant 0 : i32
    %dma_start3A_245 = tpu.memref_slice %arg6[%add3A_243, %dma_start3A_244] : memref<10000x128xf32, #tpu.memory_space<vmem_shared>> -> memref<32x128xf32, #tpu.memory_space<vmem_shared>>
    %dma_start3A_246 = arith.constant 0 : i32
    %dma_start3A_247 = tpu.memref_slice %arg6[%add3A_243, %dma_start3A_246] : memref<10000x128xf32, #tpu.memory_space<vmem_shared>> -> memref<32x128xf32, #tpu.memory_space<vmem_shared>>
    tpu.enqueue_dma source(%arg7 : memref<32x128xf32, #tpu.memory_space<vmem>>) target(%dma_start3A_247 : memref<32x128xf32, #tpu.memory_space<vmem_shared>>) target_semaphore(%arg28 : memref<!tpu.dma_semaphore, #tpu.memory_space<semaphore_mem>>)
    %mul3A_248 = arith.constant 624 : i32
    %mul3A_249 = arith.muli %arg1, %mul3A_248 : i32
    %add3A_250 = arith.constant 608 : i32
    %add3A_251 = arith.addi %mul3A_249, %add3A_250 : i32
    %dma_start3A_252 = arith.constant 0 : i32
    %dma_start3A_253 = tpu.memref_slice %arg6[%add3A_251, %dma_start3A_252] : memref<10000x128xf32, #tpu.memory_space<vmem_shared>> -> memref<32x128xf32, #tpu.memory_space<vmem_shared>>
    %dma_start3A_254 = arith.constant 0 : i32
    %dma_start3A_255 = tpu.memref_slice %arg6[%add3A_251, %dma_start3A_254] : memref<10000x128xf32, #tpu.memory_space<vmem_shared>> -> memref<32x128xf32, #tpu.memory_space<vmem_shared>>
    tpu.enqueue_dma source(%arg7 : memref<32x128xf32, #tpu.memory_space<vmem>>) target(%dma_start3A_255 : memref<32x128xf32, #tpu.memory_space<vmem_shared>>) target_semaphore(%arg28 : memref<!tpu.dma_semaphore, #tpu.memory_space<semaphore_mem>>)
    %mul3A_256 = arith.constant 624 : i32
    %mul3A_257 = arith.muli %arg1, %mul3A_256 : i32
    %dma_start3A_258 = tpu.memref_slice %arg32[%mul3A_257] : memref<10000xf32, #tpu.memory_space<vmem_shared>> -> memref<640xf32, #tpu.memory_space<vmem_shared>>
    %dma_start3A_259 = tpu.memref_slice %arg32[%mul3A_257] : memref<10000xf32, #tpu.memory_space<vmem_shared>> -> memref<640xf32, #tpu.memory_space<vmem_shared>>
    tpu.enqueue_dma source(%arg33 : memref<640xf32, #tpu.memory_space<vmem>>) target(%dma_start3A_259 : memref<640xf32, #tpu.memory_space<vmem_shared>>) target_semaphore(%arg29 : memref<!tpu.dma_semaphore, #tpu.memory_space<semaphore_mem>>)
    %dma_wait3A_260 = arith.constant 0 : i32
    %dma_wait3A_261 = tpu.memref_slice %arg6[%add3A_99, %dma_wait3A_260] : memref<10000x128xf32, #tpu.memory_space<vmem_shared>> -> memref<32x128xf32, #tpu.memory_space<vmem_shared>>
    %dma_wait3A_262 = arith.constant 0 : i32
    %dma_wait3A_263 = tpu.memref_slice %arg6[%add3A_99, %dma_wait3A_262] : memref<10000x128xf32, #tpu.memory_space<vmem_shared>> -> memref<32x128xf32, #tpu.memory_space<vmem_shared>>
    tpu.wait_dma2 semaphore(%arg28 : memref<!tpu.dma_semaphore, #tpu.memory_space<semaphore_mem>>) src(%arg7 : memref<32x128xf32, #tpu.memory_space<vmem>>) dst(%dma_wait3A_263 : memref<32x128xf32, #tpu.memory_space<vmem_shared>>)
    %dma_wait3A_264 = arith.constant 0 : i32
    %dma_wait3A_265 = tpu.memref_slice %arg6[%add3A_107, %dma_wait3A_264] : memref<10000x128xf32, #tpu.memory_space<vmem_shared>> -> memref<32x128xf32, #tpu.memory_space<vmem_shared>>
    %dma_wait3A_266 = arith.constant 0 : i32
    %dma_wait3A_267 = tpu.memref_slice %arg6[%add3A_107, %dma_wait3A_266] : memref<10000x128xf32, #tpu.memory_space<vmem_shared>> -> memref<32x128xf32, #tpu.memory_space<vmem_shared>>
    tpu.wait_dma2 semaphore(%arg28 : memref<!tpu.dma_semaphore, #tpu.memory_space<semaphore_mem>>) src(%arg7 : memref<32x128xf32, #tpu.memory_space<vmem>>) dst(%dma_wait3A_267 : memref<32x128xf32, #tpu.memory_space<vmem_shared>>)
    %dma_wait3A_268 = arith.constant 0 : i32
    %dma_wait3A_269 = tpu.memref_slice %arg6[%add3A_115, %dma_wait3A_268] : memref<10000x128xf32, #tpu.memory_space<vmem_shared>> -> memref<32x128xf32, #tpu.memory_space<vmem_shared>>
    %dma_wait3A_270 = arith.constant 0 : i32
    %dma_wait3A_271 = tpu.memref_slice %arg6[%add3A_115, %dma_wait3A_270] : memref<10000x128xf32, #tpu.memory_space<vmem_shared>> -> memref<32x128xf32, #tpu.memory_space<vmem_shared>>
    tpu.wait_dma2 semaphore(%arg28 : memref<!tpu.dma_semaphore, #tpu.memory_space<semaphore_mem>>) src(%arg7 : memref<32x128xf32, #tpu.memory_space<vmem>>) dst(%dma_wait3A_271 : memref<32x128xf32, #tpu.memory_space<vmem_shared>>)
    %dma_wait3A_272 = arith.constant 0 : i32
    %dma_wait3A_273 = tpu.memref_slice %arg6[%add3A_123, %dma_wait3A_272] : memref<10000x128xf32, #tpu.memory_space<vmem_shared>> -> memref<32x128xf32, #tpu.memory_space<vmem_shared>>
    %dma_wait3A_274 = arith.constant 0 : i32
    %dma_wait3A_275 = tpu.memref_slice %arg6[%add3A_123, %dma_wait3A_274] : memref<10000x128xf32, #tpu.memory_space<vmem_shared>> -> memref<32x128xf32, #tpu.memory_space<vmem_shared>>
    tpu.wait_dma2 semaphore(%arg28 : memref<!tpu.dma_semaphore, #tpu.memory_space<semaphore_mem>>) src(%arg7 : memref<32x128xf32, #tpu.memory_space<vmem>>) dst(%dma_wait3A_275 : memref<32x128xf32, #tpu.memory_space<vmem_shared>>)
    %dma_wait3A_276 = arith.constant 0 : i32
    %dma_wait3A_277 = tpu.memref_slice %arg6[%add3A_131, %dma_wait3A_276] : memref<10000x128xf32, #tpu.memory_space<vmem_shared>> -> memref<32x128xf32, #tpu.memory_space<vmem_shared>>
    %dma_wait3A_278 = arith.constant 0 : i32
    %dma_wait3A_279 = tpu.memref_slice %arg6[%add3A_131, %dma_wait3A_278] : memref<10000x128xf32, #tpu.memory_space<vmem_shared>> -> memref<32x128xf32, #tpu.memory_space<vmem_shared>>
    tpu.wait_dma2 semaphore(%arg28 : memref<!tpu.dma_semaphore, #tpu.memory_space<semaphore_mem>>) src(%arg7 : memref<32x128xf32, #tpu.memory_space<vmem>>) dst(%dma_wait3A_279 : memref<32x128xf32, #tpu.memory_space<vmem_shared>>)
    %dma_wait3A_280 = arith.constant 0 : i32
    %dma_wait3A_281 = tpu.memref_slice %arg6[%add3A_139, %dma_wait3A_280] : memref<10000x128xf32, #tpu.memory_space<vmem_shared>> -> memref<32x128xf32, #tpu.memory_space<vmem_shared>>
    %dma_wait3A_282 = arith.constant 0 : i32
    %dma_wait3A_283 = tpu.memref_slice %arg6[%add3A_139, %dma_wait3A_282] : memref<10000x128xf32, #tpu.memory_space<vmem_shared>> -> memref<32x128xf32, #tpu.memory_space<vmem_shared>>
    tpu.wait_dma2 semaphore(%arg28 : memref<!tpu.dma_semaphore, #tpu.memory_space<semaphore_mem>>) src(%arg7 : memref<32x128xf32, #tpu.memory_space<vmem>>) dst(%dma_wait3A_283 : memref<32x128xf32, #tpu.memory_space<vmem_shared>>)
    %dma_wait3A_284 = arith.constant 0 : i32
    %dma_wait3A_285 = tpu.memref_slice %arg6[%add3A_147, %dma_wait3A_284] : memref<10000x128xf32, #tpu.memory_space<vmem_shared>> -> memref<32x128xf32, #tpu.memory_space<vmem_shared>>
    %dma_wait3A_286 = arith.constant 0 : i32
    %dma_wait3A_287 = tpu.memref_slice %arg6[%add3A_147, %dma_wait3A_286] : memref<10000x128xf32, #tpu.memory_space<vmem_shared>> -> memref<32x128xf32, #tpu.memory_space<vmem_shared>>
    tpu.wait_dma2 semaphore(%arg28 : memref<!tpu.dma_semaphore, #tpu.memory_space<semaphore_mem>>) src(%arg7 : memref<32x128xf32, #tpu.memory_space<vmem>>) dst(%dma_wait3A_287 : memref<32x128xf32, #tpu.memory_space<vmem_shared>>)
    %dma_wait3A_288 = arith.constant 0 : i32
    %dma_wait3A_289 = tpu.memref_slice %arg6[%add3A_155, %dma_wait3A_288] : memref<10000x128xf32, #tpu.memory_space<vmem_shared>> -> memref<32x128xf32, #tpu.memory_space<vmem_shared>>
    %dma_wait3A_290 = arith.constant 0 : i32
    %dma_wait3A_291 = tpu.memref_slice %arg6[%add3A_155, %dma_wait3A_290] : memref<10000x128xf32, #tpu.memory_space<vmem_shared>> -> memref<32x128xf32, #tpu.memory_space<vmem_shared>>
    tpu.wait_dma2 semaphore(%arg28 : memref<!tpu.dma_semaphore, #tpu.memory_space<semaphore_mem>>) src(%arg7 : memref<32x128xf32, #tpu.memory_space<vmem>>) dst(%dma_wait3A_291 : memref<32x128xf32, #tpu.memory_space<vmem_shared>>)
    %dma_wait3A_292 = arith.constant 0 : i32
    %dma_wait3A_293 = tpu.memref_slice %arg6[%add3A_163, %dma_wait3A_292] : memref<10000x128xf32, #tpu.memory_space<vmem_shared>> -> memref<32x128xf32, #tpu.memory_space<vmem_shared>>
    %dma_wait3A_294 = arith.constant 0 : i32
    %dma_wait3A_295 = tpu.memref_slice %arg6[%add3A_163, %dma_wait3A_294] : memref<10000x128xf32, #tpu.memory_space<vmem_shared>> -> memref<32x128xf32, #tpu.memory_space<vmem_shared>>
    tpu.wait_dma2 semaphore(%arg28 : memref<!tpu.dma_semaphore, #tpu.memory_space<semaphore_mem>>) src(%arg7 : memref<32x128xf32, #tpu.memory_space<vmem>>) dst(%dma_wait3A_295 : memref<32x128xf32, #tpu.memory_space<vmem_shared>>)
    %dma_wait3A_296 = arith.constant 0 : i32
    %dma_wait3A_297 = tpu.memref_slice %arg6[%add3A_171, %dma_wait3A_296] : memref<10000x128xf32, #tpu.memory_space<vmem_shared>> -> memref<32x128xf32, #tpu.memory_space<vmem_shared>>
    %dma_wait3A_298 = arith.constant 0 : i32
    %dma_wait3A_299 = tpu.memref_slice %arg6[%add3A_171, %dma_wait3A_298] : memref<10000x128xf32, #tpu.memory_space<vmem_shared>> -> memref<32x128xf32, #tpu.memory_space<vmem_shared>>
    tpu.wait_dma2 semaphore(%arg28 : memref<!tpu.dma_semaphore, #tpu.memory_space<semaphore_mem>>) src(%arg7 : memref<32x128xf32, #tpu.memory_space<vmem>>) dst(%dma_wait3A_299 : memref<32x128xf32, #tpu.memory_space<vmem_shared>>)
    %dma_wait3A_300 = arith.constant 0 : i32
    %dma_wait3A_301 = tpu.memref_slice %arg6[%add3A_179, %dma_wait3A_300] : memref<10000x128xf32, #tpu.memory_space<vmem_shared>> -> memref<32x128xf32, #tpu.memory_space<vmem_shared>>
    %dma_wait3A_302 = arith.constant 0 : i32
    %dma_wait3A_303 = tpu.memref_slice %arg6[%add3A_179, %dma_wait3A_302] : memref<10000x128xf32, #tpu.memory_space<vmem_shared>> -> memref<32x128xf32, #tpu.memory_space<vmem_shared>>
    tpu.wait_dma2 semaphore(%arg28 : memref<!tpu.dma_semaphore, #tpu.memory_space<semaphore_mem>>) src(%arg7 : memref<32x128xf32, #tpu.memory_space<vmem>>) dst(%dma_wait3A_303 : memref<32x128xf32, #tpu.memory_space<vmem_shared>>)
    %dma_wait3A_304 = arith.constant 0 : i32
    %dma_wait3A_305 = tpu.memref_slice %arg6[%add3A_187, %dma_wait3A_304] : memref<10000x128xf32, #tpu.memory_space<vmem_shared>> -> memref<32x128xf32, #tpu.memory_space<vmem_shared>>
    %dma_wait3A_306 = arith.constant 0 : i32
    %dma_wait3A_307 = tpu.memref_slice %arg6[%add3A_187, %dma_wait3A_306] : memref<10000x128xf32, #tpu.memory_space<vmem_shared>> -> memref<32x128xf32, #tpu.memory_space<vmem_shared>>
    tpu.wait_dma2 semaphore(%arg28 : memref<!tpu.dma_semaphore, #tpu.memory_space<semaphore_mem>>) src(%arg7 : memref<32x128xf32, #tpu.memory_space<vmem>>) dst(%dma_wait3A_307 : memref<32x128xf32, #tpu.memory_space<vmem_shared>>)
    %dma_wait3A_308 = arith.constant 0 : i32
    %dma_wait3A_309 = tpu.memref_slice %arg6[%add3A_195, %dma_wait3A_308] : memref<10000x128xf32, #tpu.memory_space<vmem_shared>> -> memref<32x128xf32, #tpu.memory_space<vmem_shared>>
    %dma_wait3A_310 = arith.constant 0 : i32
    %dma_wait3A_311 = tpu.memref_slice %arg6[%add3A_195, %dma_wait3A_310] : memref<10000x128xf32, #tpu.memory_space<vmem_shared>> -> memref<32x128xf32, #tpu.memory_space<vmem_shared>>
    tpu.wait_dma2 semaphore(%arg28 : memref<!tpu.dma_semaphore, #tpu.memory_space<semaphore_mem>>) src(%arg7 : memref<32x128xf32, #tpu.memory_space<vmem>>) dst(%dma_wait3A_311 : memref<32x128xf32, #tpu.memory_space<vmem_shared>>)
    %dma_wait3A_312 = arith.constant 0 : i32
    %dma_wait3A_313 = tpu.memref_slice %arg6[%add3A_203, %dma_wait3A_312] : memref<10000x128xf32, #tpu.memory_space<vmem_shared>> -> memref<32x128xf32, #tpu.memory_space<vmem_shared>>
    %dma_wait3A_314 = arith.constant 0 : i32
    %dma_wait3A_315 = tpu.memref_slice %arg6[%add3A_203, %dma_wait3A_314] : memref<10000x128xf32, #tpu.memory_space<vmem_shared>> -> memref<32x128xf32, #tpu.memory_space<vmem_shared>>
    tpu.wait_dma2 semaphore(%arg28 : memref<!tpu.dma_semaphore, #tpu.memory_space<semaphore_mem>>) src(%arg7 : memref<32x128xf32, #tpu.memory_space<vmem>>) dst(%dma_wait3A_315 : memref<32x128xf32, #tpu.memory_space<vmem_shared>>)
    %dma_wait3A_316 = arith.constant 0 : i32
    %dma_wait3A_317 = tpu.memref_slice %arg6[%add3A_211, %dma_wait3A_316] : memref<10000x128xf32, #tpu.memory_space<vmem_shared>> -> memref<32x128xf32, #tpu.memory_space<vmem_shared>>
    %dma_wait3A_318 = arith.constant 0 : i32
    %dma_wait3A_319 = tpu.memref_slice %arg6[%add3A_211, %dma_wait3A_318] : memref<10000x128xf32, #tpu.memory_space<vmem_shared>> -> memref<32x128xf32, #tpu.memory_space<vmem_shared>>
    tpu.wait_dma2 semaphore(%arg28 : memref<!tpu.dma_semaphore, #tpu.memory_space<semaphore_mem>>) src(%arg7 : memref<32x128xf32, #tpu.memory_space<vmem>>) dst(%dma_wait3A_319 : memref<32x128xf32, #tpu.memory_space<vmem_shared>>)
    %dma_wait3A_320 = arith.constant 0 : i32
    %dma_wait3A_321 = tpu.memref_slice %arg6[%add3A_219, %dma_wait3A_320] : memref<10000x128xf32, #tpu.memory_space<vmem_shared>> -> memref<32x128xf32, #tpu.memory_space<vmem_shared>>
    %dma_wait3A_322 = arith.constant 0 : i32
    %dma_wait3A_323 = tpu.memref_slice %arg6[%add3A_219, %dma_wait3A_322] : memref<10000x128xf32, #tpu.memory_space<vmem_shared>> -> memref<32x128xf32, #tpu.memory_space<vmem_shared>>
    tpu.wait_dma2 semaphore(%arg28 : memref<!tpu.dma_semaphore, #tpu.memory_space<semaphore_mem>>) src(%arg7 : memref<32x128xf32, #tpu.memory_space<vmem>>) dst(%dma_wait3A_323 : memref<32x128xf32, #tpu.memory_space<vmem_shared>>)
    %dma_wait3A_324 = arith.constant 0 : i32
    %dma_wait3A_325 = tpu.memref_slice %arg6[%add3A_227, %dma_wait3A_324] : memref<10000x128xf32, #tpu.memory_space<vmem_shared>> -> memref<32x128xf32, #tpu.memory_space<vmem_shared>>
    %dma_wait3A_326 = arith.constant 0 : i32
    %dma_wait3A_327 = tpu.memref_slice %arg6[%add3A_227, %dma_wait3A_326] : memref<10000x128xf32, #tpu.memory_space<vmem_shared>> -> memref<32x128xf32, #tpu.memory_space<vmem_shared>>
    tpu.wait_dma2 semaphore(%arg28 : memref<!tpu.dma_semaphore, #tpu.memory_space<semaphore_mem>>) src(%arg7 : memref<32x128xf32, #tpu.memory_space<vmem>>) dst(%dma_wait3A_327 : memref<32x128xf32, #tpu.memory_space<vmem_shared>>)
    %dma_wait3A_328 = arith.constant 0 : i32
    %dma_wait3A_329 = tpu.memref_slice %arg6[%add3A_235, %dma_wait3A_328] : memref<10000x128xf32, #tpu.memory_space<vmem_shared>> -> memref<32x128xf32, #tpu.memory_space<vmem_shared>>
    %dma_wait3A_330 = arith.constant 0 : i32
    %dma_wait3A_331 = tpu.memref_slice %arg6[%add3A_235, %dma_wait3A_330] : memref<10000x128xf32, #tpu.memory_space<vmem_shared>> -> memref<32x128xf32, #tpu.memory_space<vmem_shared>>
    tpu.wait_dma2 semaphore(%arg28 : memref<!tpu.dma_semaphore, #tpu.memory_space<semaphore_mem>>) src(%arg7 : memref<32x128xf32, #tpu.memory_space<vmem>>) dst(%dma_wait3A_331 : memref<32x128xf32, #tpu.memory_space<vmem_shared>>)
    %dma_wait3A_332 = arith.constant 0 : i32
    %dma_wait3A_333 = tpu.memref_slice %arg6[%add3A_243, %dma_wait3A_332] : memref<10000x128xf32, #tpu.memory_space<vmem_shared>> -> memref<32x128xf32, #tpu.memory_space<vmem_shared>>
    %dma_wait3A_334 = arith.constant 0 : i32
    %dma_wait3A_335 = tpu.memref_slice %arg6[%add3A_243, %dma_wait3A_334] : memref<10000x128xf32, #tpu.memory_space<vmem_shared>> -> memref<32x128xf32, #tpu.memory_space<vmem_shared>>
    tpu.wait_dma2 semaphore(%arg28 : memref<!tpu.dma_semaphore, #tpu.memory_space<semaphore_mem>>) src(%arg7 : memref<32x128xf32, #tpu.memory_space<vmem>>) dst(%dma_wait3A_335 : memref<32x128xf32, #tpu.memory_space<vmem_shared>>)
    %dma_wait3A_336 = arith.constant 0 : i32
    %dma_wait3A_337 = tpu.memref_slice %arg6[%add3A_251, %dma_wait3A_336] : memref<10000x128xf32, #tpu.memory_space<vmem_shared>> -> memref<32x128xf32, #tpu.memory_space<vmem_shared>>
    %dma_wait3A_338 = arith.constant 0 : i32
    %dma_wait3A_339 = tpu.memref_slice %arg6[%add3A_251, %dma_wait3A_338] : memref<10000x128xf32, #tpu.memory_space<vmem_shared>> -> memref<32x128xf32, #tpu.memory_space<vmem_shared>>
    tpu.wait_dma2 semaphore(%arg28 : memref<!tpu.dma_semaphore, #tpu.memory_space<semaphore_mem>>) src(%arg7 : memref<32x128xf32, #tpu.memory_space<vmem>>) dst(%dma_wait3A_339 : memref<32x128xf32, #tpu.memory_space<vmem_shared>>)
    %dma_wait3A_340 = tpu.memref_slice %arg32[%mul3A_257] : memref<10000xf32, #tpu.memory_space<vmem_shared>> -> memref<640xf32, #tpu.memory_space<vmem_shared>>
    %dma_wait3A_341 = tpu.memref_slice %arg32[%mul3A_257] : memref<10000xf32, #tpu.memory_space<vmem_shared>> -> memref<640xf32, #tpu.memory_space<vmem_shared>>
    tpu.wait_dma2 semaphore(%arg29 : memref<!tpu.dma_semaphore, #tpu.memory_space<semaphore_mem>>) src(%arg33 : memref<640xf32, #tpu.memory_space<vmem>>) dst(%dma_wait3A_341 : memref<640xf32, #tpu.memory_space<vmem_shared>>)
    %barrier3A = arith.constant 0 : index
    tpu.barrier barrier_id(%barrier3A)
    %dma_wait3A_342 = arith.constant 0 : i32
    %dma_wait3A_343 = arith.constant 0 : i32
    %dma_wait3A_344 = tpu.memref_slice %arg2[%dma_wait3A_342, %dma_wait3A_343] : memref<10000x128xf32, #tpu.memory_space<hbm>> -> memref<10000x128xf32, #tpu.memory_space<hbm>>
    tpu.wait_indirect_dma semaphore(%arg24 : memref<!tpu.dma_semaphore, #tpu.memory_space<semaphore_mem>>) src(%dma_wait3A_344 : memref<10000x128xf32, #tpu.memory_space<hbm>>) dst(%arg8 : memref<80x128xf32, #tpu.memory_space<vmem>>)
    %dma_start3A_345 = arith.constant 0 : i32
    %dma_start3A_346 = arith.constant 0 : i32
    %dma_start3A_347 = tpu.memref_slice %arg6[%dma_start3A_345, %dma_start3A_346] : memref<10000x128xf32, #tpu.memory_space<vmem_shared>> -> memref<10000x128xf32, #tpu.memory_space<vmem_shared>>
    tpu.enqueue_indirect_dma source(%arg8 : memref<80x128xf32, #tpu.memory_space<vmem>>) target(%dma_start3A_347 : memref<10000x128xf32, #tpu.memory_space<vmem_shared>>) offsets(%arg16 : memref<80xi32, #tpu.memory_space<vmem>>) semaphore(%arg28 : memref<!tpu.dma_semaphore, #tpu.memory_space<semaphore_mem>>) {add = true}
    %dma_start3A_348 = arith.constant 0 : i32
    %dma_start3A_349 = tpu.memref_slice %arg34[%dma_start3A_348] : memref<80xf32, #tpu.memory_space<vmem>> -> memref<80xf32, #tpu.memory_space<vmem>>
    %dma_start3A_350 = arith.constant 0 : i32
    %dma_start3A_351 = tpu.memref_slice %arg32[%dma_start3A_350] : memref<10000xf32, #tpu.memory_space<vmem_shared>> -> memref<10000xf32, #tpu.memory_space<vmem_shared>>
    tpu.enqueue_indirect_dma source(%dma_start3A_349 : memref<80xf32, #tpu.memory_space<vmem>>) target(%dma_start3A_351 : memref<10000xf32, #tpu.memory_space<vmem_shared>>) offsets(%arg16 : memref<80xi32, #tpu.memory_space<vmem>>) semaphore(%arg35 : memref<!tpu.dma_semaphore, #tpu.memory_space<semaphore_mem>>) {add = true}
    %dma_wait3A_352 = arith.constant 0 : i32
    %dma_wait3A_353 = arith.constant 0 : i32
    %dma_wait3A_354 = tpu.memref_slice %arg2[%dma_wait3A_352, %dma_wait3A_353] : memref<10000x128xf32, #tpu.memory_space<hbm>> -> memref<10000x128xf32, #tpu.memory_space<hbm>>
    tpu.wait_indirect_dma semaphore(%arg25 : memref<!tpu.dma_semaphore, #tpu.memory_space<semaphore_mem>>) src(%dma_wait3A_354 : memref<10000x128xf32, #tpu.memory_space<hbm>>) dst(%arg9 : memref<80x128xf32, #tpu.memory_space<vmem>>)
    %dma_start3A_355 = arith.constant 0 : i32
    %dma_start3A_356 = arith.constant 0 : i32
    %dma_start3A_357 = tpu.memref_slice %arg6[%dma_start3A_355, %dma_start3A_356] : memref<10000x128xf32, #tpu.memory_space<vmem_shared>> -> memref<10000x128xf32, #tpu.memory_space<vmem_shared>>
    tpu.enqueue_indirect_dma source(%arg9 : memref<80x128xf32, #tpu.memory_space<vmem>>) target(%dma_start3A_357 : memref<10000x128xf32, #tpu.memory_space<vmem_shared>>) offsets(%arg17 : memref<80xi32, #tpu.memory_space<vmem>>) semaphore(%arg29 : memref<!tpu.dma_semaphore, #tpu.memory_space<semaphore_mem>>) {add = true}
    %dma_start3A_358 = arith.constant 0 : i32
    %dma_start3A_359 = tpu.memref_slice %arg34[%dma_start3A_358] : memref<80xf32, #tpu.memory_space<vmem>> -> memref<80xf32, #tpu.memory_space<vmem>>
    %dma_start3A_360 = arith.constant 0 : i32
    %dma_start3A_361 = tpu.memref_slice %arg32[%dma_start3A_360] : memref<10000xf32, #tpu.memory_space<vmem_shared>> -> memref<10000xf32, #tpu.memory_space<vmem_shared>>
    tpu.enqueue_indirect_dma source(%dma_start3A_359 : memref<80xf32, #tpu.memory_space<vmem>>) target(%dma_start3A_361 : memref<10000xf32, #tpu.memory_space<vmem_shared>>) offsets(%arg17 : memref<80xi32, #tpu.memory_space<vmem>>) semaphore(%arg36 : memref<!tpu.dma_semaphore, #tpu.memory_space<semaphore_mem>>) {add = true}
    %scan3A_362 = arith.constant 0 : i32
    %scan3A_363 = arith.constant 1 : i32
    %scan3A_364 = arith.constant 30 : i32
    %scan3A_365 = arith.addi %scan3A_363, %scan3A_364 : i32
    %scan3A_366 = arith.constant 1 : i32
    %scan3A_367 = scf.for %scan3A_479 = %scan3A_363 to %scan3A_365 step %scan3A_366 iter_args(%scan3A_480 = %scan3A_362) -> (i32)  : i32 {
      %mul3A_481 = arith.constant 2 : i32
      %mul3A_482 = arith.muli %mul3A_481, %scan3A_479 : i32
      %dma_wait3A_483 = arith.constant 0 : i32
      %dma_wait3A_484 = arith.constant 0 : i32
      %dma_wait3A_485 = tpu.memref_slice %arg6[%dma_wait3A_483, %dma_wait3A_484] : memref<10000x128xf32, #tpu.memory_space<vmem_shared>> -> memref<10000x128xf32, #tpu.memory_space<vmem_shared>>
      tpu.wait_indirect_dma semaphore(%arg28 : memref<!tpu.dma_semaphore, #tpu.memory_space<semaphore_mem>>) src(%arg8 : memref<80x128xf32, #tpu.memory_space<vmem>>) dst(%dma_wait3A_485 : memref<10000x128xf32, #tpu.memory_space<vmem_shared>>)
      %dma_wait3A_486 = arith.constant 0 : i32
      %dma_wait3A_487 = tpu.memref_slice %arg34[%dma_wait3A_486] : memref<80xf32, #tpu.memory_space<vmem>> -> memref<80xf32, #tpu.memory_space<vmem>>
      %dma_wait3A_488 = arith.constant 0 : i32
      %dma_wait3A_489 = tpu.memref_slice %arg32[%dma_wait3A_488] : memref<10000xf32, #tpu.memory_space<vmem_shared>> -> memref<10000xf32, #tpu.memory_space<vmem_shared>>
      tpu.wait_indirect_dma semaphore(%arg35 : memref<!tpu.dma_semaphore, #tpu.memory_space<semaphore_mem>>) src(%dma_wait3A_487 : memref<80xf32, #tpu.memory_space<vmem>>) dst(%dma_wait3A_489 : memref<10000xf32, #tpu.memory_space<vmem_shared>>)
      %dma_wait3A_490 = arith.constant 0 : i32
      %dma_wait3A_491 = arith.constant 0 : i32
      %dma_wait3A_492 = tpu.memref_slice %arg6[%dma_wait3A_490, %dma_wait3A_491] : memref<10000x128xf32, #tpu.memory_space<vmem_shared>> -> memref<10000x128xf32, #tpu.memory_space<vmem_shared>>
      tpu.wait_indirect_dma semaphore(%arg29 : memref<!tpu.dma_semaphore, #tpu.memory_space<semaphore_mem>>) src(%arg9 : memref<80x128xf32, #tpu.memory_space<vmem>>) dst(%dma_wait3A_492 : memref<10000x128xf32, #tpu.memory_space<vmem_shared>>)
      %dma_wait3A_493 = arith.constant 0 : i32
      %dma_wait3A_494 = tpu.memref_slice %arg34[%dma_wait3A_493] : memref<80xf32, #tpu.memory_space<vmem>> -> memref<80xf32, #tpu.memory_space<vmem>>
      %dma_wait3A_495 = arith.constant 0 : i32
      %dma_wait3A_496 = tpu.memref_slice %arg32[%dma_wait3A_495] : memref<10000xf32, #tpu.memory_space<vmem_shared>> -> memref<10000xf32, #tpu.memory_space<vmem_shared>>
      tpu.wait_indirect_dma semaphore(%arg36 : memref<!tpu.dma_semaphore, #tpu.memory_space<semaphore_mem>>) src(%dma_wait3A_494 : memref<80xf32, #tpu.memory_space<vmem>>) dst(%dma_wait3A_496 : memref<10000xf32, #tpu.memory_space<vmem_shared>>)
      %mul3A_497 = arith.constant 2 : i32
      %mul3A_498 = arith.muli %mul3A_482, %mul3A_497 : i32
      %add3A_499 = arith.constant 0 : i32
      %add3A_500 = arith.addi %mul3A_498, %add3A_499 : i32
      %mul3A_501 = arith.constant 80 : i32
      %mul3A_502 = arith.muli %add3A_500, %mul3A_501 : i32
      %add3A_503 = arith.addi %mul3A_2, %mul3A_502 : i32
      %dma_start3A_504 = tpu.memref_slice %arg3[%add3A_503] : memref<640000xi32, #tpu.memory_space<hbm>> -> memref<80xi32, #tpu.memory_space<hbm>>
      %dma_start3A_505 = tpu.memref_slice %arg3[%add3A_503] : memref<640000xi32, #tpu.memory_space<hbm>> -> memref<80xi32, #tpu.memory_space<hbm>>
      tpu.enqueue_dma source(%dma_start3A_505 : memref<80xi32, #tpu.memory_space<hbm>>) target(%arg12 : memref<80xi32, #tpu.memory_space<vmem>>) target_semaphore(%arg20 : memref<!tpu.dma_semaphore, #tpu.memory_space<semaphore_mem>>)
      %add3A_506 = arith.constant 320000 : i32
      %add3A_507 = arith.addi %add3A_506, %add3A_503 : i32
      %dma_start3A_508 = tpu.memref_slice %arg3[%add3A_507] : memref<640000xi32, #tpu.memory_space<hbm>> -> memref<80xi32, #tpu.memory_space<hbm>>
      %dma_start3A_509 = tpu.memref_slice %arg3[%add3A_507] : memref<640000xi32, #tpu.memory_space<hbm>> -> memref<80xi32, #tpu.memory_space<hbm>>
      tpu.enqueue_dma source(%dma_start3A_509 : memref<80xi32, #tpu.memory_space<hbm>>) target(%arg16 : memref<80xi32, #tpu.memory_space<vmem>>) target_semaphore(%arg20 : memref<!tpu.dma_semaphore, #tpu.memory_space<semaphore_mem>>)
      %mul3A_510 = arith.constant 2 : i32
      %mul3A_511 = arith.muli %mul3A_482, %mul3A_510 : i32
      %add3A_512 = arith.constant 1 : i32
      %add3A_513 = arith.addi %mul3A_511, %add3A_512 : i32
      %mul3A_514 = arith.constant 80 : i32
      %mul3A_515 = arith.muli %add3A_513, %mul3A_514 : i32
      %add3A_516 = arith.addi %mul3A_2, %mul3A_515 : i32
      %dma_start3A_517 = tpu.memref_slice %arg3[%add3A_516] : memref<640000xi32, #tpu.memory_space<hbm>> -> memref<80xi32, #tpu.memory_space<hbm>>
      %dma_start3A_518 = tpu.memref_slice %arg3[%add3A_516] : memref<640000xi32, #tpu.memory_space<hbm>> -> memref<80xi32, #tpu.memory_space<hbm>>
      tpu.enqueue_dma source(%dma_start3A_518 : memref<80xi32, #tpu.memory_space<hbm>>) target(%arg13 : memref<80xi32, #tpu.memory_space<vmem>>) target_semaphore(%arg21 : memref<!tpu.dma_semaphore, #tpu.memory_space<semaphore_mem>>)
      %add3A_519 = arith.constant 320000 : i32
      %add3A_520 = arith.addi %add3A_519, %add3A_516 : i32
      %dma_start3A_521 = tpu.memref_slice %arg3[%add3A_520] : memref<640000xi32, #tpu.memory_space<hbm>> -> memref<80xi32, #tpu.memory_space<hbm>>
      %dma_start3A_522 = tpu.memref_slice %arg3[%add3A_520] : memref<640000xi32, #tpu.memory_space<hbm>> -> memref<80xi32, #tpu.memory_space<hbm>>
      tpu.enqueue_dma source(%dma_start3A_522 : memref<80xi32, #tpu.memory_space<hbm>>) target(%arg17 : memref<80xi32, #tpu.memory_space<vmem>>) target_semaphore(%arg21 : memref<!tpu.dma_semaphore, #tpu.memory_space<semaphore_mem>>)
      %dma_wait3A_523 = tpu.memref_slice %arg3[%add3A_503] : memref<640000xi32, #tpu.memory_space<hbm>> -> memref<80xi32, #tpu.memory_space<hbm>>
      %dma_wait3A_524 = tpu.memref_slice %arg3[%add3A_503] : memref<640000xi32, #tpu.memory_space<hbm>> -> memref<80xi32, #tpu.memory_space<hbm>>
      tpu.wait_dma2 semaphore(%arg20 : memref<!tpu.dma_semaphore, #tpu.memory_space<semaphore_mem>>) src(%dma_wait3A_524 : memref<80xi32, #tpu.memory_space<hbm>>) dst(%arg12 : memref<80xi32, #tpu.memory_space<vmem>>)
      %dma_wait3A_525 = tpu.memref_slice %arg3[%add3A_507] : memref<640000xi32, #tpu.memory_space<hbm>> -> memref<80xi32, #tpu.memory_space<hbm>>
      %dma_wait3A_526 = tpu.memref_slice %arg3[%add3A_507] : memref<640000xi32, #tpu.memory_space<hbm>> -> memref<80xi32, #tpu.memory_space<hbm>>
      tpu.wait_dma2 semaphore(%arg20 : memref<!tpu.dma_semaphore, #tpu.memory_space<semaphore_mem>>) src(%dma_wait3A_526 : memref<80xi32, #tpu.memory_space<hbm>>) dst(%arg16 : memref<80xi32, #tpu.memory_space<vmem>>)
      %dma_start3A_527 = arith.constant 0 : i32
      %dma_start3A_528 = arith.constant 0 : i32
      %dma_start3A_529 = tpu.memref_slice %arg2[%dma_start3A_527, %dma_start3A_528] : memref<10000x128xf32, #tpu.memory_space<hbm>> -> memref<10000x128xf32, #tpu.memory_space<hbm>>
      tpu.enqueue_indirect_dma source(%dma_start3A_529 : memref<10000x128xf32, #tpu.memory_space<hbm>>) target(%arg8 : memref<80x128xf32, #tpu.memory_space<vmem>>) offsets(%arg12 : memref<80xi32, #tpu.memory_space<vmem>>) semaphore(%arg24 : memref<!tpu.dma_semaphore, #tpu.memory_space<semaphore_mem>>)
      %dma_wait3A_530 = tpu.memref_slice %arg3[%add3A_516] : memref<640000xi32, #tpu.memory_space<hbm>> -> memref<80xi32, #tpu.memory_space<hbm>>
      %dma_wait3A_531 = tpu.memref_slice %arg3[%add3A_516] : memref<640000xi32, #tpu.memory_space<hbm>> -> memref<80xi32, #tpu.memory_space<hbm>>
      tpu.wait_dma2 semaphore(%arg21 : memref<!tpu.dma_semaphore, #tpu.memory_space<semaphore_mem>>) src(%dma_wait3A_531 : memref<80xi32, #tpu.memory_space<hbm>>) dst(%arg13 : memref<80xi32, #tpu.memory_space<vmem>>)
      %dma_wait3A_532 = tpu.memref_slice %arg3[%add3A_520] : memref<640000xi32, #tpu.memory_space<hbm>> -> memref<80xi32, #tpu.memory_space<hbm>>
      %dma_wait3A_533 = tpu.memref_slice %arg3[%add3A_520] : memref<640000xi32, #tpu.memory_space<hbm>> -> memref<80xi32, #tpu.memory_space<hbm>>
      tpu.wait_dma2 semaphore(%arg21 : memref<!tpu.dma_semaphore, #tpu.memory_space<semaphore_mem>>) src(%dma_wait3A_533 : memref<80xi32, #tpu.memory_space<hbm>>) dst(%arg17 : memref<80xi32, #tpu.memory_space<vmem>>)
      %dma_start3A_534 = arith.constant 0 : i32
      %dma_start3A_535 = arith.constant 0 : i32
      %dma_start3A_536 = tpu.memref_slice %arg2[%dma_start3A_534, %dma_start3A_535] : memref<10000x128xf32, #tpu.memory_space<hbm>> -> memref<10000x128xf32, #tpu.memory_space<hbm>>
      tpu.enqueue_indirect_dma source(%dma_start3A_536 : memref<10000x128xf32, #tpu.memory_space<hbm>>) target(%arg9 : memref<80x128xf32, #tpu.memory_space<vmem>>) offsets(%arg13 : memref<80xi32, #tpu.memory_space<vmem>>) semaphore(%arg25 : memref<!tpu.dma_semaphore, #tpu.memory_space<semaphore_mem>>)
      %dma_wait3A_537 = arith.constant 0 : i32
      %dma_wait3A_538 = arith.constant 0 : i32
      %dma_wait3A_539 = tpu.memref_slice %arg2[%dma_wait3A_537, %dma_wait3A_538] : memref<10000x128xf32, #tpu.memory_space<hbm>> -> memref<10000x128xf32, #tpu.memory_space<hbm>>
      tpu.wait_indirect_dma semaphore(%arg26 : memref<!tpu.dma_semaphore, #tpu.memory_space<semaphore_mem>>) src(%dma_wait3A_539 : memref<10000x128xf32, #tpu.memory_space<hbm>>) dst(%arg10 : memref<80x128xf32, #tpu.memory_space<vmem>>)
      %dma_start3A_540 = arith.constant 0 : i32
      %dma_start3A_541 = arith.constant 0 : i32
      %dma_start3A_542 = tpu.memref_slice %arg6[%dma_start3A_540, %dma_start3A_541] : memref<10000x128xf32, #tpu.memory_space<vmem_shared>> -> memref<10000x128xf32, #tpu.memory_space<vmem_shared>>
      tpu.enqueue_indirect_dma source(%arg10 : memref<80x128xf32, #tpu.memory_space<vmem>>) target(%dma_start3A_542 : memref<10000x128xf32, #tpu.memory_space<vmem_shared>>) offsets(%arg18 : memref<80xi32, #tpu.memory_space<vmem>>) semaphore(%arg30 : memref<!tpu.dma_semaphore, #tpu.memory_space<semaphore_mem>>) {add = true}
      %dma_start3A_543 = arith.constant 0 : i32
      %dma_start3A_544 = tpu.memref_slice %arg34[%dma_start3A_543] : memref<80xf32, #tpu.memory_space<vmem>> -> memref<80xf32, #tpu.memory_space<vmem>>
      %dma_start3A_545 = arith.constant 0 : i32
      %dma_start3A_546 = tpu.memref_slice %arg32[%dma_start3A_545] : memref<10000xf32, #tpu.memory_space<vmem_shared>> -> memref<10000xf32, #tpu.memory_space<vmem_shared>>
      tpu.enqueue_indirect_dma source(%dma_start3A_544 : memref<80xf32, #tpu.memory_space<vmem>>) target(%dma_start3A_546 : memref<10000xf32, #tpu.memory_space<vmem_shared>>) offsets(%arg18 : memref<80xi32, #tpu.memory_space<vmem>>) semaphore(%arg37 : memref<!tpu.dma_semaphore, #tpu.memory_space<semaphore_mem>>) {add = true}
      %dma_wait3A_547 = arith.constant 0 : i32
      %dma_wait3A_548 = arith.constant 0 : i32
      %dma_wait3A_549 = tpu.memref_slice %arg2[%dma_wait3A_547, %dma_wait3A_548] : memref<10000x128xf32, #tpu.memory_space<hbm>> -> memref<10000x128xf32, #tpu.memory_space<hbm>>
      tpu.wait_indirect_dma semaphore(%arg27 : memref<!tpu.dma_semaphore, #tpu.memory_space<semaphore_mem>>) src(%dma_wait3A_549 : memref<10000x128xf32, #tpu.memory_space<hbm>>) dst(%arg11 : memref<80x128xf32, #tpu.memory_space<vmem>>)
      %dma_start3A_550 = arith.constant 0 : i32
      %dma_start3A_551 = arith.constant 0 : i32
      %dma_start3A_552 = tpu.memref_slice %arg6[%dma_start3A_550, %dma_start3A_551] : memref<10000x128xf32, #tpu.memory_space<vmem_shared>> -> memref<10000x128xf32, #tpu.memory_space<vmem_shared>>
      tpu.enqueue_indirect_dma source(%arg11 : memref<80x128xf32, #tpu.memory_space<vmem>>) target(%dma_start3A_552 : memref<10000x128xf32, #tpu.memory_space<vmem_shared>>) offsets(%arg19 : memref<80xi32, #tpu.memory_space<vmem>>) semaphore(%arg31 : memref<!tpu.dma_semaphore, #tpu.memory_space<semaphore_mem>>) {add = true}
      %dma_start3A_553 = arith.constant 0 : i32
      %dma_start3A_554 = tpu.memref_slice %arg34[%dma_start3A_553] : memref<80xf32, #tpu.memory_space<vmem>> -> memref<80xf32, #tpu.memory_space<vmem>>
      %dma_start3A_555 = arith.constant 0 : i32
      %dma_start3A_556 = tpu.memref_slice %arg32[%dma_start3A_555] : memref<10000xf32, #tpu.memory_space<vmem_shared>> -> memref<10000xf32, #tpu.memory_space<vmem_shared>>
      tpu.enqueue_indirect_dma source(%dma_start3A_554 : memref<80xf32, #tpu.memory_space<vmem>>) target(%dma_start3A_556 : memref<10000xf32, #tpu.memory_space<vmem_shared>>) offsets(%arg19 : memref<80xi32, #tpu.memory_space<vmem>>) semaphore(%arg38 : memref<!tpu.dma_semaphore, #tpu.memory_space<semaphore_mem>>) {add = true}
      %dma_wait3A_557 = arith.constant 0 : i32
      %dma_wait3A_558 = arith.constant 0 : i32
      %dma_wait3A_559 = tpu.memref_slice %arg6[%dma_wait3A_557, %dma_wait3A_558] : memref<10000x128xf32, #tpu.memory_space<vmem_shared>> -> memref<10000x128xf32, #tpu.memory_space<vmem_shared>>
      tpu.wait_indirect_dma semaphore(%arg30 : memref<!tpu.dma_semaphore, #tpu.memory_space<semaphore_mem>>) src(%arg10 : memref<80x128xf32, #tpu.memory_space<vmem>>) dst(%dma_wait3A_559 : memref<10000x128xf32, #tpu.memory_space<vmem_shared>>)
      %dma_wait3A_560 = arith.constant 0 : i32
      %dma_wait3A_561 = tpu.memref_slice %arg34[%dma_wait3A_560] : memref<80xf32, #tpu.memory_space<vmem>> -> memref<80xf32, #tpu.memory_space<vmem>>
      %dma_wait3A_562 = arith.constant 0 : i32
      %dma_wait3A_563 = tpu.memref_slice %arg32[%dma_wait3A_562] : memref<10000xf32, #tpu.memory_space<vmem_shared>> -> memref<10000xf32, #tpu.memory_space<vmem_shared>>
      tpu.wait_indirect_dma semaphore(%arg37 : memref<!tpu.dma_semaphore, #tpu.memory_space<semaphore_mem>>) src(%dma_wait3A_561 : memref<80xf32, #tpu.memory_space<vmem>>) dst(%dma_wait3A_563 : memref<10000xf32, #tpu.memory_space<vmem_shared>>)
      %dma_wait3A_564 = arith.constant 0 : i32
      %dma_wait3A_565 = arith.constant 0 : i32
      %dma_wait3A_566 = tpu.memref_slice %arg6[%dma_wait3A_564, %dma_wait3A_565] : memref<10000x128xf32, #tpu.memory_space<vmem_shared>> -> memref<10000x128xf32, #tpu.memory_space<vmem_shared>>
      tpu.wait_indirect_dma semaphore(%arg31 : memref<!tpu.dma_semaphore, #tpu.memory_space<semaphore_mem>>) src(%arg11 : memref<80x128xf32, #tpu.memory_space<vmem>>) dst(%dma_wait3A_566 : memref<10000x128xf32, #tpu.memory_space<vmem_shared>>)
      %dma_wait3A_567 = arith.constant 0 : i32
      %dma_wait3A_568 = tpu.memref_slice %arg34[%dma_wait3A_567] : memref<80xf32, #tpu.memory_space<vmem>> -> memref<80xf32, #tpu.memory_space<vmem>>
      %dma_wait3A_569 = arith.constant 0 : i32
      %dma_wait3A_570 = tpu.memref_slice %arg32[%dma_wait3A_569] : memref<10000xf32, #tpu.memory_space<vmem_shared>> -> memref<10000xf32, #tpu.memory_space<vmem_shared>>
      tpu.wait_indirect_dma semaphore(%arg38 : memref<!tpu.dma_semaphore, #tpu.memory_space<semaphore_mem>>) src(%dma_wait3A_568 : memref<80xf32, #tpu.memory_space<vmem>>) dst(%dma_wait3A_570 : memref<10000xf32, #tpu.memory_space<vmem_shared>>)
      %add3A_571 = arith.constant 1 : i32
      %add3A_572 = arith.addi %mul3A_482, %add3A_571 : i32
      %mul3A_573 = arith.constant 2 : i32
      %mul3A_574 = arith.muli %add3A_572, %mul3A_573 : i32
      %add3A_575 = arith.constant 0 : i32
      %add3A_576 = arith.addi %mul3A_574, %add3A_575 : i32
      %mul3A_577 = arith.constant 80 : i32
      %mul3A_578 = arith.muli %add3A_576, %mul3A_577 : i32
      %add3A_579 = arith.addi %mul3A_2, %mul3A_578 : i32
      %dma_start3A_580 = tpu.memref_slice %arg3[%add3A_579] : memref<640000xi32, #tpu.memory_space<hbm>> -> memref<80xi32, #tpu.memory_space<hbm>>
      %dma_start3A_581 = tpu.memref_slice %arg3[%add3A_579] : memref<640000xi32, #tpu.memory_space<hbm>> -> memref<80xi32, #tpu.memory_space<hbm>>
      tpu.enqueue_dma source(%dma_start3A_581 : memref<80xi32, #tpu.memory_space<hbm>>) target(%arg14 : memref<80xi32, #tpu.memory_space<vmem>>) target_semaphore(%arg22 : memref<!tpu.dma_semaphore, #tpu.memory_space<semaphore_mem>>)
      %add3A_582 = arith.constant 320000 : i32
      %add3A_583 = arith.addi %add3A_582, %add3A_579 : i32
      %dma_start3A_584 = tpu.memref_slice %arg3[%add3A_583] : memref<640000xi32, #tpu.memory_space<hbm>> -> memref<80xi32, #tpu.memory_space<hbm>>
      %dma_start3A_585 = tpu.memref_slice %arg3[%add3A_583] : memref<640000xi32, #tpu.memory_space<hbm>> -> memref<80xi32, #tpu.memory_space<hbm>>
      tpu.enqueue_dma source(%dma_start3A_585 : memref<80xi32, #tpu.memory_space<hbm>>) target(%arg18 : memref<80xi32, #tpu.memory_space<vmem>>) target_semaphore(%arg22 : memref<!tpu.dma_semaphore, #tpu.memory_space<semaphore_mem>>)
      %mul3A_586 = arith.constant 2 : i32
      %mul3A_587 = arith.muli %add3A_572, %mul3A_586 : i32
      %add3A_588 = arith.constant 1 : i32
      %add3A_589 = arith.addi %mul3A_587, %add3A_588 : i32
      %mul3A_590 = arith.constant 80 : i32
      %mul3A_591 = arith.muli %add3A_589, %mul3A_590 : i32
      %add3A_592 = arith.addi %mul3A_2, %mul3A_591 : i32
      %dma_start3A_593 = tpu.memref_slice %arg3[%add3A_592] : memref<640000xi32, #tpu.memory_space<hbm>> -> memref<80xi32, #tpu.memory_space<hbm>>
      %dma_start3A_594 = tpu.memref_slice %arg3[%add3A_592] : memref<640000xi32, #tpu.memory_space<hbm>> -> memref<80xi32, #tpu.memory_space<hbm>>
      tpu.enqueue_dma source(%dma_start3A_594 : memref<80xi32, #tpu.memory_space<hbm>>) target(%arg15 : memref<80xi32, #tpu.memory_space<vmem>>) target_semaphore(%arg23 : memref<!tpu.dma_semaphore, #tpu.memory_space<semaphore_mem>>)
      %add3A_595 = arith.constant 320000 : i32
      %add3A_596 = arith.addi %add3A_595, %add3A_592 : i32
      %dma_start3A_597 = tpu.memref_slice %arg3[%add3A_596] : memref<640000xi32, #tpu.memory_space<hbm>> -> memref<80xi32, #tpu.memory_space<hbm>>
      %dma_start3A_598 = tpu.memref_slice %arg3[%add3A_596] : memref<640000xi32, #tpu.memory_space<hbm>> -> memref<80xi32, #tpu.memory_space<hbm>>
      tpu.enqueue_dma source(%dma_start3A_598 : memref<80xi32, #tpu.memory_space<hbm>>) target(%arg19 : memref<80xi32, #tpu.memory_space<vmem>>) target_semaphore(%arg23 : memref<!tpu.dma_semaphore, #tpu.memory_space<semaphore_mem>>)
      %dma_wait3A_599 = tpu.memref_slice %arg3[%add3A_579] : memref<640000xi32, #tpu.memory_space<hbm>> -> memref<80xi32, #tpu.memory_space<hbm>>
      %dma_wait3A_600 = tpu.memref_slice %arg3[%add3A_579] : memref<640000xi32, #tpu.memory_space<hbm>> -> memref<80xi32, #tpu.memory_space<hbm>>
      tpu.wait_dma2 semaphore(%arg22 : memref<!tpu.dma_semaphore, #tpu.memory_space<semaphore_mem>>) src(%dma_wait3A_600 : memref<80xi32, #tpu.memory_space<hbm>>) dst(%arg14 : memref<80xi32, #tpu.memory_space<vmem>>)
      %dma_wait3A_601 = tpu.memref_slice %arg3[%add3A_583] : memref<640000xi32, #tpu.memory_space<hbm>> -> memref<80xi32, #tpu.memory_space<hbm>>
      %dma_wait3A_602 = tpu.memref_slice %arg3[%add3A_583] : memref<640000xi32, #tpu.memory_space<hbm>> -> memref<80xi32, #tpu.memory_space<hbm>>
      tpu.wait_dma2 semaphore(%arg22 : memref<!tpu.dma_semaphore, #tpu.memory_space<semaphore_mem>>) src(%dma_wait3A_602 : memref<80xi32, #tpu.memory_space<hbm>>) dst(%arg18 : memref<80xi32, #tpu.memory_space<vmem>>)
      %dma_start3A_603 = arith.constant 0 : i32
      %dma_start3A_604 = arith.constant 0 : i32
      %dma_start3A_605 = tpu.memref_slice %arg2[%dma_start3A_603, %dma_start3A_604] : memref<10000x128xf32, #tpu.memory_space<hbm>> -> memref<10000x128xf32, #tpu.memory_space<hbm>>
      tpu.enqueue_indirect_dma source(%dma_start3A_605 : memref<10000x128xf32, #tpu.memory_space<hbm>>) target(%arg10 : memref<80x128xf32, #tpu.memory_space<vmem>>) offsets(%arg14 : memref<80xi32, #tpu.memory_space<vmem>>) semaphore(%arg26 : memref<!tpu.dma_semaphore, #tpu.memory_space<semaphore_mem>>)
      %dma_wait3A_606 = tpu.memref_slice %arg3[%add3A_592] : memref<640000xi32, #tpu.memory_space<hbm>> -> memref<80xi32, #tpu.memory_space<hbm>>
      %dma_wait3A_607 = tpu.memref_slice %arg3[%add3A_592] : memref<640000xi32, #tpu.memory_space<hbm>> -> memref<80xi32, #tpu.memory_space<hbm>>
      tpu.wait_dma2 semaphore(%arg23 : memref<!tpu.dma_semaphore, #tpu.memory_space<semaphore_mem>>) src(%dma_wait3A_607 : memref<80xi32, #tpu.memory_space<hbm>>) dst(%arg15 : memref<80xi32, #tpu.memory_space<vmem>>)
      %dma_wait3A_608 = tpu.memref_slice %arg3[%add3A_596] : memref<640000xi32, #tpu.memory_space<hbm>> -> memref<80xi32, #tpu.memory_space<hbm>>
      %dma_wait3A_609 = tpu.memref_slice %arg3[%add3A_596] : memref<640000xi32, #tpu.memory_space<hbm>> -> memref<80xi32, #tpu.memory_space<hbm>>
      tpu.wait_dma2 semaphore(%arg23 : memref<!tpu.dma_semaphore, #tpu.memory_space<semaphore_mem>>) src(%dma_wait3A_609 : memref<80xi32, #tpu.memory_space<hbm>>) dst(%arg19 : memref<80xi32, #tpu.memory_space<vmem>>)
      %dma_start3A_610 = arith.constant 0 : i32
      %dma_start3A_611 = arith.constant 0 : i32
      %dma_start3A_612 = tpu.memref_slice %arg2[%dma_start3A_610, %dma_start3A_611] : memref<10000x128xf32, #tpu.memory_space<hbm>> -> memref<10000x128xf32, #tpu.memory_space<hbm>>
      tpu.enqueue_indirect_dma source(%dma_start3A_612 : memref<10000x128xf32, #tpu.memory_space<hbm>>) target(%arg11 : memref<80x128xf32, #tpu.memory_space<vmem>>) offsets(%arg15 : memref<80xi32, #tpu.memory_space<vmem>>) semaphore(%arg27 : memref<!tpu.dma_semaphore, #tpu.memory_space<semaphore_mem>>)
      %dma_wait3A_613 = arith.constant 0 : i32
      %dma_wait3A_614 = arith.constant 0 : i32
      %dma_wait3A_615 = tpu.memref_slice %arg2[%dma_wait3A_613, %dma_wait3A_614] : memref<10000x128xf32, #tpu.memory_space<hbm>> -> memref<10000x128xf32, #tpu.memory_space<hbm>>
      tpu.wait_indirect_dma semaphore(%arg24 : memref<!tpu.dma_semaphore, #tpu.memory_space<semaphore_mem>>) src(%dma_wait3A_615 : memref<10000x128xf32, #tpu.memory_space<hbm>>) dst(%arg8 : memref<80x128xf32, #tpu.memory_space<vmem>>)
      %dma_start3A_616 = arith.constant 0 : i32
      %dma_start3A_617 = arith.constant 0 : i32
      %dma_start3A_618 = tpu.memref_slice %arg6[%dma_start3A_616, %dma_start3A_617] : memref<10000x128xf32, #tpu.memory_space<vmem_shared>> -> memref<10000x128xf32, #tpu.memory_space<vmem_shared>>
      tpu.enqueue_indirect_dma source(%arg8 : memref<80x128xf32, #tpu.memory_space<vmem>>) target(%dma_start3A_618 : memref<10000x128xf32, #tpu.memory_space<vmem_shared>>) offsets(%arg16 : memref<80xi32, #tpu.memory_space<vmem>>) semaphore(%arg28 : memref<!tpu.dma_semaphore, #tpu.memory_space<semaphore_mem>>) {add = true}
      %dma_start3A_619 = arith.constant 0 : i32
      %dma_start3A_620 = tpu.memref_slice %arg34[%dma_start3A_619] : memref<80xf32, #tpu.memory_space<vmem>> -> memref<80xf32, #tpu.memory_space<vmem>>
      %dma_start3A_621 = arith.constant 0 : i32
      %dma_start3A_622 = tpu.memref_slice %arg32[%dma_start3A_621] : memref<10000xf32, #tpu.memory_space<vmem_shared>> -> memref<10000xf32, #tpu.memory_space<vmem_shared>>
      tpu.enqueue_indirect_dma source(%dma_start3A_620 : memref<80xf32, #tpu.memory_space<vmem>>) target(%dma_start3A_622 : memref<10000xf32, #tpu.memory_space<vmem_shared>>) offsets(%arg16 : memref<80xi32, #tpu.memory_space<vmem>>) semaphore(%arg35 : memref<!tpu.dma_semaphore, #tpu.memory_space<semaphore_mem>>) {add = true}
      %dma_wait3A_623 = arith.constant 0 : i32
      %dma_wait3A_624 = arith.constant 0 : i32
      %dma_wait3A_625 = tpu.memref_slice %arg2[%dma_wait3A_623, %dma_wait3A_624] : memref<10000x128xf32, #tpu.memory_space<hbm>> -> memref<10000x128xf32, #tpu.memory_space<hbm>>
      tpu.wait_indirect_dma semaphore(%arg25 : memref<!tpu.dma_semaphore, #tpu.memory_space<semaphore_mem>>) src(%dma_wait3A_625 : memref<10000x128xf32, #tpu.memory_space<hbm>>) dst(%arg9 : memref<80x128xf32, #tpu.memory_space<vmem>>)
      %dma_start3A_626 = arith.constant 0 : i32
      %dma_start3A_627 = arith.constant 0 : i32
      %dma_start3A_628 = tpu.memref_slice %arg6[%dma_start3A_626, %dma_start3A_627] : memref<10000x128xf32, #tpu.memory_space<vmem_shared>> -> memref<10000x128xf32, #tpu.memory_space<vmem_shared>>
      tpu.enqueue_indirect_dma source(%arg9 : memref<80x128xf32, #tpu.memory_space<vmem>>) target(%dma_start3A_628 : memref<10000x128xf32, #tpu.memory_space<vmem_shared>>) offsets(%arg17 : memref<80xi32, #tpu.memory_space<vmem>>) semaphore(%arg29 : memref<!tpu.dma_semaphore, #tpu.memory_space<semaphore_mem>>) {add = true}
      %dma_start3A_629 = arith.constant 0 : i32
      %dma_start3A_630 = tpu.memref_slice %arg34[%dma_start3A_629] : memref<80xf32, #tpu.memory_space<vmem>> -> memref<80xf32, #tpu.memory_space<vmem>>
      %dma_start3A_631 = arith.constant 0 : i32
      %dma_start3A_632 = tpu.memref_slice %arg32[%dma_start3A_631] : memref<10000xf32, #tpu.memory_space<vmem_shared>> -> memref<10000xf32, #tpu.memory_space<vmem_shared>>
      tpu.enqueue_indirect_dma source(%dma_start3A_630 : memref<80xf32, #tpu.memory_space<vmem>>) target(%dma_start3A_632 : memref<10000xf32, #tpu.memory_space<vmem_shared>>) offsets(%arg17 : memref<80xi32, #tpu.memory_space<vmem>>) semaphore(%arg36 : memref<!tpu.dma_semaphore, #tpu.memory_space<semaphore_mem>>) {add = true}
      %scan3A_633 = arith.constant 0 : i32
      scf.yield %scan3A_633 : i32
    }
    %scan3A_368 = arith.constant 30 : i32
    %dma_wait3A_369 = arith.constant 0 : i32
    %dma_wait3A_370 = arith.constant 0 : i32
    %dma_wait3A_371 = tpu.memref_slice %arg2[%dma_wait3A_369, %dma_wait3A_370] : memref<10000x128xf32, #tpu.memory_space<hbm>> -> memref<10000x128xf32, #tpu.memory_space<hbm>>
    tpu.wait_indirect_dma semaphore(%arg26 : memref<!tpu.dma_semaphore, #tpu.memory_space<semaphore_mem>>) src(%dma_wait3A_371 : memref<10000x128xf32, #tpu.memory_space<hbm>>) dst(%arg10 : memref<80x128xf32, #tpu.memory_space<vmem>>)
    %dma_start3A_372 = arith.constant 0 : i32
    %dma_start3A_373 = arith.constant 0 : i32
    %dma_start3A_374 = tpu.memref_slice %arg6[%dma_start3A_372, %dma_start3A_373] : memref<10000x128xf32, #tpu.memory_space<vmem_shared>> -> memref<10000x128xf32, #tpu.memory_space<vmem_shared>>
    tpu.enqueue_indirect_dma source(%arg10 : memref<80x128xf32, #tpu.memory_space<vmem>>) target(%dma_start3A_374 : memref<10000x128xf32, #tpu.memory_space<vmem_shared>>) offsets(%arg18 : memref<80xi32, #tpu.memory_space<vmem>>) semaphore(%arg30 : memref<!tpu.dma_semaphore, #tpu.memory_space<semaphore_mem>>) {add = true}
    %dma_start3A_375 = arith.constant 0 : i32
    %dma_start3A_376 = tpu.memref_slice %arg34[%dma_start3A_375] : memref<80xf32, #tpu.memory_space<vmem>> -> memref<80xf32, #tpu.memory_space<vmem>>
    %dma_start3A_377 = arith.constant 0 : i32
    %dma_start3A_378 = tpu.memref_slice %arg32[%dma_start3A_377] : memref<10000xf32, #tpu.memory_space<vmem_shared>> -> memref<10000xf32, #tpu.memory_space<vmem_shared>>
    tpu.enqueue_indirect_dma source(%dma_start3A_376 : memref<80xf32, #tpu.memory_space<vmem>>) target(%dma_start3A_378 : memref<10000xf32, #tpu.memory_space<vmem_shared>>) offsets(%arg18 : memref<80xi32, #tpu.memory_space<vmem>>) semaphore(%arg37 : memref<!tpu.dma_semaphore, #tpu.memory_space<semaphore_mem>>) {add = true}
    %dma_wait3A_379 = arith.constant 0 : i32
    %dma_wait3A_380 = arith.constant 0 : i32
    %dma_wait3A_381 = tpu.memref_slice %arg2[%dma_wait3A_379, %dma_wait3A_380] : memref<10000x128xf32, #tpu.memory_space<hbm>> -> memref<10000x128xf32, #tpu.memory_space<hbm>>
    tpu.wait_indirect_dma semaphore(%arg27 : memref<!tpu.dma_semaphore, #tpu.memory_space<semaphore_mem>>) src(%dma_wait3A_381 : memref<10000x128xf32, #tpu.memory_space<hbm>>) dst(%arg11 : memref<80x128xf32, #tpu.memory_space<vmem>>)
    %dma_start3A_382 = arith.constant 0 : i32
    %dma_start3A_383 = arith.constant 0 : i32
    %dma_start3A_384 = tpu.memref_slice %arg6[%dma_start3A_382, %dma_start3A_383] : memref<10000x128xf32, #tpu.memory_space<vmem_shared>> -> memref<10000x128xf32, #tpu.memory_space<vmem_shared>>
    tpu.enqueue_indirect_dma source(%arg11 : memref<80x128xf32, #tpu.memory_space<vmem>>) target(%dma_start3A_384 : memref<10000x128xf32, #tpu.memory_space<vmem_shared>>) offsets(%arg19 : memref<80xi32, #tpu.memory_space<vmem>>) semaphore(%arg31 : memref<!tpu.dma_semaphore, #tpu.memory_space<semaphore_mem>>) {add = true}
    %dma_start3A_385 = arith.constant 0 : i32
    %dma_start3A_386 = tpu.memref_slice %arg34[%dma_start3A_385] : memref<80xf32, #tpu.memory_space<vmem>> -> memref<80xf32, #tpu.memory_space<vmem>>
    %dma_start3A_387 = arith.constant 0 : i32
    %dma_start3A_388 = tpu.memref_slice %arg32[%dma_start3A_387] : memref<10000xf32, #tpu.memory_space<vmem_shared>> -> memref<10000xf32, #tpu.memory_space<vmem_shared>>
    tpu.enqueue_indirect_dma source(%dma_start3A_386 : memref<80xf32, #tpu.memory_space<vmem>>) target(%dma_start3A_388 : memref<10000xf32, #tpu.memory_space<vmem_shared>>) offsets(%arg19 : memref<80xi32, #tpu.memory_space<vmem>>) semaphore(%arg38 : memref<!tpu.dma_semaphore, #tpu.memory_space<semaphore_mem>>) {add = true}
    %dma_wait3A_389 = arith.constant 0 : i32
    %dma_wait3A_390 = arith.constant 0 : i32
    %dma_wait3A_391 = tpu.memref_slice %arg6[%dma_wait3A_389, %dma_wait3A_390] : memref<10000x128xf32, #tpu.memory_space<vmem_shared>> -> memref<10000x128xf32, #tpu.memory_space<vmem_shared>>
    tpu.wait_indirect_dma semaphore(%arg28 : memref<!tpu.dma_semaphore, #tpu.memory_space<semaphore_mem>>) src(%arg8 : memref<80x128xf32, #tpu.memory_space<vmem>>) dst(%dma_wait3A_391 : memref<10000x128xf32, #tpu.memory_space<vmem_shared>>)
    %dma_wait3A_392 = arith.constant 0 : i32
    %dma_wait3A_393 = tpu.memref_slice %arg34[%dma_wait3A_392] : memref<80xf32, #tpu.memory_space<vmem>> -> memref<80xf32, #tpu.memory_space<vmem>>
    %dma_wait3A_394 = arith.constant 0 : i32
    %dma_wait3A_395 = tpu.memref_slice %arg32[%dma_wait3A_394] : memref<10000xf32, #tpu.memory_space<vmem_shared>> -> memref<10000xf32, #tpu.memory_space<vmem_shared>>
    tpu.wait_indirect_dma semaphore(%arg35 : memref<!tpu.dma_semaphore, #tpu.memory_space<semaphore_mem>>) src(%dma_wait3A_393 : memref<80xf32, #tpu.memory_space<vmem>>) dst(%dma_wait3A_395 : memref<10000xf32, #tpu.memory_space<vmem_shared>>)
    %dma_wait3A_396 = arith.constant 0 : i32
    %dma_wait3A_397 = arith.constant 0 : i32
    %dma_wait3A_398 = tpu.memref_slice %arg6[%dma_wait3A_396, %dma_wait3A_397] : memref<10000x128xf32, #tpu.memory_space<vmem_shared>> -> memref<10000x128xf32, #tpu.memory_space<vmem_shared>>
    tpu.wait_indirect_dma semaphore(%arg29 : memref<!tpu.dma_semaphore, #tpu.memory_space<semaphore_mem>>) src(%arg9 : memref<80x128xf32, #tpu.memory_space<vmem>>) dst(%dma_wait3A_398 : memref<10000x128xf32, #tpu.memory_space<vmem_shared>>)
    %dma_wait3A_399 = arith.constant 0 : i32
    %dma_wait3A_400 = tpu.memref_slice %arg34[%dma_wait3A_399] : memref<80xf32, #tpu.memory_space<vmem>> -> memref<80xf32, #tpu.memory_space<vmem>>
    %dma_wait3A_401 = arith.constant 0 : i32
    %dma_wait3A_402 = tpu.memref_slice %arg32[%dma_wait3A_401] : memref<10000xf32, #tpu.memory_space<vmem_shared>> -> memref<10000xf32, #tpu.memory_space<vmem_shared>>
    tpu.wait_indirect_dma semaphore(%arg36 : memref<!tpu.dma_semaphore, #tpu.memory_space<semaphore_mem>>) src(%dma_wait3A_400 : memref<80xf32, #tpu.memory_space<vmem>>) dst(%dma_wait3A_402 : memref<10000xf32, #tpu.memory_space<vmem_shared>>)
    %dma_wait3A_403 = arith.constant 0 : i32
    %dma_wait3A_404 = arith.constant 0 : i32
    %dma_wait3A_405 = tpu.memref_slice %arg6[%dma_wait3A_403, %dma_wait3A_404] : memref<10000x128xf32, #tpu.memory_space<vmem_shared>> -> memref<10000x128xf32, #tpu.memory_space<vmem_shared>>
    tpu.wait_indirect_dma semaphore(%arg30 : memref<!tpu.dma_semaphore, #tpu.memory_space<semaphore_mem>>) src(%arg10 : memref<80x128xf32, #tpu.memory_space<vmem>>) dst(%dma_wait3A_405 : memref<10000x128xf32, #tpu.memory_space<vmem_shared>>)
    %dma_wait3A_406 = arith.constant 0 : i32
    %dma_wait3A_407 = tpu.memref_slice %arg34[%dma_wait3A_406] : memref<80xf32, #tpu.memory_space<vmem>> -> memref<80xf32, #tpu.memory_space<vmem>>
    %dma_wait3A_408 = arith.constant 0 : i32
    %dma_wait3A_409 = tpu.memref_slice %arg32[%dma_wait3A_408] : memref<10000xf32, #tpu.memory_space<vmem_shared>> -> memref<10000xf32, #tpu.memory_space<vmem_shared>>
    tpu.wait_indirect_dma semaphore(%arg37 : memref<!tpu.dma_semaphore, #tpu.memory_space<semaphore_mem>>) src(%dma_wait3A_407 : memref<80xf32, #tpu.memory_space<vmem>>) dst(%dma_wait3A_409 : memref<10000xf32, #tpu.memory_space<vmem_shared>>)
    %dma_wait3A_410 = arith.constant 0 : i32
    %dma_wait3A_411 = arith.constant 0 : i32
    %dma_wait3A_412 = tpu.memref_slice %arg6[%dma_wait3A_410, %dma_wait3A_411] : memref<10000x128xf32, #tpu.memory_space<vmem_shared>> -> memref<10000x128xf32, #tpu.memory_space<vmem_shared>>
    tpu.wait_indirect_dma semaphore(%arg31 : memref<!tpu.dma_semaphore, #tpu.memory_space<semaphore_mem>>) src(%arg11 : memref<80x128xf32, #tpu.memory_space<vmem>>) dst(%dma_wait3A_412 : memref<10000x128xf32, #tpu.memory_space<vmem_shared>>)
    %dma_wait3A_413 = arith.constant 0 : i32
    %dma_wait3A_414 = tpu.memref_slice %arg34[%dma_wait3A_413] : memref<80xf32, #tpu.memory_space<vmem>> -> memref<80xf32, #tpu.memory_space<vmem>>
    %dma_wait3A_415 = arith.constant 0 : i32
    %dma_wait3A_416 = tpu.memref_slice %arg32[%dma_wait3A_415] : memref<10000xf32, #tpu.memory_space<vmem_shared>> -> memref<10000xf32, #tpu.memory_space<vmem_shared>>
    tpu.wait_indirect_dma semaphore(%arg38 : memref<!tpu.dma_semaphore, #tpu.memory_space<semaphore_mem>>) src(%dma_wait3A_414 : memref<80xf32, #tpu.memory_space<vmem>>) dst(%dma_wait3A_416 : memref<10000xf32, #tpu.memory_space<vmem_shared>>)
    %add3A_417 = arith.constant 9920 : i32
    %add3A_418 = arith.addi %mul3A_2, %add3A_417 : i32
    %dma_start3A_419 = tpu.memref_slice %arg3[%add3A_418] : memref<640000xi32, #tpu.memory_space<hbm>> -> memref<80xi32, #tpu.memory_space<hbm>>
    %dma_start3A_420 = tpu.memref_slice %arg3[%add3A_418] : memref<640000xi32, #tpu.memory_space<hbm>> -> memref<80xi32, #tpu.memory_space<hbm>>
    tpu.enqueue_dma source(%dma_start3A_420 : memref<80xi32, #tpu.memory_space<hbm>>) target(%arg12 : memref<80xi32, #tpu.memory_space<vmem>>) target_semaphore(%arg20 : memref<!tpu.dma_semaphore, #tpu.memory_space<semaphore_mem>>)
    %add3A_421 = arith.constant 320000 : i32
    %add3A_422 = arith.addi %add3A_421, %add3A_418 : i32
    %dma_start3A_423 = tpu.memref_slice %arg3[%add3A_422] : memref<640000xi32, #tpu.memory_space<hbm>> -> memref<80xi32, #tpu.memory_space<hbm>>
    %dma_start3A_424 = tpu.memref_slice %arg3[%add3A_422] : memref<640000xi32, #tpu.memory_space<hbm>> -> memref<80xi32, #tpu.memory_space<hbm>>
    tpu.enqueue_dma source(%dma_start3A_424 : memref<80xi32, #tpu.memory_space<hbm>>) target(%arg16 : memref<80xi32, #tpu.memory_space<vmem>>) target_semaphore(%arg20 : memref<!tpu.dma_semaphore, #tpu.memory_space<semaphore_mem>>)
    %dma_wait3A_425 = tpu.memref_slice %arg3[%add3A_418] : memref<640000xi32, #tpu.memory_space<hbm>> -> memref<80xi32, #tpu.memory_space<hbm>>
    %dma_wait3A_426 = tpu.memref_slice %arg3[%add3A_418] : memref<640000xi32, #tpu.memory_space<hbm>> -> memref<80xi32, #tpu.memory_space<hbm>>
    tpu.wait_dma2 semaphore(%arg20 : memref<!tpu.dma_semaphore, #tpu.memory_space<semaphore_mem>>) src(%dma_wait3A_426 : memref<80xi32, #tpu.memory_space<hbm>>) dst(%arg12 : memref<80xi32, #tpu.memory_space<vmem>>)
    %dma_wait3A_427 = tpu.memref_slice %arg3[%add3A_422] : memref<640000xi32, #tpu.memory_space<hbm>> -> memref<80xi32, #tpu.memory_space<hbm>>
    %dma_wait3A_428 = tpu.memref_slice %arg3[%add3A_422] : memref<640000xi32, #tpu.memory_space<hbm>> -> memref<80xi32, #tpu.memory_space<hbm>>
    tpu.wait_dma2 semaphore(%arg20 : memref<!tpu.dma_semaphore, #tpu.memory_space<semaphore_mem>>) src(%dma_wait3A_428 : memref<80xi32, #tpu.memory_space<hbm>>) dst(%arg16 : memref<80xi32, #tpu.memory_space<vmem>>)
    %dma_start3A_429 = arith.constant 0 : i32
    %dma_start3A_430 = arith.constant 0 : i32
    %dma_start3A_431 = tpu.memref_slice %arg2[%dma_start3A_429, %dma_start3A_430] : memref<10000x128xf32, #tpu.memory_space<hbm>> -> memref<10000x128xf32, #tpu.memory_space<hbm>>
    tpu.enqueue_indirect_dma source(%dma_start3A_431 : memref<10000x128xf32, #tpu.memory_space<hbm>>) target(%arg8 : memref<80x128xf32, #tpu.memory_space<vmem>>) offsets(%arg12 : memref<80xi32, #tpu.memory_space<vmem>>) semaphore(%arg24 : memref<!tpu.dma_semaphore, #tpu.memory_space<semaphore_mem>>)
    %dma_wait3A_432 = arith.constant 0 : i32
    %dma_wait3A_433 = arith.constant 0 : i32
    %dma_wait3A_434 = tpu.memref_slice %arg2[%dma_wait3A_432, %dma_wait3A_433] : memref<10000x128xf32, #tpu.memory_space<hbm>> -> memref<10000x128xf32, #tpu.memory_space<hbm>>
    tpu.wait_indirect_dma semaphore(%arg24 : memref<!tpu.dma_semaphore, #tpu.memory_space<semaphore_mem>>) src(%dma_wait3A_434 : memref<10000x128xf32, #tpu.memory_space<hbm>>) dst(%arg8 : memref<80x128xf32, #tpu.memory_space<vmem>>)
    %dma_start3A_435 = arith.constant 0 : i32
    %dma_start3A_436 = arith.constant 0 : i32
    %dma_start3A_437 = tpu.memref_slice %arg6[%dma_start3A_435, %dma_start3A_436] : memref<10000x128xf32, #tpu.memory_space<vmem_shared>> -> memref<10000x128xf32, #tpu.memory_space<vmem_shared>>
    tpu.enqueue_indirect_dma source(%arg8 : memref<80x128xf32, #tpu.memory_space<vmem>>) target(%dma_start3A_437 : memref<10000x128xf32, #tpu.memory_space<vmem_shared>>) offsets(%arg16 : memref<80xi32, #tpu.memory_space<vmem>>) semaphore(%arg28 : memref<!tpu.dma_semaphore, #tpu.memory_space<semaphore_mem>>) {add = true}
    %dma_wait3A_438 = arith.constant 0 : i32
    %dma_wait3A_439 = arith.constant 0 : i32
    %dma_wait3A_440 = tpu.memref_slice %arg6[%dma_wait3A_438, %dma_wait3A_439] : memref<10000x128xf32, #tpu.memory_space<vmem_shared>> -> memref<10000x128xf32, #tpu.memory_space<vmem_shared>>
    tpu.wait_indirect_dma semaphore(%arg28 : memref<!tpu.dma_semaphore, #tpu.memory_space<semaphore_mem>>) src(%arg8 : memref<80x128xf32, #tpu.memory_space<vmem>>) dst(%dma_wait3A_440 : memref<10000x128xf32, #tpu.memory_space<vmem_shared>>)
    %dma_start3A_441 = arith.constant 0 : i32
    %dma_start3A_442 = tpu.memref_slice %arg34[%dma_start3A_441] : memref<80xf32, #tpu.memory_space<vmem>> -> memref<80xf32, #tpu.memory_space<vmem>>
    %dma_start3A_443 = arith.constant 0 : i32
    %dma_start3A_444 = tpu.memref_slice %arg32[%dma_start3A_443] : memref<10000xf32, #tpu.memory_space<vmem_shared>> -> memref<10000xf32, #tpu.memory_space<vmem_shared>>
    tpu.enqueue_indirect_dma source(%dma_start3A_442 : memref<80xf32, #tpu.memory_space<vmem>>) target(%dma_start3A_444 : memref<10000xf32, #tpu.memory_space<vmem_shared>>) offsets(%arg16 : memref<80xi32, #tpu.memory_space<vmem>>) semaphore(%arg35 : memref<!tpu.dma_semaphore, #tpu.memory_space<semaphore_mem>>) {add = true}
    %dma_wait3A_445 = arith.constant 0 : i32
    %dma_wait3A_446 = tpu.memref_slice %arg34[%dma_wait3A_445] : memref<80xf32, #tpu.memory_space<vmem>> -> memref<80xf32, #tpu.memory_space<vmem>>
    %dma_wait3A_447 = arith.constant 0 : i32
    %dma_wait3A_448 = tpu.memref_slice %arg32[%dma_wait3A_447] : memref<10000xf32, #tpu.memory_space<vmem_shared>> -> memref<10000xf32, #tpu.memory_space<vmem_shared>>
    tpu.wait_indirect_dma semaphore(%arg35 : memref<!tpu.dma_semaphore, #tpu.memory_space<semaphore_mem>>) src(%dma_wait3A_446 : memref<80xf32, #tpu.memory_space<vmem>>) dst(%dma_wait3A_448 : memref<10000xf32, #tpu.memory_space<vmem_shared>>)
    %barrier3A_449 = arith.constant 0 : index
    tpu.barrier barrier_id(%barrier3A_449)
    %mul3A_450 = arith.constant 624 : i32
    %mul3A_451 = arith.muli %arg1, %mul3A_450 : i32
    %mul3A_452 = arith.constant 624 : i32
    %mul3A_453 = arith.muli %arg1, %mul3A_452 : i32
    %dma_start3A_454 = arith.constant 0 : i32
    %dma_start3A_455 = tpu.memref_slice %arg4[%arg0, %mul3A_453, %dma_start3A_454] : memref<2x10000x128xf32, #tpu.memory_space<hbm>> -> memref<1x640x128xf32, #tpu.memory_space<hbm>>
    %dma_start3A_456 = tpu.memref_squeeze %dma_start3A_455 : memref<1x640x128xf32, #tpu.memory_space<hbm>> -> memref<640x128xf32, #tpu.memory_space<hbm>>
    %dma_start3A_457 = arith.constant 0 : i32
    %dma_start3A_458 = tpu.memref_slice %arg6[%mul3A_451, %dma_start3A_457] : memref<10000x128xf32, #tpu.memory_space<vmem_shared>> -> memref<640x128xf32, #tpu.memory_space<vmem_shared>>
    tpu.enqueue_dma source(%dma_start3A_458 : memref<640x128xf32, #tpu.memory_space<vmem_shared>>) target(%dma_start3A_456 : memref<640x128xf32, #tpu.memory_space<hbm>>) target_semaphore(%arg24 : memref<!tpu.dma_semaphore, #tpu.memory_space<semaphore_mem>>)
    %mul3A_459 = arith.constant 624 : i32
    %mul3A_460 = arith.muli %arg1, %mul3A_459 : i32
    %dma_start3A_461 = tpu.memref_slice %arg32[%mul3A_460] : memref<10000xf32, #tpu.memory_space<vmem_shared>> -> memref<640xf32, #tpu.memory_space<vmem_shared>>
    %dma_start3A_462 = tpu.memref_slice %arg32[%mul3A_460] : memref<10000xf32, #tpu.memory_space<vmem_shared>> -> memref<640xf32, #tpu.memory_space<vmem_shared>>
    tpu.enqueue_dma source(%dma_start3A_462 : memref<640xf32, #tpu.memory_space<vmem_shared>>) target(%arg33 : memref<640xf32, #tpu.memory_space<vmem>>) target_semaphore(%arg25 : memref<!tpu.dma_semaphore, #tpu.memory_space<semaphore_mem>>)
    %dma_wait3A_463 = tpu.memref_slice %arg32[%mul3A_460] : memref<10000xf32, #tpu.memory_space<vmem_shared>> -> memref<640xf32, #tpu.memory_space<vmem_shared>>
    %dma_wait3A_464 = tpu.memref_slice %arg32[%mul3A_460] : memref<10000xf32, #tpu.memory_space<vmem_shared>> -> memref<640xf32, #tpu.memory_space<vmem_shared>>
    tpu.wait_dma2 semaphore(%arg25 : memref<!tpu.dma_semaphore, #tpu.memory_space<semaphore_mem>>) src(%dma_wait3A_464 : memref<640xf32, #tpu.memory_space<vmem_shared>>) dst(%arg33 : memref<640xf32, #tpu.memory_space<vmem>>)
    %mul3A_465 = arith.constant 10000 : i32
    %mul3A_466 = arith.muli %arg0, %mul3A_465 : i32
    %mul3A_467 = arith.constant 624 : i32
    %mul3A_468 = arith.muli %arg1, %mul3A_467 : i32
    %add3A_469 = arith.addi %mul3A_466, %mul3A_468 : i32
    %dma_start3A_470 = tpu.memref_slice %arg5[%add3A_469] : memref<20000xf32, #tpu.memory_space<hbm>> -> memref<640xf32, #tpu.memory_space<hbm>>
    %dma_start3A_471 = tpu.memref_slice %arg5[%add3A_469] : memref<20000xf32, #tpu.memory_space<hbm>> -> memref<640xf32, #tpu.memory_space<hbm>>
    tpu.enqueue_dma source(%arg33 : memref<640xf32, #tpu.memory_space<vmem>>) target(%dma_start3A_471 : memref<640xf32, #tpu.memory_space<hbm>>) target_semaphore(%arg26 : memref<!tpu.dma_semaphore, #tpu.memory_space<semaphore_mem>>)
    %dma_wait3A_472 = tpu.memref_slice %arg5[%add3A_469] : memref<20000xf32, #tpu.memory_space<hbm>> -> memref<640xf32, #tpu.memory_space<hbm>>
    %dma_wait3A_473 = tpu.memref_slice %arg5[%add3A_469] : memref<20000xf32, #tpu.memory_space<hbm>> -> memref<640xf32, #tpu.memory_space<hbm>>
    tpu.wait_dma2 semaphore(%arg26 : memref<!tpu.dma_semaphore, #tpu.memory_space<semaphore_mem>>) src(%arg33 : memref<640xf32, #tpu.memory_space<vmem>>) dst(%dma_wait3A_473 : memref<640xf32, #tpu.memory_space<hbm>>)
    %dma_wait3A_474 = arith.constant 0 : i32
    %dma_wait3A_475 = tpu.memref_slice %arg4[%arg0, %mul3A_453, %dma_wait3A_474] : memref<2x10000x128xf32, #tpu.memory_space<hbm>> -> memref<1x640x128xf32, #tpu.memory_space<hbm>>
    %dma_wait3A_476 = tpu.memref_squeeze %dma_wait3A_475 : memref<1x640x128xf32, #tpu.memory_space<hbm>> -> memref<640x128xf32, #tpu.memory_space<hbm>>
    %dma_wait3A_477 = arith.constant 0 : i32
    %dma_wait3A_478 = tpu.memref_slice %arg6[%mul3A_451, %dma_wait3A_477] : memref<10000x128xf32, #tpu.memory_space<vmem_shared>> -> memref<640x128xf32, #tpu.memory_space<vmem_shared>>
    tpu.wait_dma2 semaphore(%arg24 : memref<!tpu.dma_semaphore, #tpu.memory_space<semaphore_mem>>) src(%dma_wait3A_478 : memref<640x128xf32, #tpu.memory_space<vmem_shared>>) dst(%dma_wait3A_476 : memref<640x128xf32, #tpu.memory_space<hbm>>)
    return
  }
}

#map = affine_map<(d0, d1) -> (0, 0)>
#map1 = affine_map<(d0, d1) -> (0)>
#map2 = affine_map<(d0, d1) -> (0, 0, 0)>
module attributes {stable_mosaic.version = 14 : i64} {
  func.func @edge_scatter(%arg0: i32, %arg1: i32, %arg2: memref<10000x128xf32, #tpu.memory_space<hbm>>, %arg3: memref<640000xi32, #tpu.memory_space<hbm>>, %arg4: memref<2x10000x128xf32, #tpu.memory_space<hbm>>, %arg5: memref<10000x128xf32, #tpu.memory_space<vmem_shared>>, %arg6: memref<32x128xf32, #tpu.memory_space<vmem>>, %arg7: memref<80x128xf32, #tpu.memory_space<vmem>>, %arg8: memref<80x128xf32, #tpu.memory_space<vmem>>, %arg9: memref<80x128xf32, #tpu.memory_space<vmem>>, %arg10: memref<80x128xf32, #tpu.memory_space<vmem>>, %arg11: memref<80xi32, #tpu.memory_space<vmem>>, %arg12: memref<80xi32, #tpu.memory_space<vmem>>, %arg13: memref<80xi32, #tpu.memory_space<vmem>>, %arg14: memref<80xi32, #tpu.memory_space<vmem>>, %arg15: memref<80xi32, #tpu.memory_space<vmem>>, %arg16: memref<80xi32, #tpu.memory_space<vmem>>, %arg17: memref<80xi32, #tpu.memory_space<vmem>>, %arg18: memref<80xi32, #tpu.memory_space<vmem>>, %arg19: memref<!tpu.dma_semaphore, #tpu.memory_space<semaphore_mem>>, %arg20: memref<!tpu.dma_semaphore, #tpu.memory_space<semaphore_mem>>, %arg21: memref<!tpu.dma_semaphore, #tpu.memory_space<semaphore_mem>>, %arg22: memref<!tpu.dma_semaphore, #tpu.memory_space<semaphore_mem>>, %arg23: memref<!tpu.dma_semaphore, #tpu.memory_space<semaphore_mem>>, %arg24: memref<!tpu.dma_semaphore, #tpu.memory_space<semaphore_mem>>, %arg25: memref<!tpu.dma_semaphore, #tpu.memory_space<semaphore_mem>>, %arg26: memref<!tpu.dma_semaphore, #tpu.memory_space<semaphore_mem>>, %arg27: memref<!tpu.dma_semaphore, #tpu.memory_space<semaphore_mem>>, %arg28: memref<!tpu.dma_semaphore, #tpu.memory_space<semaphore_mem>>, %arg29: memref<!tpu.dma_semaphore, #tpu.memory_space<semaphore_mem>>, %arg30: memref<!tpu.dma_semaphore, #tpu.memory_space<semaphore_mem>>) attributes {dimension_semantics = [#tpu.dimension_semantics<core_parallel>, #tpu.dimension_semantics<subcore_parallel>], iteration_bounds = array<i64: 2, 16>, scalar_prefetch = 0 : i64, scratch_operands = 26 : i64, tpu.core_type = #tpu.core_type<sc_vector_subcore>, window_params = [{transform_indices = #map}, {transform_indices = #map1}, {transform_indices = #map2}]} {
    %mul3A = arith.constant 16 : i32
    %mul3A_0 = arith.muli %arg0, %mul3A : i32
    %add3A = arith.addi %mul3A_0, %arg1 : i32
    %mul3A_1 = arith.constant 10000 : i32
    %mul3A_2 = arith.muli %add3A, %mul3A_1 : i32
    %add3A_3 = arith.constant 0 : i32
    %add3A_4 = arith.addi %mul3A_2, %add3A_3 : i32
    %dma_start3A = tpu.memref_slice %arg3[%add3A_4] : memref<640000xi32, #tpu.memory_space<hbm>> -> memref<80xi32, #tpu.memory_space<hbm>>
    %dma_start3A_5 = tpu.memref_slice %arg3[%add3A_4] : memref<640000xi32, #tpu.memory_space<hbm>> -> memref<80xi32, #tpu.memory_space<hbm>>
    tpu.enqueue_dma source(%dma_start3A_5 : memref<80xi32, #tpu.memory_space<hbm>>) target(%arg11 : memref<80xi32, #tpu.memory_space<vmem>>) target_semaphore(%arg19 : memref<!tpu.dma_semaphore, #tpu.memory_space<semaphore_mem>>)
    %add3A_6 = arith.constant 320000 : i32
    %add3A_7 = arith.addi %add3A_6, %add3A_4 : i32
    %dma_start3A_8 = tpu.memref_slice %arg3[%add3A_7] : memref<640000xi32, #tpu.memory_space<hbm>> -> memref<80xi32, #tpu.memory_space<hbm>>
    %dma_start3A_9 = tpu.memref_slice %arg3[%add3A_7] : memref<640000xi32, #tpu.memory_space<hbm>> -> memref<80xi32, #tpu.memory_space<hbm>>
    tpu.enqueue_dma source(%dma_start3A_9 : memref<80xi32, #tpu.memory_space<hbm>>) target(%arg15 : memref<80xi32, #tpu.memory_space<vmem>>) target_semaphore(%arg19 : memref<!tpu.dma_semaphore, #tpu.memory_space<semaphore_mem>>)
    %add3A_10 = arith.constant 80 : i32
    %add3A_11 = arith.addi %mul3A_2, %add3A_10 : i32
    %dma_start3A_12 = tpu.memref_slice %arg3[%add3A_11] : memref<640000xi32, #tpu.memory_space<hbm>> -> memref<80xi32, #tpu.memory_space<hbm>>
    %dma_start3A_13 = tpu.memref_slice %arg3[%add3A_11] : memref<640000xi32, #tpu.memory_space<hbm>> -> memref<80xi32, #tpu.memory_space<hbm>>
    tpu.enqueue_dma source(%dma_start3A_13 : memref<80xi32, #tpu.memory_space<hbm>>) target(%arg12 : memref<80xi32, #tpu.memory_space<vmem>>) target_semaphore(%arg20 : memref<!tpu.dma_semaphore, #tpu.memory_space<semaphore_mem>>)
    %add3A_14 = arith.constant 320000 : i32
    %add3A_15 = arith.addi %add3A_14, %add3A_11 : i32
    %dma_start3A_16 = tpu.memref_slice %arg3[%add3A_15] : memref<640000xi32, #tpu.memory_space<hbm>> -> memref<80xi32, #tpu.memory_space<hbm>>
    %dma_start3A_17 = tpu.memref_slice %arg3[%add3A_15] : memref<640000xi32, #tpu.memory_space<hbm>> -> memref<80xi32, #tpu.memory_space<hbm>>
    tpu.enqueue_dma source(%dma_start3A_17 : memref<80xi32, #tpu.memory_space<hbm>>) target(%arg16 : memref<80xi32, #tpu.memory_space<vmem>>) target_semaphore(%arg20 : memref<!tpu.dma_semaphore, #tpu.memory_space<semaphore_mem>>)
    %dma_wait3A = tpu.memref_slice %arg3[%add3A_4] : memref<640000xi32, #tpu.memory_space<hbm>> -> memref<80xi32, #tpu.memory_space<hbm>>
    %dma_wait3A_18 = tpu.memref_slice %arg3[%add3A_4] : memref<640000xi32, #tpu.memory_space<hbm>> -> memref<80xi32, #tpu.memory_space<hbm>>
    tpu.wait_dma2 semaphore(%arg19 : memref<!tpu.dma_semaphore, #tpu.memory_space<semaphore_mem>>) src(%dma_wait3A_18 : memref<80xi32, #tpu.memory_space<hbm>>) dst(%arg11 : memref<80xi32, #tpu.memory_space<vmem>>)
    %dma_wait3A_19 = tpu.memref_slice %arg3[%add3A_7] : memref<640000xi32, #tpu.memory_space<hbm>> -> memref<80xi32, #tpu.memory_space<hbm>>
    %dma_wait3A_20 = tpu.memref_slice %arg3[%add3A_7] : memref<640000xi32, #tpu.memory_space<hbm>> -> memref<80xi32, #tpu.memory_space<hbm>>
    tpu.wait_dma2 semaphore(%arg19 : memref<!tpu.dma_semaphore, #tpu.memory_space<semaphore_mem>>) src(%dma_wait3A_20 : memref<80xi32, #tpu.memory_space<hbm>>) dst(%arg15 : memref<80xi32, #tpu.memory_space<vmem>>)
    %dma_start3A_21 = arith.constant 0 : i32
    %dma_start3A_22 = arith.constant 0 : i32
    %dma_start3A_23 = tpu.memref_slice %arg2[%dma_start3A_21, %dma_start3A_22] : memref<10000x128xf32, #tpu.memory_space<hbm>> -> memref<10000x128xf32, #tpu.memory_space<hbm>>
    tpu.enqueue_indirect_dma source(%dma_start3A_23 : memref<10000x128xf32, #tpu.memory_space<hbm>>) target(%arg7 : memref<80x128xf32, #tpu.memory_space<vmem>>) offsets(%arg11 : memref<80xi32, #tpu.memory_space<vmem>>) semaphore(%arg23 : memref<!tpu.dma_semaphore, #tpu.memory_space<semaphore_mem>>)
    %dma_wait3A_24 = tpu.memref_slice %arg3[%add3A_11] : memref<640000xi32, #tpu.memory_space<hbm>> -> memref<80xi32, #tpu.memory_space<hbm>>
    %dma_wait3A_25 = tpu.memref_slice %arg3[%add3A_11] : memref<640000xi32, #tpu.memory_space<hbm>> -> memref<80xi32, #tpu.memory_space<hbm>>
    tpu.wait_dma2 semaphore(%arg20 : memref<!tpu.dma_semaphore, #tpu.memory_space<semaphore_mem>>) src(%dma_wait3A_25 : memref<80xi32, #tpu.memory_space<hbm>>) dst(%arg12 : memref<80xi32, #tpu.memory_space<vmem>>)
    %dma_wait3A_26 = tpu.memref_slice %arg3[%add3A_15] : memref<640000xi32, #tpu.memory_space<hbm>> -> memref<80xi32, #tpu.memory_space<hbm>>
    %dma_wait3A_27 = tpu.memref_slice %arg3[%add3A_15] : memref<640000xi32, #tpu.memory_space<hbm>> -> memref<80xi32, #tpu.memory_space<hbm>>
    tpu.wait_dma2 semaphore(%arg20 : memref<!tpu.dma_semaphore, #tpu.memory_space<semaphore_mem>>) src(%dma_wait3A_27 : memref<80xi32, #tpu.memory_space<hbm>>) dst(%arg16 : memref<80xi32, #tpu.memory_space<vmem>>)
    %dma_start3A_28 = arith.constant 0 : i32
    %dma_start3A_29 = arith.constant 0 : i32
    %dma_start3A_30 = tpu.memref_slice %arg2[%dma_start3A_28, %dma_start3A_29] : memref<10000x128xf32, #tpu.memory_space<hbm>> -> memref<10000x128xf32, #tpu.memory_space<hbm>>
    tpu.enqueue_indirect_dma source(%dma_start3A_30 : memref<10000x128xf32, #tpu.memory_space<hbm>>) target(%arg8 : memref<80x128xf32, #tpu.memory_space<vmem>>) offsets(%arg12 : memref<80xi32, #tpu.memory_space<vmem>>) semaphore(%arg24 : memref<!tpu.dma_semaphore, #tpu.memory_space<semaphore_mem>>)
    %add3A_31 = arith.constant 160 : i32
    %add3A_32 = arith.addi %mul3A_2, %add3A_31 : i32
    %dma_start3A_33 = tpu.memref_slice %arg3[%add3A_32] : memref<640000xi32, #tpu.memory_space<hbm>> -> memref<80xi32, #tpu.memory_space<hbm>>
    %dma_start3A_34 = tpu.memref_slice %arg3[%add3A_32] : memref<640000xi32, #tpu.memory_space<hbm>> -> memref<80xi32, #tpu.memory_space<hbm>>
    tpu.enqueue_dma source(%dma_start3A_34 : memref<80xi32, #tpu.memory_space<hbm>>) target(%arg13 : memref<80xi32, #tpu.memory_space<vmem>>) target_semaphore(%arg21 : memref<!tpu.dma_semaphore, #tpu.memory_space<semaphore_mem>>)
    %add3A_35 = arith.constant 320000 : i32
    %add3A_36 = arith.addi %add3A_35, %add3A_32 : i32
    %dma_start3A_37 = tpu.memref_slice %arg3[%add3A_36] : memref<640000xi32, #tpu.memory_space<hbm>> -> memref<80xi32, #tpu.memory_space<hbm>>
    %dma_start3A_38 = tpu.memref_slice %arg3[%add3A_36] : memref<640000xi32, #tpu.memory_space<hbm>> -> memref<80xi32, #tpu.memory_space<hbm>>
    tpu.enqueue_dma source(%dma_start3A_38 : memref<80xi32, #tpu.memory_space<hbm>>) target(%arg17 : memref<80xi32, #tpu.memory_space<vmem>>) target_semaphore(%arg21 : memref<!tpu.dma_semaphore, #tpu.memory_space<semaphore_mem>>)
    %add3A_39 = arith.constant 240 : i32
    %add3A_40 = arith.addi %mul3A_2, %add3A_39 : i32
    %dma_start3A_41 = tpu.memref_slice %arg3[%add3A_40] : memref<640000xi32, #tpu.memory_space<hbm>> -> memref<80xi32, #tpu.memory_space<hbm>>
    %dma_start3A_42 = tpu.memref_slice %arg3[%add3A_40] : memref<640000xi32, #tpu.memory_space<hbm>> -> memref<80xi32, #tpu.memory_space<hbm>>
    tpu.enqueue_dma source(%dma_start3A_42 : memref<80xi32, #tpu.memory_space<hbm>>) target(%arg14 : memref<80xi32, #tpu.memory_space<vmem>>) target_semaphore(%arg22 : memref<!tpu.dma_semaphore, #tpu.memory_space<semaphore_mem>>)
    %add3A_43 = arith.constant 320000 : i32
    %add3A_44 = arith.addi %add3A_43, %add3A_40 : i32
    %dma_start3A_45 = tpu.memref_slice %arg3[%add3A_44] : memref<640000xi32, #tpu.memory_space<hbm>> -> memref<80xi32, #tpu.memory_space<hbm>>
    %dma_start3A_46 = tpu.memref_slice %arg3[%add3A_44] : memref<640000xi32, #tpu.memory_space<hbm>> -> memref<80xi32, #tpu.memory_space<hbm>>
    tpu.enqueue_dma source(%dma_start3A_46 : memref<80xi32, #tpu.memory_space<hbm>>) target(%arg18 : memref<80xi32, #tpu.memory_space<vmem>>) target_semaphore(%arg22 : memref<!tpu.dma_semaphore, #tpu.memory_space<semaphore_mem>>)
    %dma_wait3A_47 = tpu.memref_slice %arg3[%add3A_32] : memref<640000xi32, #tpu.memory_space<hbm>> -> memref<80xi32, #tpu.memory_space<hbm>>
    %dma_wait3A_48 = tpu.memref_slice %arg3[%add3A_32] : memref<640000xi32, #tpu.memory_space<hbm>> -> memref<80xi32, #tpu.memory_space<hbm>>
    tpu.wait_dma2 semaphore(%arg21 : memref<!tpu.dma_semaphore, #tpu.memory_space<semaphore_mem>>) src(%dma_wait3A_48 : memref<80xi32, #tpu.memory_space<hbm>>) dst(%arg13 : memref<80xi32, #tpu.memory_space<vmem>>)
    %dma_wait3A_49 = tpu.memref_slice %arg3[%add3A_36] : memref<640000xi32, #tpu.memory_space<hbm>> -> memref<80xi32, #tpu.memory_space<hbm>>
    %dma_wait3A_50 = tpu.memref_slice %arg3[%add3A_36] : memref<640000xi32, #tpu.memory_space<hbm>> -> memref<80xi32, #tpu.memory_space<hbm>>
    tpu.wait_dma2 semaphore(%arg21 : memref<!tpu.dma_semaphore, #tpu.memory_space<semaphore_mem>>) src(%dma_wait3A_50 : memref<80xi32, #tpu.memory_space<hbm>>) dst(%arg17 : memref<80xi32, #tpu.memory_space<vmem>>)
    %dma_start3A_51 = arith.constant 0 : i32
    %dma_start3A_52 = arith.constant 0 : i32
    %dma_start3A_53 = tpu.memref_slice %arg2[%dma_start3A_51, %dma_start3A_52] : memref<10000x128xf32, #tpu.memory_space<hbm>> -> memref<10000x128xf32, #tpu.memory_space<hbm>>
    tpu.enqueue_indirect_dma source(%dma_start3A_53 : memref<10000x128xf32, #tpu.memory_space<hbm>>) target(%arg9 : memref<80x128xf32, #tpu.memory_space<vmem>>) offsets(%arg13 : memref<80xi32, #tpu.memory_space<vmem>>) semaphore(%arg25 : memref<!tpu.dma_semaphore, #tpu.memory_space<semaphore_mem>>)
    %dma_wait3A_54 = tpu.memref_slice %arg3[%add3A_40] : memref<640000xi32, #tpu.memory_space<hbm>> -> memref<80xi32, #tpu.memory_space<hbm>>
    %dma_wait3A_55 = tpu.memref_slice %arg3[%add3A_40] : memref<640000xi32, #tpu.memory_space<hbm>> -> memref<80xi32, #tpu.memory_space<hbm>>
    tpu.wait_dma2 semaphore(%arg22 : memref<!tpu.dma_semaphore, #tpu.memory_space<semaphore_mem>>) src(%dma_wait3A_55 : memref<80xi32, #tpu.memory_space<hbm>>) dst(%arg14 : memref<80xi32, #tpu.memory_space<vmem>>)
    %dma_wait3A_56 = tpu.memref_slice %arg3[%add3A_44] : memref<640000xi32, #tpu.memory_space<hbm>> -> memref<80xi32, #tpu.memory_space<hbm>>
    %dma_wait3A_57 = tpu.memref_slice %arg3[%add3A_44] : memref<640000xi32, #tpu.memory_space<hbm>> -> memref<80xi32, #tpu.memory_space<hbm>>
    tpu.wait_dma2 semaphore(%arg22 : memref<!tpu.dma_semaphore, #tpu.memory_space<semaphore_mem>>) src(%dma_wait3A_57 : memref<80xi32, #tpu.memory_space<hbm>>) dst(%arg18 : memref<80xi32, #tpu.memory_space<vmem>>)
    %dma_start3A_58 = arith.constant 0 : i32
    %dma_start3A_59 = arith.constant 0 : i32
    %dma_start3A_60 = tpu.memref_slice %arg2[%dma_start3A_58, %dma_start3A_59] : memref<10000x128xf32, #tpu.memory_space<hbm>> -> memref<10000x128xf32, #tpu.memory_space<hbm>>
    tpu.enqueue_indirect_dma source(%dma_start3A_60 : memref<10000x128xf32, #tpu.memory_space<hbm>>) target(%arg10 : memref<80x128xf32, #tpu.memory_space<vmem>>) offsets(%arg14 : memref<80xi32, #tpu.memory_space<vmem>>) semaphore(%arg26 : memref<!tpu.dma_semaphore, #tpu.memory_space<semaphore_mem>>)
    %broadcast_in_dim3A = arith.constant 0.000000e+00 : f32
    %broadcast_in_dim3A_61 = vector.broadcast %broadcast_in_dim3A : f32 to vector<16xf32>
    %scan3A = arith.constant 0 : i32
    %scan3A_62 = arith.constant 0 : i32
    %scan3A_63 = arith.constant 256 : i32
    %scan3A_64 = arith.addi %scan3A_62, %scan3A_63 : i32
    %scan3A_65 = arith.constant 1 : i32
    %scan3A_66 = scf.for %scan3A_390 = %scan3A_62 to %scan3A_64 step %scan3A_65 iter_args(%scan3A_391 = %scan3A) -> (i32)  : i32 {
      %jit3A = arith.constant 8 : i32
      %div3A = arith.divsi %scan3A_390, %jit3A : i32
      %sign3A = arith.constant 0 : i32
      %sign3A_392 = arith.cmpi sgt, %scan3A_390, %sign3A : i32
      %sign3A_393 = arith.extui %sign3A_392 : i1 to i32
      %sign3A_394 = arith.constant 0 : i32
      %sign3A_395 = arith.cmpi slt, %scan3A_390, %sign3A_394 : i32
      %sign3A_396 = arith.extui %sign3A_395 : i1 to i32
      %sign3A_397 = arith.subi %sign3A_393, %sign3A_396 : i32
      %sign3A_398 = arith.constant 0 : i32
      %sign3A_399 = arith.cmpi sgt, %jit3A, %sign3A_398 : i32
      %sign3A_400 = arith.extui %sign3A_399 : i1 to i32
      %sign3A_401 = arith.constant 0 : i32
      %sign3A_402 = arith.cmpi slt, %jit3A, %sign3A_401 : i32
      %sign3A_403 = arith.extui %sign3A_402 : i1 to i32
      %sign3A_404 = arith.subi %sign3A_400, %sign3A_403 : i32
      %ne3A = arith.cmpi ne, %sign3A_397, %sign3A_404 : i32
      %rem3A = arith.remsi %scan3A_390, %jit3A : i32
      %ne3A_405 = arith.constant 0 : i32
      %ne3A_406 = arith.cmpi ne, %rem3A, %ne3A_405 : i32
      %and3A = arith.andi %ne3A, %ne3A_406 : i1
      %sub3A = arith.constant 1 : i32
      %sub3A_407 = arith.subi %div3A, %sub3A : i32
      %select_n3A = arith.select %and3A, %sub3A_407, %div3A : i32
      %jit3A_408 = arith.constant 8 : i32
      %eq3A = arith.constant 0 : i32
      %eq3A_409 = arith.cmpi eq, %jit3A_408, %eq3A : i32
      %jit3A_410 = arith.constant 1 : i32
      %select_n3A_411 = arith.select %eq3A_409, %jit3A_410, %jit3A_408 : i32
      %rem3A_412 = arith.remsi %scan3A_390, %select_n3A_411 : i32
      %ne3A_413 = arith.constant 0 : i32
      %ne3A_414 = arith.cmpi ne, %rem3A_412, %ne3A_413 : i32
      %lt3A = arith.constant 0 : i32
      %lt3A_415 = arith.cmpi slt, %rem3A_412, %lt3A : i32
      %lt3A_416 = arith.constant 0 : i32
      %lt3A_417 = arith.cmpi slt, %select_n3A_411, %lt3A_416 : i32
      %ne3A_418 = arith.xori %lt3A_415, %lt3A_417 : i1
      %and3A_419 = arith.andi %ne3A_418, %ne3A_414 : i1
      %add3A_420 = arith.addi %rem3A_412, %select_n3A_411 : i32
      %select_n3A_421 = arith.select %and3A_419, %add3A_420, %rem3A_412 : i32
      %mul3A_422 = arith.constant 16 : i32
      %mul3A_423 = arith.muli %select_n3A_421, %mul3A_422 : i32
      %swap3A = arith.index_cast %select_n3A : i32 to index
      %swap3A_424 = arith.index_cast %mul3A_423 : i32 to index
      %swap3A_425 = tpu.vector_load %arg6[%swap3A, %swap3A_424] {strides = array<i32>} : memref<32x128xf32, #tpu.memory_space<vmem>>, vector<1x16xf32>,
      %swap3A_426 = vector.shape_cast %swap3A_425 : vector<1x16xf32> to vector<16xf32>
      %swap3A_427 = vector.shape_cast %broadcast_in_dim3A_61 : vector<16xf32> to vector<1x16xf32>
      tpu.vector_store %arg6[%swap3A, %swap3A_424], %swap3A_427 {strides = array<i32>} : memref<32x128xf32, #tpu.memory_space<vmem>>, vector<1x16xf32>,
      %scan3A_428 = arith.constant 0 : i32
      scf.yield %scan3A_428 : i32
    }
    %scan3A_67 = arith.constant 256 : i32
    %mul3A_68 = arith.constant 624 : i32
    %mul3A_69 = arith.muli %arg1, %mul3A_68 : i32
    %add3A_70 = arith.constant 0 : i32
    %add3A_71 = arith.addi %mul3A_69, %add3A_70 : i32
    %dma_start3A_72 = arith.constant 0 : i32
    %dma_start3A_73 = tpu.memref_slice %arg5[%add3A_71, %dma_start3A_72] : memref<10000x128xf32, #tpu.memory_space<vmem_shared>> -> memref<32x128xf32, #tpu.memory_space<vmem_shared>>
    %dma_start3A_74 = arith.constant 0 : i32
    %dma_start3A_75 = tpu.memref_slice %arg5[%add3A_71, %dma_start3A_74] : memref<10000x128xf32, #tpu.memory_space<vmem_shared>> -> memref<32x128xf32, #tpu.memory_space<vmem_shared>>
    tpu.enqueue_dma source(%arg6 : memref<32x128xf32, #tpu.memory_space<vmem>>) target(%dma_start3A_75 : memref<32x128xf32, #tpu.memory_space<vmem_shared>>) target_semaphore(%arg27 : memref<!tpu.dma_semaphore, #tpu.memory_space<semaphore_mem>>)
    %mul3A_76 = arith.constant 624 : i32
    %mul3A_77 = arith.muli %arg1, %mul3A_76 : i32
    %add3A_78 = arith.constant 32 : i32
    %add3A_79 = arith.addi %mul3A_77, %add3A_78 : i32
    %dma_start3A_80 = arith.constant 0 : i32
    %dma_start3A_81 = tpu.memref_slice %arg5[%add3A_79, %dma_start3A_80] : memref<10000x128xf32, #tpu.memory_space<vmem_shared>> -> memref<32x128xf32, #tpu.memory_space<vmem_shared>>
    %dma_start3A_82 = arith.constant 0 : i32
    %dma_start3A_83 = tpu.memref_slice %arg5[%add3A_79, %dma_start3A_82] : memref<10000x128xf32, #tpu.memory_space<vmem_shared>> -> memref<32x128xf32, #tpu.memory_space<vmem_shared>>
    tpu.enqueue_dma source(%arg6 : memref<32x128xf32, #tpu.memory_space<vmem>>) target(%dma_start3A_83 : memref<32x128xf32, #tpu.memory_space<vmem_shared>>) target_semaphore(%arg27 : memref<!tpu.dma_semaphore, #tpu.memory_space<semaphore_mem>>)
    %mul3A_84 = arith.constant 624 : i32
    %mul3A_85 = arith.muli %arg1, %mul3A_84 : i32
    %add3A_86 = arith.constant 64 : i32
    %add3A_87 = arith.addi %mul3A_85, %add3A_86 : i32
    %dma_start3A_88 = arith.constant 0 : i32
    %dma_start3A_89 = tpu.memref_slice %arg5[%add3A_87, %dma_start3A_88] : memref<10000x128xf32, #tpu.memory_space<vmem_shared>> -> memref<32x128xf32, #tpu.memory_space<vmem_shared>>
    %dma_start3A_90 = arith.constant 0 : i32
    %dma_start3A_91 = tpu.memref_slice %arg5[%add3A_87, %dma_start3A_90] : memref<10000x128xf32, #tpu.memory_space<vmem_shared>> -> memref<32x128xf32, #tpu.memory_space<vmem_shared>>
    tpu.enqueue_dma source(%arg6 : memref<32x128xf32, #tpu.memory_space<vmem>>) target(%dma_start3A_91 : memref<32x128xf32, #tpu.memory_space<vmem_shared>>) target_semaphore(%arg27 : memref<!tpu.dma_semaphore, #tpu.memory_space<semaphore_mem>>)
    %mul3A_92 = arith.constant 624 : i32
    %mul3A_93 = arith.muli %arg1, %mul3A_92 : i32
    %add3A_94 = arith.constant 96 : i32
    %add3A_95 = arith.addi %mul3A_93, %add3A_94 : i32
    %dma_start3A_96 = arith.constant 0 : i32
    %dma_start3A_97 = tpu.memref_slice %arg5[%add3A_95, %dma_start3A_96] : memref<10000x128xf32, #tpu.memory_space<vmem_shared>> -> memref<32x128xf32, #tpu.memory_space<vmem_shared>>
    %dma_start3A_98 = arith.constant 0 : i32
    %dma_start3A_99 = tpu.memref_slice %arg5[%add3A_95, %dma_start3A_98] : memref<10000x128xf32, #tpu.memory_space<vmem_shared>> -> memref<32x128xf32, #tpu.memory_space<vmem_shared>>
    tpu.enqueue_dma source(%arg6 : memref<32x128xf32, #tpu.memory_space<vmem>>) target(%dma_start3A_99 : memref<32x128xf32, #tpu.memory_space<vmem_shared>>) target_semaphore(%arg27 : memref<!tpu.dma_semaphore, #tpu.memory_space<semaphore_mem>>)
    %mul3A_100 = arith.constant 624 : i32
    %mul3A_101 = arith.muli %arg1, %mul3A_100 : i32
    %add3A_102 = arith.constant 128 : i32
    %add3A_103 = arith.addi %mul3A_101, %add3A_102 : i32
    %dma_start3A_104 = arith.constant 0 : i32
    %dma_start3A_105 = tpu.memref_slice %arg5[%add3A_103, %dma_start3A_104] : memref<10000x128xf32, #tpu.memory_space<vmem_shared>> -> memref<32x128xf32, #tpu.memory_space<vmem_shared>>
    %dma_start3A_106 = arith.constant 0 : i32
    %dma_start3A_107 = tpu.memref_slice %arg5[%add3A_103, %dma_start3A_106] : memref<10000x128xf32, #tpu.memory_space<vmem_shared>> -> memref<32x128xf32, #tpu.memory_space<vmem_shared>>
    tpu.enqueue_dma source(%arg6 : memref<32x128xf32, #tpu.memory_space<vmem>>) target(%dma_start3A_107 : memref<32x128xf32, #tpu.memory_space<vmem_shared>>) target_semaphore(%arg27 : memref<!tpu.dma_semaphore, #tpu.memory_space<semaphore_mem>>)
    %mul3A_108 = arith.constant 624 : i32
    %mul3A_109 = arith.muli %arg1, %mul3A_108 : i32
    %add3A_110 = arith.constant 160 : i32
    %add3A_111 = arith.addi %mul3A_109, %add3A_110 : i32
    %dma_start3A_112 = arith.constant 0 : i32
    %dma_start3A_113 = tpu.memref_slice %arg5[%add3A_111, %dma_start3A_112] : memref<10000x128xf32, #tpu.memory_space<vmem_shared>> -> memref<32x128xf32, #tpu.memory_space<vmem_shared>>
    %dma_start3A_114 = arith.constant 0 : i32
    %dma_start3A_115 = tpu.memref_slice %arg5[%add3A_111, %dma_start3A_114] : memref<10000x128xf32, #tpu.memory_space<vmem_shared>> -> memref<32x128xf32, #tpu.memory_space<vmem_shared>>
    tpu.enqueue_dma source(%arg6 : memref<32x128xf32, #tpu.memory_space<vmem>>) target(%dma_start3A_115 : memref<32x128xf32, #tpu.memory_space<vmem_shared>>) target_semaphore(%arg27 : memref<!tpu.dma_semaphore, #tpu.memory_space<semaphore_mem>>)
    %mul3A_116 = arith.constant 624 : i32
    %mul3A_117 = arith.muli %arg1, %mul3A_116 : i32
    %add3A_118 = arith.constant 192 : i32
    %add3A_119 = arith.addi %mul3A_117, %add3A_118 : i32
    %dma_start3A_120 = arith.constant 0 : i32
    %dma_start3A_121 = tpu.memref_slice %arg5[%add3A_119, %dma_start3A_120] : memref<10000x128xf32, #tpu.memory_space<vmem_shared>> -> memref<32x128xf32, #tpu.memory_space<vmem_shared>>
    %dma_start3A_122 = arith.constant 0 : i32
    %dma_start3A_123 = tpu.memref_slice %arg5[%add3A_119, %dma_start3A_122] : memref<10000x128xf32, #tpu.memory_space<vmem_shared>> -> memref<32x128xf32, #tpu.memory_space<vmem_shared>>
    tpu.enqueue_dma source(%arg6 : memref<32x128xf32, #tpu.memory_space<vmem>>) target(%dma_start3A_123 : memref<32x128xf32, #tpu.memory_space<vmem_shared>>) target_semaphore(%arg27 : memref<!tpu.dma_semaphore, #tpu.memory_space<semaphore_mem>>)
    %mul3A_124 = arith.constant 624 : i32
    %mul3A_125 = arith.muli %arg1, %mul3A_124 : i32
    %add3A_126 = arith.constant 224 : i32
    %add3A_127 = arith.addi %mul3A_125, %add3A_126 : i32
    %dma_start3A_128 = arith.constant 0 : i32
    %dma_start3A_129 = tpu.memref_slice %arg5[%add3A_127, %dma_start3A_128] : memref<10000x128xf32, #tpu.memory_space<vmem_shared>> -> memref<32x128xf32, #tpu.memory_space<vmem_shared>>
    %dma_start3A_130 = arith.constant 0 : i32
    %dma_start3A_131 = tpu.memref_slice %arg5[%add3A_127, %dma_start3A_130] : memref<10000x128xf32, #tpu.memory_space<vmem_shared>> -> memref<32x128xf32, #tpu.memory_space<vmem_shared>>
    tpu.enqueue_dma source(%arg6 : memref<32x128xf32, #tpu.memory_space<vmem>>) target(%dma_start3A_131 : memref<32x128xf32, #tpu.memory_space<vmem_shared>>) target_semaphore(%arg27 : memref<!tpu.dma_semaphore, #tpu.memory_space<semaphore_mem>>)
    %mul3A_132 = arith.constant 624 : i32
    %mul3A_133 = arith.muli %arg1, %mul3A_132 : i32
    %add3A_134 = arith.constant 256 : i32
    %add3A_135 = arith.addi %mul3A_133, %add3A_134 : i32
    %dma_start3A_136 = arith.constant 0 : i32
    %dma_start3A_137 = tpu.memref_slice %arg5[%add3A_135, %dma_start3A_136] : memref<10000x128xf32, #tpu.memory_space<vmem_shared>> -> memref<32x128xf32, #tpu.memory_space<vmem_shared>>
    %dma_start3A_138 = arith.constant 0 : i32
    %dma_start3A_139 = tpu.memref_slice %arg5[%add3A_135, %dma_start3A_138] : memref<10000x128xf32, #tpu.memory_space<vmem_shared>> -> memref<32x128xf32, #tpu.memory_space<vmem_shared>>
    tpu.enqueue_dma source(%arg6 : memref<32x128xf32, #tpu.memory_space<vmem>>) target(%dma_start3A_139 : memref<32x128xf32, #tpu.memory_space<vmem_shared>>) target_semaphore(%arg27 : memref<!tpu.dma_semaphore, #tpu.memory_space<semaphore_mem>>)
    %mul3A_140 = arith.constant 624 : i32
    %mul3A_141 = arith.muli %arg1, %mul3A_140 : i32
    %add3A_142 = arith.constant 288 : i32
    %add3A_143 = arith.addi %mul3A_141, %add3A_142 : i32
    %dma_start3A_144 = arith.constant 0 : i32
    %dma_start3A_145 = tpu.memref_slice %arg5[%add3A_143, %dma_start3A_144] : memref<10000x128xf32, #tpu.memory_space<vmem_shared>> -> memref<32x128xf32, #tpu.memory_space<vmem_shared>>
    %dma_start3A_146 = arith.constant 0 : i32
    %dma_start3A_147 = tpu.memref_slice %arg5[%add3A_143, %dma_start3A_146] : memref<10000x128xf32, #tpu.memory_space<vmem_shared>> -> memref<32x128xf32, #tpu.memory_space<vmem_shared>>
    tpu.enqueue_dma source(%arg6 : memref<32x128xf32, #tpu.memory_space<vmem>>) target(%dma_start3A_147 : memref<32x128xf32, #tpu.memory_space<vmem_shared>>) target_semaphore(%arg27 : memref<!tpu.dma_semaphore, #tpu.memory_space<semaphore_mem>>)
    %mul3A_148 = arith.constant 624 : i32
    %mul3A_149 = arith.muli %arg1, %mul3A_148 : i32
    %add3A_150 = arith.constant 320 : i32
    %add3A_151 = arith.addi %mul3A_149, %add3A_150 : i32
    %dma_start3A_152 = arith.constant 0 : i32
    %dma_start3A_153 = tpu.memref_slice %arg5[%add3A_151, %dma_start3A_152] : memref<10000x128xf32, #tpu.memory_space<vmem_shared>> -> memref<32x128xf32, #tpu.memory_space<vmem_shared>>
    %dma_start3A_154 = arith.constant 0 : i32
    %dma_start3A_155 = tpu.memref_slice %arg5[%add3A_151, %dma_start3A_154] : memref<10000x128xf32, #tpu.memory_space<vmem_shared>> -> memref<32x128xf32, #tpu.memory_space<vmem_shared>>
    tpu.enqueue_dma source(%arg6 : memref<32x128xf32, #tpu.memory_space<vmem>>) target(%dma_start3A_155 : memref<32x128xf32, #tpu.memory_space<vmem_shared>>) target_semaphore(%arg27 : memref<!tpu.dma_semaphore, #tpu.memory_space<semaphore_mem>>)
    %mul3A_156 = arith.constant 624 : i32
    %mul3A_157 = arith.muli %arg1, %mul3A_156 : i32
    %add3A_158 = arith.constant 352 : i32
    %add3A_159 = arith.addi %mul3A_157, %add3A_158 : i32
    %dma_start3A_160 = arith.constant 0 : i32
    %dma_start3A_161 = tpu.memref_slice %arg5[%add3A_159, %dma_start3A_160] : memref<10000x128xf32, #tpu.memory_space<vmem_shared>> -> memref<32x128xf32, #tpu.memory_space<vmem_shared>>
    %dma_start3A_162 = arith.constant 0 : i32
    %dma_start3A_163 = tpu.memref_slice %arg5[%add3A_159, %dma_start3A_162] : memref<10000x128xf32, #tpu.memory_space<vmem_shared>> -> memref<32x128xf32, #tpu.memory_space<vmem_shared>>
    tpu.enqueue_dma source(%arg6 : memref<32x128xf32, #tpu.memory_space<vmem>>) target(%dma_start3A_163 : memref<32x128xf32, #tpu.memory_space<vmem_shared>>) target_semaphore(%arg27 : memref<!tpu.dma_semaphore, #tpu.memory_space<semaphore_mem>>)
    %mul3A_164 = arith.constant 624 : i32
    %mul3A_165 = arith.muli %arg1, %mul3A_164 : i32
    %add3A_166 = arith.constant 384 : i32
    %add3A_167 = arith.addi %mul3A_165, %add3A_166 : i32
    %dma_start3A_168 = arith.constant 0 : i32
    %dma_start3A_169 = tpu.memref_slice %arg5[%add3A_167, %dma_start3A_168] : memref<10000x128xf32, #tpu.memory_space<vmem_shared>> -> memref<32x128xf32, #tpu.memory_space<vmem_shared>>
    %dma_start3A_170 = arith.constant 0 : i32
    %dma_start3A_171 = tpu.memref_slice %arg5[%add3A_167, %dma_start3A_170] : memref<10000x128xf32, #tpu.memory_space<vmem_shared>> -> memref<32x128xf32, #tpu.memory_space<vmem_shared>>
    tpu.enqueue_dma source(%arg6 : memref<32x128xf32, #tpu.memory_space<vmem>>) target(%dma_start3A_171 : memref<32x128xf32, #tpu.memory_space<vmem_shared>>) target_semaphore(%arg27 : memref<!tpu.dma_semaphore, #tpu.memory_space<semaphore_mem>>)
    %mul3A_172 = arith.constant 624 : i32
    %mul3A_173 = arith.muli %arg1, %mul3A_172 : i32
    %add3A_174 = arith.constant 416 : i32
    %add3A_175 = arith.addi %mul3A_173, %add3A_174 : i32
    %dma_start3A_176 = arith.constant 0 : i32
    %dma_start3A_177 = tpu.memref_slice %arg5[%add3A_175, %dma_start3A_176] : memref<10000x128xf32, #tpu.memory_space<vmem_shared>> -> memref<32x128xf32, #tpu.memory_space<vmem_shared>>
    %dma_start3A_178 = arith.constant 0 : i32
    %dma_start3A_179 = tpu.memref_slice %arg5[%add3A_175, %dma_start3A_178] : memref<10000x128xf32, #tpu.memory_space<vmem_shared>> -> memref<32x128xf32, #tpu.memory_space<vmem_shared>>
    tpu.enqueue_dma source(%arg6 : memref<32x128xf32, #tpu.memory_space<vmem>>) target(%dma_start3A_179 : memref<32x128xf32, #tpu.memory_space<vmem_shared>>) target_semaphore(%arg27 : memref<!tpu.dma_semaphore, #tpu.memory_space<semaphore_mem>>)
    %mul3A_180 = arith.constant 624 : i32
    %mul3A_181 = arith.muli %arg1, %mul3A_180 : i32
    %add3A_182 = arith.constant 448 : i32
    %add3A_183 = arith.addi %mul3A_181, %add3A_182 : i32
    %dma_start3A_184 = arith.constant 0 : i32
    %dma_start3A_185 = tpu.memref_slice %arg5[%add3A_183, %dma_start3A_184] : memref<10000x128xf32, #tpu.memory_space<vmem_shared>> -> memref<32x128xf32, #tpu.memory_space<vmem_shared>>
    %dma_start3A_186 = arith.constant 0 : i32
    %dma_start3A_187 = tpu.memref_slice %arg5[%add3A_183, %dma_start3A_186] : memref<10000x128xf32, #tpu.memory_space<vmem_shared>> -> memref<32x128xf32, #tpu.memory_space<vmem_shared>>
    tpu.enqueue_dma source(%arg6 : memref<32x128xf32, #tpu.memory_space<vmem>>) target(%dma_start3A_187 : memref<32x128xf32, #tpu.memory_space<vmem_shared>>) target_semaphore(%arg27 : memref<!tpu.dma_semaphore, #tpu.memory_space<semaphore_mem>>)
    %mul3A_188 = arith.constant 624 : i32
    %mul3A_189 = arith.muli %arg1, %mul3A_188 : i32
    %add3A_190 = arith.constant 480 : i32
    %add3A_191 = arith.addi %mul3A_189, %add3A_190 : i32
    %dma_start3A_192 = arith.constant 0 : i32
    %dma_start3A_193 = tpu.memref_slice %arg5[%add3A_191, %dma_start3A_192] : memref<10000x128xf32, #tpu.memory_space<vmem_shared>> -> memref<32x128xf32, #tpu.memory_space<vmem_shared>>
    %dma_start3A_194 = arith.constant 0 : i32
    %dma_start3A_195 = tpu.memref_slice %arg5[%add3A_191, %dma_start3A_194] : memref<10000x128xf32, #tpu.memory_space<vmem_shared>> -> memref<32x128xf32, #tpu.memory_space<vmem_shared>>
    tpu.enqueue_dma source(%arg6 : memref<32x128xf32, #tpu.memory_space<vmem>>) target(%dma_start3A_195 : memref<32x128xf32, #tpu.memory_space<vmem_shared>>) target_semaphore(%arg27 : memref<!tpu.dma_semaphore, #tpu.memory_space<semaphore_mem>>)
    %mul3A_196 = arith.constant 624 : i32
    %mul3A_197 = arith.muli %arg1, %mul3A_196 : i32
    %add3A_198 = arith.constant 512 : i32
    %add3A_199 = arith.addi %mul3A_197, %add3A_198 : i32
    %dma_start3A_200 = arith.constant 0 : i32
    %dma_start3A_201 = tpu.memref_slice %arg5[%add3A_199, %dma_start3A_200] : memref<10000x128xf32, #tpu.memory_space<vmem_shared>> -> memref<32x128xf32, #tpu.memory_space<vmem_shared>>
    %dma_start3A_202 = arith.constant 0 : i32
    %dma_start3A_203 = tpu.memref_slice %arg5[%add3A_199, %dma_start3A_202] : memref<10000x128xf32, #tpu.memory_space<vmem_shared>> -> memref<32x128xf32, #tpu.memory_space<vmem_shared>>
    tpu.enqueue_dma source(%arg6 : memref<32x128xf32, #tpu.memory_space<vmem>>) target(%dma_start3A_203 : memref<32x128xf32, #tpu.memory_space<vmem_shared>>) target_semaphore(%arg27 : memref<!tpu.dma_semaphore, #tpu.memory_space<semaphore_mem>>)
    %mul3A_204 = arith.constant 624 : i32
    %mul3A_205 = arith.muli %arg1, %mul3A_204 : i32
    %add3A_206 = arith.constant 544 : i32
    %add3A_207 = arith.addi %mul3A_205, %add3A_206 : i32
    %dma_start3A_208 = arith.constant 0 : i32
    %dma_start3A_209 = tpu.memref_slice %arg5[%add3A_207, %dma_start3A_208] : memref<10000x128xf32, #tpu.memory_space<vmem_shared>> -> memref<32x128xf32, #tpu.memory_space<vmem_shared>>
    %dma_start3A_210 = arith.constant 0 : i32
    %dma_start3A_211 = tpu.memref_slice %arg5[%add3A_207, %dma_start3A_210] : memref<10000x128xf32, #tpu.memory_space<vmem_shared>> -> memref<32x128xf32, #tpu.memory_space<vmem_shared>>
    tpu.enqueue_dma source(%arg6 : memref<32x128xf32, #tpu.memory_space<vmem>>) target(%dma_start3A_211 : memref<32x128xf32, #tpu.memory_space<vmem_shared>>) target_semaphore(%arg27 : memref<!tpu.dma_semaphore, #tpu.memory_space<semaphore_mem>>)
    %mul3A_212 = arith.constant 624 : i32
    %mul3A_213 = arith.muli %arg1, %mul3A_212 : i32
    %add3A_214 = arith.constant 576 : i32
    %add3A_215 = arith.addi %mul3A_213, %add3A_214 : i32
    %dma_start3A_216 = arith.constant 0 : i32
    %dma_start3A_217 = tpu.memref_slice %arg5[%add3A_215, %dma_start3A_216] : memref<10000x128xf32, #tpu.memory_space<vmem_shared>> -> memref<32x128xf32, #tpu.memory_space<vmem_shared>>
    %dma_start3A_218 = arith.constant 0 : i32
    %dma_start3A_219 = tpu.memref_slice %arg5[%add3A_215, %dma_start3A_218] : memref<10000x128xf32, #tpu.memory_space<vmem_shared>> -> memref<32x128xf32, #tpu.memory_space<vmem_shared>>
    tpu.enqueue_dma source(%arg6 : memref<32x128xf32, #tpu.memory_space<vmem>>) target(%dma_start3A_219 : memref<32x128xf32, #tpu.memory_space<vmem_shared>>) target_semaphore(%arg27 : memref<!tpu.dma_semaphore, #tpu.memory_space<semaphore_mem>>)
    %mul3A_220 = arith.constant 624 : i32
    %mul3A_221 = arith.muli %arg1, %mul3A_220 : i32
    %add3A_222 = arith.constant 608 : i32
    %add3A_223 = arith.addi %mul3A_221, %add3A_222 : i32
    %dma_start3A_224 = arith.constant 0 : i32
    %dma_start3A_225 = tpu.memref_slice %arg5[%add3A_223, %dma_start3A_224] : memref<10000x128xf32, #tpu.memory_space<vmem_shared>> -> memref<32x128xf32, #tpu.memory_space<vmem_shared>>
    %dma_start3A_226 = arith.constant 0 : i32
    %dma_start3A_227 = tpu.memref_slice %arg5[%add3A_223, %dma_start3A_226] : memref<10000x128xf32, #tpu.memory_space<vmem_shared>> -> memref<32x128xf32, #tpu.memory_space<vmem_shared>>
    tpu.enqueue_dma source(%arg6 : memref<32x128xf32, #tpu.memory_space<vmem>>) target(%dma_start3A_227 : memref<32x128xf32, #tpu.memory_space<vmem_shared>>) target_semaphore(%arg27 : memref<!tpu.dma_semaphore, #tpu.memory_space<semaphore_mem>>)
    %dma_wait3A_228 = arith.constant 0 : i32
    %dma_wait3A_229 = tpu.memref_slice %arg5[%add3A_71, %dma_wait3A_228] : memref<10000x128xf32, #tpu.memory_space<vmem_shared>> -> memref<32x128xf32, #tpu.memory_space<vmem_shared>>
    %dma_wait3A_230 = arith.constant 0 : i32
    %dma_wait3A_231 = tpu.memref_slice %arg5[%add3A_71, %dma_wait3A_230] : memref<10000x128xf32, #tpu.memory_space<vmem_shared>> -> memref<32x128xf32, #tpu.memory_space<vmem_shared>>
    tpu.wait_dma2 semaphore(%arg27 : memref<!tpu.dma_semaphore, #tpu.memory_space<semaphore_mem>>) src(%arg6 : memref<32x128xf32, #tpu.memory_space<vmem>>) dst(%dma_wait3A_231 : memref<32x128xf32, #tpu.memory_space<vmem_shared>>)
    %dma_wait3A_232 = arith.constant 0 : i32
    %dma_wait3A_233 = tpu.memref_slice %arg5[%add3A_79, %dma_wait3A_232] : memref<10000x128xf32, #tpu.memory_space<vmem_shared>> -> memref<32x128xf32, #tpu.memory_space<vmem_shared>>
    %dma_wait3A_234 = arith.constant 0 : i32
    %dma_wait3A_235 = tpu.memref_slice %arg5[%add3A_79, %dma_wait3A_234] : memref<10000x128xf32, #tpu.memory_space<vmem_shared>> -> memref<32x128xf32, #tpu.memory_space<vmem_shared>>
    tpu.wait_dma2 semaphore(%arg27 : memref<!tpu.dma_semaphore, #tpu.memory_space<semaphore_mem>>) src(%arg6 : memref<32x128xf32, #tpu.memory_space<vmem>>) dst(%dma_wait3A_235 : memref<32x128xf32, #tpu.memory_space<vmem_shared>>)
    %dma_wait3A_236 = arith.constant 0 : i32
    %dma_wait3A_237 = tpu.memref_slice %arg5[%add3A_87, %dma_wait3A_236] : memref<10000x128xf32, #tpu.memory_space<vmem_shared>> -> memref<32x128xf32, #tpu.memory_space<vmem_shared>>
    %dma_wait3A_238 = arith.constant 0 : i32
    %dma_wait3A_239 = tpu.memref_slice %arg5[%add3A_87, %dma_wait3A_238] : memref<10000x128xf32, #tpu.memory_space<vmem_shared>> -> memref<32x128xf32, #tpu.memory_space<vmem_shared>>
    tpu.wait_dma2 semaphore(%arg27 : memref<!tpu.dma_semaphore, #tpu.memory_space<semaphore_mem>>) src(%arg6 : memref<32x128xf32, #tpu.memory_space<vmem>>) dst(%dma_wait3A_239 : memref<32x128xf32, #tpu.memory_space<vmem_shared>>)
    %dma_wait3A_240 = arith.constant 0 : i32
    %dma_wait3A_241 = tpu.memref_slice %arg5[%add3A_95, %dma_wait3A_240] : memref<10000x128xf32, #tpu.memory_space<vmem_shared>> -> memref<32x128xf32, #tpu.memory_space<vmem_shared>>
    %dma_wait3A_242 = arith.constant 0 : i32
    %dma_wait3A_243 = tpu.memref_slice %arg5[%add3A_95, %dma_wait3A_242] : memref<10000x128xf32, #tpu.memory_space<vmem_shared>> -> memref<32x128xf32, #tpu.memory_space<vmem_shared>>
    tpu.wait_dma2 semaphore(%arg27 : memref<!tpu.dma_semaphore, #tpu.memory_space<semaphore_mem>>) src(%arg6 : memref<32x128xf32, #tpu.memory_space<vmem>>) dst(%dma_wait3A_243 : memref<32x128xf32, #tpu.memory_space<vmem_shared>>)
    %dma_wait3A_244 = arith.constant 0 : i32
    %dma_wait3A_245 = tpu.memref_slice %arg5[%add3A_103, %dma_wait3A_244] : memref<10000x128xf32, #tpu.memory_space<vmem_shared>> -> memref<32x128xf32, #tpu.memory_space<vmem_shared>>
    %dma_wait3A_246 = arith.constant 0 : i32
    %dma_wait3A_247 = tpu.memref_slice %arg5[%add3A_103, %dma_wait3A_246] : memref<10000x128xf32, #tpu.memory_space<vmem_shared>> -> memref<32x128xf32, #tpu.memory_space<vmem_shared>>
    tpu.wait_dma2 semaphore(%arg27 : memref<!tpu.dma_semaphore, #tpu.memory_space<semaphore_mem>>) src(%arg6 : memref<32x128xf32, #tpu.memory_space<vmem>>) dst(%dma_wait3A_247 : memref<32x128xf32, #tpu.memory_space<vmem_shared>>)
    %dma_wait3A_248 = arith.constant 0 : i32
    %dma_wait3A_249 = tpu.memref_slice %arg5[%add3A_111, %dma_wait3A_248] : memref<10000x128xf32, #tpu.memory_space<vmem_shared>> -> memref<32x128xf32, #tpu.memory_space<vmem_shared>>
    %dma_wait3A_250 = arith.constant 0 : i32
    %dma_wait3A_251 = tpu.memref_slice %arg5[%add3A_111, %dma_wait3A_250] : memref<10000x128xf32, #tpu.memory_space<vmem_shared>> -> memref<32x128xf32, #tpu.memory_space<vmem_shared>>
    tpu.wait_dma2 semaphore(%arg27 : memref<!tpu.dma_semaphore, #tpu.memory_space<semaphore_mem>>) src(%arg6 : memref<32x128xf32, #tpu.memory_space<vmem>>) dst(%dma_wait3A_251 : memref<32x128xf32, #tpu.memory_space<vmem_shared>>)
    %dma_wait3A_252 = arith.constant 0 : i32
    %dma_wait3A_253 = tpu.memref_slice %arg5[%add3A_119, %dma_wait3A_252] : memref<10000x128xf32, #tpu.memory_space<vmem_shared>> -> memref<32x128xf32, #tpu.memory_space<vmem_shared>>
    %dma_wait3A_254 = arith.constant 0 : i32
    %dma_wait3A_255 = tpu.memref_slice %arg5[%add3A_119, %dma_wait3A_254] : memref<10000x128xf32, #tpu.memory_space<vmem_shared>> -> memref<32x128xf32, #tpu.memory_space<vmem_shared>>
    tpu.wait_dma2 semaphore(%arg27 : memref<!tpu.dma_semaphore, #tpu.memory_space<semaphore_mem>>) src(%arg6 : memref<32x128xf32, #tpu.memory_space<vmem>>) dst(%dma_wait3A_255 : memref<32x128xf32, #tpu.memory_space<vmem_shared>>)
    %dma_wait3A_256 = arith.constant 0 : i32
    %dma_wait3A_257 = tpu.memref_slice %arg5[%add3A_127, %dma_wait3A_256] : memref<10000x128xf32, #tpu.memory_space<vmem_shared>> -> memref<32x128xf32, #tpu.memory_space<vmem_shared>>
    %dma_wait3A_258 = arith.constant 0 : i32
    %dma_wait3A_259 = tpu.memref_slice %arg5[%add3A_127, %dma_wait3A_258] : memref<10000x128xf32, #tpu.memory_space<vmem_shared>> -> memref<32x128xf32, #tpu.memory_space<vmem_shared>>
    tpu.wait_dma2 semaphore(%arg27 : memref<!tpu.dma_semaphore, #tpu.memory_space<semaphore_mem>>) src(%arg6 : memref<32x128xf32, #tpu.memory_space<vmem>>) dst(%dma_wait3A_259 : memref<32x128xf32, #tpu.memory_space<vmem_shared>>)
    %dma_wait3A_260 = arith.constant 0 : i32
    %dma_wait3A_261 = tpu.memref_slice %arg5[%add3A_135, %dma_wait3A_260] : memref<10000x128xf32, #tpu.memory_space<vmem_shared>> -> memref<32x128xf32, #tpu.memory_space<vmem_shared>>
    %dma_wait3A_262 = arith.constant 0 : i32
    %dma_wait3A_263 = tpu.memref_slice %arg5[%add3A_135, %dma_wait3A_262] : memref<10000x128xf32, #tpu.memory_space<vmem_shared>> -> memref<32x128xf32, #tpu.memory_space<vmem_shared>>
    tpu.wait_dma2 semaphore(%arg27 : memref<!tpu.dma_semaphore, #tpu.memory_space<semaphore_mem>>) src(%arg6 : memref<32x128xf32, #tpu.memory_space<vmem>>) dst(%dma_wait3A_263 : memref<32x128xf32, #tpu.memory_space<vmem_shared>>)
    %dma_wait3A_264 = arith.constant 0 : i32
    %dma_wait3A_265 = tpu.memref_slice %arg5[%add3A_143, %dma_wait3A_264] : memref<10000x128xf32, #tpu.memory_space<vmem_shared>> -> memref<32x128xf32, #tpu.memory_space<vmem_shared>>
    %dma_wait3A_266 = arith.constant 0 : i32
    %dma_wait3A_267 = tpu.memref_slice %arg5[%add3A_143, %dma_wait3A_266] : memref<10000x128xf32, #tpu.memory_space<vmem_shared>> -> memref<32x128xf32, #tpu.memory_space<vmem_shared>>
    tpu.wait_dma2 semaphore(%arg27 : memref<!tpu.dma_semaphore, #tpu.memory_space<semaphore_mem>>) src(%arg6 : memref<32x128xf32, #tpu.memory_space<vmem>>) dst(%dma_wait3A_267 : memref<32x128xf32, #tpu.memory_space<vmem_shared>>)
    %dma_wait3A_268 = arith.constant 0 : i32
    %dma_wait3A_269 = tpu.memref_slice %arg5[%add3A_151, %dma_wait3A_268] : memref<10000x128xf32, #tpu.memory_space<vmem_shared>> -> memref<32x128xf32, #tpu.memory_space<vmem_shared>>
    %dma_wait3A_270 = arith.constant 0 : i32
    %dma_wait3A_271 = tpu.memref_slice %arg5[%add3A_151, %dma_wait3A_270] : memref<10000x128xf32, #tpu.memory_space<vmem_shared>> -> memref<32x128xf32, #tpu.memory_space<vmem_shared>>
    tpu.wait_dma2 semaphore(%arg27 : memref<!tpu.dma_semaphore, #tpu.memory_space<semaphore_mem>>) src(%arg6 : memref<32x128xf32, #tpu.memory_space<vmem>>) dst(%dma_wait3A_271 : memref<32x128xf32, #tpu.memory_space<vmem_shared>>)
    %dma_wait3A_272 = arith.constant 0 : i32
    %dma_wait3A_273 = tpu.memref_slice %arg5[%add3A_159, %dma_wait3A_272] : memref<10000x128xf32, #tpu.memory_space<vmem_shared>> -> memref<32x128xf32, #tpu.memory_space<vmem_shared>>
    %dma_wait3A_274 = arith.constant 0 : i32
    %dma_wait3A_275 = tpu.memref_slice %arg5[%add3A_159, %dma_wait3A_274] : memref<10000x128xf32, #tpu.memory_space<vmem_shared>> -> memref<32x128xf32, #tpu.memory_space<vmem_shared>>
    tpu.wait_dma2 semaphore(%arg27 : memref<!tpu.dma_semaphore, #tpu.memory_space<semaphore_mem>>) src(%arg6 : memref<32x128xf32, #tpu.memory_space<vmem>>) dst(%dma_wait3A_275 : memref<32x128xf32, #tpu.memory_space<vmem_shared>>)
    %dma_wait3A_276 = arith.constant 0 : i32
    %dma_wait3A_277 = tpu.memref_slice %arg5[%add3A_167, %dma_wait3A_276] : memref<10000x128xf32, #tpu.memory_space<vmem_shared>> -> memref<32x128xf32, #tpu.memory_space<vmem_shared>>
    %dma_wait3A_278 = arith.constant 0 : i32
    %dma_wait3A_279 = tpu.memref_slice %arg5[%add3A_167, %dma_wait3A_278] : memref<10000x128xf32, #tpu.memory_space<vmem_shared>> -> memref<32x128xf32, #tpu.memory_space<vmem_shared>>
    tpu.wait_dma2 semaphore(%arg27 : memref<!tpu.dma_semaphore, #tpu.memory_space<semaphore_mem>>) src(%arg6 : memref<32x128xf32, #tpu.memory_space<vmem>>) dst(%dma_wait3A_279 : memref<32x128xf32, #tpu.memory_space<vmem_shared>>)
    %dma_wait3A_280 = arith.constant 0 : i32
    %dma_wait3A_281 = tpu.memref_slice %arg5[%add3A_175, %dma_wait3A_280] : memref<10000x128xf32, #tpu.memory_space<vmem_shared>> -> memref<32x128xf32, #tpu.memory_space<vmem_shared>>
    %dma_wait3A_282 = arith.constant 0 : i32
    %dma_wait3A_283 = tpu.memref_slice %arg5[%add3A_175, %dma_wait3A_282] : memref<10000x128xf32, #tpu.memory_space<vmem_shared>> -> memref<32x128xf32, #tpu.memory_space<vmem_shared>>
    tpu.wait_dma2 semaphore(%arg27 : memref<!tpu.dma_semaphore, #tpu.memory_space<semaphore_mem>>) src(%arg6 : memref<32x128xf32, #tpu.memory_space<vmem>>) dst(%dma_wait3A_283 : memref<32x128xf32, #tpu.memory_space<vmem_shared>>)
    %dma_wait3A_284 = arith.constant 0 : i32
    %dma_wait3A_285 = tpu.memref_slice %arg5[%add3A_183, %dma_wait3A_284] : memref<10000x128xf32, #tpu.memory_space<vmem_shared>> -> memref<32x128xf32, #tpu.memory_space<vmem_shared>>
    %dma_wait3A_286 = arith.constant 0 : i32
    %dma_wait3A_287 = tpu.memref_slice %arg5[%add3A_183, %dma_wait3A_286] : memref<10000x128xf32, #tpu.memory_space<vmem_shared>> -> memref<32x128xf32, #tpu.memory_space<vmem_shared>>
    tpu.wait_dma2 semaphore(%arg27 : memref<!tpu.dma_semaphore, #tpu.memory_space<semaphore_mem>>) src(%arg6 : memref<32x128xf32, #tpu.memory_space<vmem>>) dst(%dma_wait3A_287 : memref<32x128xf32, #tpu.memory_space<vmem_shared>>)
    %dma_wait3A_288 = arith.constant 0 : i32
    %dma_wait3A_289 = tpu.memref_slice %arg5[%add3A_191, %dma_wait3A_288] : memref<10000x128xf32, #tpu.memory_space<vmem_shared>> -> memref<32x128xf32, #tpu.memory_space<vmem_shared>>
    %dma_wait3A_290 = arith.constant 0 : i32
    %dma_wait3A_291 = tpu.memref_slice %arg5[%add3A_191, %dma_wait3A_290] : memref<10000x128xf32, #tpu.memory_space<vmem_shared>> -> memref<32x128xf32, #tpu.memory_space<vmem_shared>>
    tpu.wait_dma2 semaphore(%arg27 : memref<!tpu.dma_semaphore, #tpu.memory_space<semaphore_mem>>) src(%arg6 : memref<32x128xf32, #tpu.memory_space<vmem>>) dst(%dma_wait3A_291 : memref<32x128xf32, #tpu.memory_space<vmem_shared>>)
    %dma_wait3A_292 = arith.constant 0 : i32
    %dma_wait3A_293 = tpu.memref_slice %arg5[%add3A_199, %dma_wait3A_292] : memref<10000x128xf32, #tpu.memory_space<vmem_shared>> -> memref<32x128xf32, #tpu.memory_space<vmem_shared>>
    %dma_wait3A_294 = arith.constant 0 : i32
    %dma_wait3A_295 = tpu.memref_slice %arg5[%add3A_199, %dma_wait3A_294] : memref<10000x128xf32, #tpu.memory_space<vmem_shared>> -> memref<32x128xf32, #tpu.memory_space<vmem_shared>>
    tpu.wait_dma2 semaphore(%arg27 : memref<!tpu.dma_semaphore, #tpu.memory_space<semaphore_mem>>) src(%arg6 : memref<32x128xf32, #tpu.memory_space<vmem>>) dst(%dma_wait3A_295 : memref<32x128xf32, #tpu.memory_space<vmem_shared>>)
    %dma_wait3A_296 = arith.constant 0 : i32
    %dma_wait3A_297 = tpu.memref_slice %arg5[%add3A_207, %dma_wait3A_296] : memref<10000x128xf32, #tpu.memory_space<vmem_shared>> -> memref<32x128xf32, #tpu.memory_space<vmem_shared>>
    %dma_wait3A_298 = arith.constant 0 : i32
    %dma_wait3A_299 = tpu.memref_slice %arg5[%add3A_207, %dma_wait3A_298] : memref<10000x128xf32, #tpu.memory_space<vmem_shared>> -> memref<32x128xf32, #tpu.memory_space<vmem_shared>>
    tpu.wait_dma2 semaphore(%arg27 : memref<!tpu.dma_semaphore, #tpu.memory_space<semaphore_mem>>) src(%arg6 : memref<32x128xf32, #tpu.memory_space<vmem>>) dst(%dma_wait3A_299 : memref<32x128xf32, #tpu.memory_space<vmem_shared>>)
    %dma_wait3A_300 = arith.constant 0 : i32
    %dma_wait3A_301 = tpu.memref_slice %arg5[%add3A_215, %dma_wait3A_300] : memref<10000x128xf32, #tpu.memory_space<vmem_shared>> -> memref<32x128xf32, #tpu.memory_space<vmem_shared>>
    %dma_wait3A_302 = arith.constant 0 : i32
    %dma_wait3A_303 = tpu.memref_slice %arg5[%add3A_215, %dma_wait3A_302] : memref<10000x128xf32, #tpu.memory_space<vmem_shared>> -> memref<32x128xf32, #tpu.memory_space<vmem_shared>>
    tpu.wait_dma2 semaphore(%arg27 : memref<!tpu.dma_semaphore, #tpu.memory_space<semaphore_mem>>) src(%arg6 : memref<32x128xf32, #tpu.memory_space<vmem>>) dst(%dma_wait3A_303 : memref<32x128xf32, #tpu.memory_space<vmem_shared>>)
    %dma_wait3A_304 = arith.constant 0 : i32
    %dma_wait3A_305 = tpu.memref_slice %arg5[%add3A_223, %dma_wait3A_304] : memref<10000x128xf32, #tpu.memory_space<vmem_shared>> -> memref<32x128xf32, #tpu.memory_space<vmem_shared>>
    %dma_wait3A_306 = arith.constant 0 : i32
    %dma_wait3A_307 = tpu.memref_slice %arg5[%add3A_223, %dma_wait3A_306] : memref<10000x128xf32, #tpu.memory_space<vmem_shared>> -> memref<32x128xf32, #tpu.memory_space<vmem_shared>>
    tpu.wait_dma2 semaphore(%arg27 : memref<!tpu.dma_semaphore, #tpu.memory_space<semaphore_mem>>) src(%arg6 : memref<32x128xf32, #tpu.memory_space<vmem>>) dst(%dma_wait3A_307 : memref<32x128xf32, #tpu.memory_space<vmem_shared>>)
    %barrier3A = arith.constant 0 : index
    tpu.barrier barrier_id(%barrier3A)
    %dma_wait3A_308 = arith.constant 0 : i32
    %dma_wait3A_309 = arith.constant 0 : i32
    %dma_wait3A_310 = tpu.memref_slice %arg2[%dma_wait3A_308, %dma_wait3A_309] : memref<10000x128xf32, #tpu.memory_space<hbm>> -> memref<10000x128xf32, #tpu.memory_space<hbm>>
    tpu.wait_indirect_dma semaphore(%arg23 : memref<!tpu.dma_semaphore, #tpu.memory_space<semaphore_mem>>) src(%dma_wait3A_310 : memref<10000x128xf32, #tpu.memory_space<hbm>>) dst(%arg7 : memref<80x128xf32, #tpu.memory_space<vmem>>)
    %dma_start3A_311 = arith.constant 0 : i32
    %dma_start3A_312 = arith.constant 0 : i32
    %dma_start3A_313 = tpu.memref_slice %arg5[%dma_start3A_311, %dma_start3A_312] : memref<10000x128xf32, #tpu.memory_space<vmem_shared>> -> memref<10000x128xf32, #tpu.memory_space<vmem_shared>>
    tpu.enqueue_indirect_dma source(%arg7 : memref<80x128xf32, #tpu.memory_space<vmem>>) target(%dma_start3A_313 : memref<10000x128xf32, #tpu.memory_space<vmem_shared>>) offsets(%arg15 : memref<80xi32, #tpu.memory_space<vmem>>) semaphore(%arg27 : memref<!tpu.dma_semaphore, #tpu.memory_space<semaphore_mem>>) {add = true}
    %dma_wait3A_314 = arith.constant 0 : i32
    %dma_wait3A_315 = arith.constant 0 : i32
    %dma_wait3A_316 = tpu.memref_slice %arg2[%dma_wait3A_314, %dma_wait3A_315] : memref<10000x128xf32, #tpu.memory_space<hbm>> -> memref<10000x128xf32, #tpu.memory_space<hbm>>
    tpu.wait_indirect_dma semaphore(%arg24 : memref<!tpu.dma_semaphore, #tpu.memory_space<semaphore_mem>>) src(%dma_wait3A_316 : memref<10000x128xf32, #tpu.memory_space<hbm>>) dst(%arg8 : memref<80x128xf32, #tpu.memory_space<vmem>>)
    %dma_start3A_317 = arith.constant 0 : i32
    %dma_start3A_318 = arith.constant 0 : i32
    %dma_start3A_319 = tpu.memref_slice %arg5[%dma_start3A_317, %dma_start3A_318] : memref<10000x128xf32, #tpu.memory_space<vmem_shared>> -> memref<10000x128xf32, #tpu.memory_space<vmem_shared>>
    tpu.enqueue_indirect_dma source(%arg8 : memref<80x128xf32, #tpu.memory_space<vmem>>) target(%dma_start3A_319 : memref<10000x128xf32, #tpu.memory_space<vmem_shared>>) offsets(%arg16 : memref<80xi32, #tpu.memory_space<vmem>>) semaphore(%arg28 : memref<!tpu.dma_semaphore, #tpu.memory_space<semaphore_mem>>) {add = true}
    %scan3A_320 = arith.constant 0 : i32
    %scan3A_321 = arith.constant 1 : i32
    %scan3A_322 = arith.constant 30 : i32
    %scan3A_323 = arith.addi %scan3A_321, %scan3A_322 : i32
    %scan3A_324 = arith.constant 1 : i32
    %scan3A_325 = scf.for %scan3A_390 = %scan3A_321 to %scan3A_323 step %scan3A_324 iter_args(%scan3A_391 = %scan3A_320) -> (i32)  : i32 {
      %mul3A_392 = arith.constant 2 : i32
      %mul3A_393 = arith.muli %mul3A_392, %scan3A_390 : i32
      %dma_wait3A_394 = arith.constant 0 : i32
      %dma_wait3A_395 = arith.constant 0 : i32
      %dma_wait3A_396 = tpu.memref_slice %arg5[%dma_wait3A_394, %dma_wait3A_395] : memref<10000x128xf32, #tpu.memory_space<vmem_shared>> -> memref<10000x128xf32, #tpu.memory_space<vmem_shared>>
      tpu.wait_indirect_dma semaphore(%arg27 : memref<!tpu.dma_semaphore, #tpu.memory_space<semaphore_mem>>) src(%arg7 : memref<80x128xf32, #tpu.memory_space<vmem>>) dst(%dma_wait3A_396 : memref<10000x128xf32, #tpu.memory_space<vmem_shared>>)
      %dma_wait3A_397 = arith.constant 0 : i32
      %dma_wait3A_398 = arith.constant 0 : i32
      %dma_wait3A_399 = tpu.memref_slice %arg5[%dma_wait3A_397, %dma_wait3A_398] : memref<10000x128xf32, #tpu.memory_space<vmem_shared>> -> memref<10000x128xf32, #tpu.memory_space<vmem_shared>>
      tpu.wait_indirect_dma semaphore(%arg28 : memref<!tpu.dma_semaphore, #tpu.memory_space<semaphore_mem>>) src(%arg8 : memref<80x128xf32, #tpu.memory_space<vmem>>) dst(%dma_wait3A_399 : memref<10000x128xf32, #tpu.memory_space<vmem_shared>>)
      %mul3A_400 = arith.constant 2 : i32
      %mul3A_401 = arith.muli %mul3A_393, %mul3A_400 : i32
      %add3A_402 = arith.constant 0 : i32
      %add3A_403 = arith.addi %mul3A_401, %add3A_402 : i32
      %mul3A_404 = arith.constant 80 : i32
      %mul3A_405 = arith.muli %add3A_403, %mul3A_404 : i32
      %add3A_406 = arith.addi %mul3A_2, %mul3A_405 : i32
      %dma_start3A_407 = tpu.memref_slice %arg3[%add3A_406] : memref<640000xi32, #tpu.memory_space<hbm>> -> memref<80xi32, #tpu.memory_space<hbm>>
      %dma_start3A_408 = tpu.memref_slice %arg3[%add3A_406] : memref<640000xi32, #tpu.memory_space<hbm>> -> memref<80xi32, #tpu.memory_space<hbm>>
      tpu.enqueue_dma source(%dma_start3A_408 : memref<80xi32, #tpu.memory_space<hbm>>) target(%arg11 : memref<80xi32, #tpu.memory_space<vmem>>) target_semaphore(%arg19 : memref<!tpu.dma_semaphore, #tpu.memory_space<semaphore_mem>>)
      %add3A_409 = arith.constant 320000 : i32
      %add3A_410 = arith.addi %add3A_409, %add3A_406 : i32
      %dma_start3A_411 = tpu.memref_slice %arg3[%add3A_410] : memref<640000xi32, #tpu.memory_space<hbm>> -> memref<80xi32, #tpu.memory_space<hbm>>
      %dma_start3A_412 = tpu.memref_slice %arg3[%add3A_410] : memref<640000xi32, #tpu.memory_space<hbm>> -> memref<80xi32, #tpu.memory_space<hbm>>
      tpu.enqueue_dma source(%dma_start3A_412 : memref<80xi32, #tpu.memory_space<hbm>>) target(%arg15 : memref<80xi32, #tpu.memory_space<vmem>>) target_semaphore(%arg19 : memref<!tpu.dma_semaphore, #tpu.memory_space<semaphore_mem>>)
      %mul3A_413 = arith.constant 2 : i32
      %mul3A_414 = arith.muli %mul3A_393, %mul3A_413 : i32
      %add3A_415 = arith.constant 1 : i32
      %add3A_416 = arith.addi %mul3A_414, %add3A_415 : i32
      %mul3A_417 = arith.constant 80 : i32
      %mul3A_418 = arith.muli %add3A_416, %mul3A_417 : i32
      %add3A_419 = arith.addi %mul3A_2, %mul3A_418 : i32
      %dma_start3A_420 = tpu.memref_slice %arg3[%add3A_419] : memref<640000xi32, #tpu.memory_space<hbm>> -> memref<80xi32, #tpu.memory_space<hbm>>
      %dma_start3A_421 = tpu.memref_slice %arg3[%add3A_419] : memref<640000xi32, #tpu.memory_space<hbm>> -> memref<80xi32, #tpu.memory_space<hbm>>
      tpu.enqueue_dma source(%dma_start3A_421 : memref<80xi32, #tpu.memory_space<hbm>>) target(%arg12 : memref<80xi32, #tpu.memory_space<vmem>>) target_semaphore(%arg20 : memref<!tpu.dma_semaphore, #tpu.memory_space<semaphore_mem>>)
      %add3A_422 = arith.constant 320000 : i32
      %add3A_423 = arith.addi %add3A_422, %add3A_419 : i32
      %dma_start3A_424 = tpu.memref_slice %arg3[%add3A_423] : memref<640000xi32, #tpu.memory_space<hbm>> -> memref<80xi32, #tpu.memory_space<hbm>>
      %dma_start3A_425 = tpu.memref_slice %arg3[%add3A_423] : memref<640000xi32, #tpu.memory_space<hbm>> -> memref<80xi32, #tpu.memory_space<hbm>>
      tpu.enqueue_dma source(%dma_start3A_425 : memref<80xi32, #tpu.memory_space<hbm>>) target(%arg16 : memref<80xi32, #tpu.memory_space<vmem>>) target_semaphore(%arg20 : memref<!tpu.dma_semaphore, #tpu.memory_space<semaphore_mem>>)
      %dma_wait3A_426 = tpu.memref_slice %arg3[%add3A_406] : memref<640000xi32, #tpu.memory_space<hbm>> -> memref<80xi32, #tpu.memory_space<hbm>>
      %dma_wait3A_427 = tpu.memref_slice %arg3[%add3A_406] : memref<640000xi32, #tpu.memory_space<hbm>> -> memref<80xi32, #tpu.memory_space<hbm>>
      tpu.wait_dma2 semaphore(%arg19 : memref<!tpu.dma_semaphore, #tpu.memory_space<semaphore_mem>>) src(%dma_wait3A_427 : memref<80xi32, #tpu.memory_space<hbm>>) dst(%arg11 : memref<80xi32, #tpu.memory_space<vmem>>)
      %dma_wait3A_428 = tpu.memref_slice %arg3[%add3A_410] : memref<640000xi32, #tpu.memory_space<hbm>> -> memref<80xi32, #tpu.memory_space<hbm>>
      %dma_wait3A_429 = tpu.memref_slice %arg3[%add3A_410] : memref<640000xi32, #tpu.memory_space<hbm>> -> memref<80xi32, #tpu.memory_space<hbm>>
      tpu.wait_dma2 semaphore(%arg19 : memref<!tpu.dma_semaphore, #tpu.memory_space<semaphore_mem>>) src(%dma_wait3A_429 : memref<80xi32, #tpu.memory_space<hbm>>) dst(%arg15 : memref<80xi32, #tpu.memory_space<vmem>>)
      %dma_start3A_430 = arith.constant 0 : i32
      %dma_start3A_431 = arith.constant 0 : i32
      %dma_start3A_432 = tpu.memref_slice %arg2[%dma_start3A_430, %dma_start3A_431] : memref<10000x128xf32, #tpu.memory_space<hbm>> -> memref<10000x128xf32, #tpu.memory_space<hbm>>
      tpu.enqueue_indirect_dma source(%dma_start3A_432 : memref<10000x128xf32, #tpu.memory_space<hbm>>) target(%arg7 : memref<80x128xf32, #tpu.memory_space<vmem>>) offsets(%arg11 : memref<80xi32, #tpu.memory_space<vmem>>) semaphore(%arg23 : memref<!tpu.dma_semaphore, #tpu.memory_space<semaphore_mem>>)
      %dma_wait3A_433 = tpu.memref_slice %arg3[%add3A_419] : memref<640000xi32, #tpu.memory_space<hbm>> -> memref<80xi32, #tpu.memory_space<hbm>>
      %dma_wait3A_434 = tpu.memref_slice %arg3[%add3A_419] : memref<640000xi32, #tpu.memory_space<hbm>> -> memref<80xi32, #tpu.memory_space<hbm>>
      tpu.wait_dma2 semaphore(%arg20 : memref<!tpu.dma_semaphore, #tpu.memory_space<semaphore_mem>>) src(%dma_wait3A_434 : memref<80xi32, #tpu.memory_space<hbm>>) dst(%arg12 : memref<80xi32, #tpu.memory_space<vmem>>)
      %dma_wait3A_435 = tpu.memref_slice %arg3[%add3A_423] : memref<640000xi32, #tpu.memory_space<hbm>> -> memref<80xi32, #tpu.memory_space<hbm>>
      %dma_wait3A_436 = tpu.memref_slice %arg3[%add3A_423] : memref<640000xi32, #tpu.memory_space<hbm>> -> memref<80xi32, #tpu.memory_space<hbm>>
      tpu.wait_dma2 semaphore(%arg20 : memref<!tpu.dma_semaphore, #tpu.memory_space<semaphore_mem>>) src(%dma_wait3A_436 : memref<80xi32, #tpu.memory_space<hbm>>) dst(%arg16 : memref<80xi32, #tpu.memory_space<vmem>>)
      %dma_start3A_437 = arith.constant 0 : i32
      %dma_start3A_438 = arith.constant 0 : i32
      %dma_start3A_439 = tpu.memref_slice %arg2[%dma_start3A_437, %dma_start3A_438] : memref<10000x128xf32, #tpu.memory_space<hbm>> -> memref<10000x128xf32, #tpu.memory_space<hbm>>
      tpu.enqueue_indirect_dma source(%dma_start3A_439 : memref<10000x128xf32, #tpu.memory_space<hbm>>) target(%arg8 : memref<80x128xf32, #tpu.memory_space<vmem>>) offsets(%arg12 : memref<80xi32, #tpu.memory_space<vmem>>) semaphore(%arg24 : memref<!tpu.dma_semaphore, #tpu.memory_space<semaphore_mem>>)
      %dma_wait3A_440 = arith.constant 0 : i32
      %dma_wait3A_441 = arith.constant 0 : i32
      %dma_wait3A_442 = tpu.memref_slice %arg2[%dma_wait3A_440, %dma_wait3A_441] : memref<10000x128xf32, #tpu.memory_space<hbm>> -> memref<10000x128xf32, #tpu.memory_space<hbm>>
      tpu.wait_indirect_dma semaphore(%arg25 : memref<!tpu.dma_semaphore, #tpu.memory_space<semaphore_mem>>) src(%dma_wait3A_442 : memref<10000x128xf32, #tpu.memory_space<hbm>>) dst(%arg9 : memref<80x128xf32, #tpu.memory_space<vmem>>)
      %dma_start3A_443 = arith.constant 0 : i32
      %dma_start3A_444 = arith.constant 0 : i32
      %dma_start3A_445 = tpu.memref_slice %arg5[%dma_start3A_443, %dma_start3A_444] : memref<10000x128xf32, #tpu.memory_space<vmem_shared>> -> memref<10000x128xf32, #tpu.memory_space<vmem_shared>>
      tpu.enqueue_indirect_dma source(%arg9 : memref<80x128xf32, #tpu.memory_space<vmem>>) target(%dma_start3A_445 : memref<10000x128xf32, #tpu.memory_space<vmem_shared>>) offsets(%arg17 : memref<80xi32, #tpu.memory_space<vmem>>) semaphore(%arg29 : memref<!tpu.dma_semaphore, #tpu.memory_space<semaphore_mem>>) {add = true}
      %dma_wait3A_446 = arith.constant 0 : i32
      %dma_wait3A_447 = arith.constant 0 : i32
      %dma_wait3A_448 = tpu.memref_slice %arg2[%dma_wait3A_446, %dma_wait3A_447] : memref<10000x128xf32, #tpu.memory_space<hbm>> -> memref<10000x128xf32, #tpu.memory_space<hbm>>
      tpu.wait_indirect_dma semaphore(%arg26 : memref<!tpu.dma_semaphore, #tpu.memory_space<semaphore_mem>>) src(%dma_wait3A_448 : memref<10000x128xf32, #tpu.memory_space<hbm>>) dst(%arg10 : memref<80x128xf32, #tpu.memory_space<vmem>>)
      %dma_start3A_449 = arith.constant 0 : i32
      %dma_start3A_450 = arith.constant 0 : i32
      %dma_start3A_451 = tpu.memref_slice %arg5[%dma_start3A_449, %dma_start3A_450] : memref<10000x128xf32, #tpu.memory_space<vmem_shared>> -> memref<10000x128xf32, #tpu.memory_space<vmem_shared>>
      tpu.enqueue_indirect_dma source(%arg10 : memref<80x128xf32, #tpu.memory_space<vmem>>) target(%dma_start3A_451 : memref<10000x128xf32, #tpu.memory_space<vmem_shared>>) offsets(%arg18 : memref<80xi32, #tpu.memory_space<vmem>>) semaphore(%arg30 : memref<!tpu.dma_semaphore, #tpu.memory_space<semaphore_mem>>) {add = true}
      %dma_wait3A_452 = arith.constant 0 : i32
      %dma_wait3A_453 = arith.constant 0 : i32
      %dma_wait3A_454 = tpu.memref_slice %arg5[%dma_wait3A_452, %dma_wait3A_453] : memref<10000x128xf32, #tpu.memory_space<vmem_shared>> -> memref<10000x128xf32, #tpu.memory_space<vmem_shared>>
      tpu.wait_indirect_dma semaphore(%arg29 : memref<!tpu.dma_semaphore, #tpu.memory_space<semaphore_mem>>) src(%arg9 : memref<80x128xf32, #tpu.memory_space<vmem>>) dst(%dma_wait3A_454 : memref<10000x128xf32, #tpu.memory_space<vmem_shared>>)
      %dma_wait3A_455 = arith.constant 0 : i32
      %dma_wait3A_456 = arith.constant 0 : i32
      %dma_wait3A_457 = tpu.memref_slice %arg5[%dma_wait3A_455, %dma_wait3A_456] : memref<10000x128xf32, #tpu.memory_space<vmem_shared>> -> memref<10000x128xf32, #tpu.memory_space<vmem_shared>>
      tpu.wait_indirect_dma semaphore(%arg30 : memref<!tpu.dma_semaphore, #tpu.memory_space<semaphore_mem>>) src(%arg10 : memref<80x128xf32, #tpu.memory_space<vmem>>) dst(%dma_wait3A_457 : memref<10000x128xf32, #tpu.memory_space<vmem_shared>>)
      %add3A_458 = arith.constant 1 : i32
      %add3A_459 = arith.addi %mul3A_393, %add3A_458 : i32
      %mul3A_460 = arith.constant 2 : i32
      %mul3A_461 = arith.muli %add3A_459, %mul3A_460 : i32
      %add3A_462 = arith.constant 0 : i32
      %add3A_463 = arith.addi %mul3A_461, %add3A_462 : i32
      %mul3A_464 = arith.constant 80 : i32
      %mul3A_465 = arith.muli %add3A_463, %mul3A_464 : i32
      %add3A_466 = arith.addi %mul3A_2, %mul3A_465 : i32
      %dma_start3A_467 = tpu.memref_slice %arg3[%add3A_466] : memref<640000xi32, #tpu.memory_space<hbm>> -> memref<80xi32, #tpu.memory_space<hbm>>
      %dma_start3A_468 = tpu.memref_slice %arg3[%add3A_466] : memref<640000xi32, #tpu.memory_space<hbm>> -> memref<80xi32, #tpu.memory_space<hbm>>
      tpu.enqueue_dma source(%dma_start3A_468 : memref<80xi32, #tpu.memory_space<hbm>>) target(%arg13 : memref<80xi32, #tpu.memory_space<vmem>>) target_semaphore(%arg21 : memref<!tpu.dma_semaphore, #tpu.memory_space<semaphore_mem>>)
      %add3A_469 = arith.constant 320000 : i32
      %add3A_470 = arith.addi %add3A_469, %add3A_466 : i32
      %dma_start3A_471 = tpu.memref_slice %arg3[%add3A_470] : memref<640000xi32, #tpu.memory_space<hbm>> -> memref<80xi32, #tpu.memory_space<hbm>>
      %dma_start3A_472 = tpu.memref_slice %arg3[%add3A_470] : memref<640000xi32, #tpu.memory_space<hbm>> -> memref<80xi32, #tpu.memory_space<hbm>>
      tpu.enqueue_dma source(%dma_start3A_472 : memref<80xi32, #tpu.memory_space<hbm>>) target(%arg17 : memref<80xi32, #tpu.memory_space<vmem>>) target_semaphore(%arg21 : memref<!tpu.dma_semaphore, #tpu.memory_space<semaphore_mem>>)
      %mul3A_473 = arith.constant 2 : i32
      %mul3A_474 = arith.muli %add3A_459, %mul3A_473 : i32
      %add3A_475 = arith.constant 1 : i32
      %add3A_476 = arith.addi %mul3A_474, %add3A_475 : i32
      %mul3A_477 = arith.constant 80 : i32
      %mul3A_478 = arith.muli %add3A_476, %mul3A_477 : i32
      %add3A_479 = arith.addi %mul3A_2, %mul3A_478 : i32
      %dma_start3A_480 = tpu.memref_slice %arg3[%add3A_479] : memref<640000xi32, #tpu.memory_space<hbm>> -> memref<80xi32, #tpu.memory_space<hbm>>
      %dma_start3A_481 = tpu.memref_slice %arg3[%add3A_479] : memref<640000xi32, #tpu.memory_space<hbm>> -> memref<80xi32, #tpu.memory_space<hbm>>
      tpu.enqueue_dma source(%dma_start3A_481 : memref<80xi32, #tpu.memory_space<hbm>>) target(%arg14 : memref<80xi32, #tpu.memory_space<vmem>>) target_semaphore(%arg22 : memref<!tpu.dma_semaphore, #tpu.memory_space<semaphore_mem>>)
      %add3A_482 = arith.constant 320000 : i32
      %add3A_483 = arith.addi %add3A_482, %add3A_479 : i32
      %dma_start3A_484 = tpu.memref_slice %arg3[%add3A_483] : memref<640000xi32, #tpu.memory_space<hbm>> -> memref<80xi32, #tpu.memory_space<hbm>>
      %dma_start3A_485 = tpu.memref_slice %arg3[%add3A_483] : memref<640000xi32, #tpu.memory_space<hbm>> -> memref<80xi32, #tpu.memory_space<hbm>>
      tpu.enqueue_dma source(%dma_start3A_485 : memref<80xi32, #tpu.memory_space<hbm>>) target(%arg18 : memref<80xi32, #tpu.memory_space<vmem>>) target_semaphore(%arg22 : memref<!tpu.dma_semaphore, #tpu.memory_space<semaphore_mem>>)
      %dma_wait3A_486 = tpu.memref_slice %arg3[%add3A_466] : memref<640000xi32, #tpu.memory_space<hbm>> -> memref<80xi32, #tpu.memory_space<hbm>>
      %dma_wait3A_487 = tpu.memref_slice %arg3[%add3A_466] : memref<640000xi32, #tpu.memory_space<hbm>> -> memref<80xi32, #tpu.memory_space<hbm>>
      tpu.wait_dma2 semaphore(%arg21 : memref<!tpu.dma_semaphore, #tpu.memory_space<semaphore_mem>>) src(%dma_wait3A_487 : memref<80xi32, #tpu.memory_space<hbm>>) dst(%arg13 : memref<80xi32, #tpu.memory_space<vmem>>)
      %dma_wait3A_488 = tpu.memref_slice %arg3[%add3A_470] : memref<640000xi32, #tpu.memory_space<hbm>> -> memref<80xi32, #tpu.memory_space<hbm>>
      %dma_wait3A_489 = tpu.memref_slice %arg3[%add3A_470] : memref<640000xi32, #tpu.memory_space<hbm>> -> memref<80xi32, #tpu.memory_space<hbm>>
      tpu.wait_dma2 semaphore(%arg21 : memref<!tpu.dma_semaphore, #tpu.memory_space<semaphore_mem>>) src(%dma_wait3A_489 : memref<80xi32, #tpu.memory_space<hbm>>) dst(%arg17 : memref<80xi32, #tpu.memory_space<vmem>>)
      %dma_start3A_490 = arith.constant 0 : i32
      %dma_start3A_491 = arith.constant 0 : i32
      %dma_start3A_492 = tpu.memref_slice %arg2[%dma_start3A_490, %dma_start3A_491] : memref<10000x128xf32, #tpu.memory_space<hbm>> -> memref<10000x128xf32, #tpu.memory_space<hbm>>
      tpu.enqueue_indirect_dma source(%dma_start3A_492 : memref<10000x128xf32, #tpu.memory_space<hbm>>) target(%arg9 : memref<80x128xf32, #tpu.memory_space<vmem>>) offsets(%arg13 : memref<80xi32, #tpu.memory_space<vmem>>) semaphore(%arg25 : memref<!tpu.dma_semaphore, #tpu.memory_space<semaphore_mem>>)
      %dma_wait3A_493 = tpu.memref_slice %arg3[%add3A_479] : memref<640000xi32, #tpu.memory_space<hbm>> -> memref<80xi32, #tpu.memory_space<hbm>>
      %dma_wait3A_494 = tpu.memref_slice %arg3[%add3A_479] : memref<640000xi32, #tpu.memory_space<hbm>> -> memref<80xi32, #tpu.memory_space<hbm>>
      tpu.wait_dma2 semaphore(%arg22 : memref<!tpu.dma_semaphore, #tpu.memory_space<semaphore_mem>>) src(%dma_wait3A_494 : memref<80xi32, #tpu.memory_space<hbm>>) dst(%arg14 : memref<80xi32, #tpu.memory_space<vmem>>)
      %dma_wait3A_495 = tpu.memref_slice %arg3[%add3A_483] : memref<640000xi32, #tpu.memory_space<hbm>> -> memref<80xi32, #tpu.memory_space<hbm>>
      %dma_wait3A_496 = tpu.memref_slice %arg3[%add3A_483] : memref<640000xi32, #tpu.memory_space<hbm>> -> memref<80xi32, #tpu.memory_space<hbm>>
      tpu.wait_dma2 semaphore(%arg22 : memref<!tpu.dma_semaphore, #tpu.memory_space<semaphore_mem>>) src(%dma_wait3A_496 : memref<80xi32, #tpu.memory_space<hbm>>) dst(%arg18 : memref<80xi32, #tpu.memory_space<vmem>>)
      %dma_start3A_497 = arith.constant 0 : i32
      %dma_start3A_498 = arith.constant 0 : i32
      %dma_start3A_499 = tpu.memref_slice %arg2[%dma_start3A_497, %dma_start3A_498] : memref<10000x128xf32, #tpu.memory_space<hbm>> -> memref<10000x128xf32, #tpu.memory_space<hbm>>
      tpu.enqueue_indirect_dma source(%dma_start3A_499 : memref<10000x128xf32, #tpu.memory_space<hbm>>) target(%arg10 : memref<80x128xf32, #tpu.memory_space<vmem>>) offsets(%arg14 : memref<80xi32, #tpu.memory_space<vmem>>) semaphore(%arg26 : memref<!tpu.dma_semaphore, #tpu.memory_space<semaphore_mem>>)
      %dma_wait3A_500 = arith.constant 0 : i32
      %dma_wait3A_501 = arith.constant 0 : i32
      %dma_wait3A_502 = tpu.memref_slice %arg2[%dma_wait3A_500, %dma_wait3A_501] : memref<10000x128xf32, #tpu.memory_space<hbm>> -> memref<10000x128xf32, #tpu.memory_space<hbm>>
      tpu.wait_indirect_dma semaphore(%arg23 : memref<!tpu.dma_semaphore, #tpu.memory_space<semaphore_mem>>) src(%dma_wait3A_502 : memref<10000x128xf32, #tpu.memory_space<hbm>>) dst(%arg7 : memref<80x128xf32, #tpu.memory_space<vmem>>)
      %dma_start3A_503 = arith.constant 0 : i32
      %dma_start3A_504 = arith.constant 0 : i32
      %dma_start3A_505 = tpu.memref_slice %arg5[%dma_start3A_503, %dma_start3A_504] : memref<10000x128xf32, #tpu.memory_space<vmem_shared>> -> memref<10000x128xf32, #tpu.memory_space<vmem_shared>>
      tpu.enqueue_indirect_dma source(%arg7 : memref<80x128xf32, #tpu.memory_space<vmem>>) target(%dma_start3A_505 : memref<10000x128xf32, #tpu.memory_space<vmem_shared>>) offsets(%arg15 : memref<80xi32, #tpu.memory_space<vmem>>) semaphore(%arg27 : memref<!tpu.dma_semaphore, #tpu.memory_space<semaphore_mem>>) {add = true}
      %dma_wait3A_506 = arith.constant 0 : i32
      %dma_wait3A_507 = arith.constant 0 : i32
      %dma_wait3A_508 = tpu.memref_slice %arg2[%dma_wait3A_506, %dma_wait3A_507] : memref<10000x128xf32, #tpu.memory_space<hbm>> -> memref<10000x128xf32, #tpu.memory_space<hbm>>
      tpu.wait_indirect_dma semaphore(%arg24 : memref<!tpu.dma_semaphore, #tpu.memory_space<semaphore_mem>>) src(%dma_wait3A_508 : memref<10000x128xf32, #tpu.memory_space<hbm>>) dst(%arg8 : memref<80x128xf32, #tpu.memory_space<vmem>>)
      %dma_start3A_509 = arith.constant 0 : i32
      %dma_start3A_510 = arith.constant 0 : i32
      %dma_start3A_511 = tpu.memref_slice %arg5[%dma_start3A_509, %dma_start3A_510] : memref<10000x128xf32, #tpu.memory_space<vmem_shared>> -> memref<10000x128xf32, #tpu.memory_space<vmem_shared>>
      tpu.enqueue_indirect_dma source(%arg8 : memref<80x128xf32, #tpu.memory_space<vmem>>) target(%dma_start3A_511 : memref<10000x128xf32, #tpu.memory_space<vmem_shared>>) offsets(%arg16 : memref<80xi32, #tpu.memory_space<vmem>>) semaphore(%arg28 : memref<!tpu.dma_semaphore, #tpu.memory_space<semaphore_mem>>) {add = true}
      %scan3A_512 = arith.constant 0 : i32
      scf.yield %scan3A_512 : i32
    }
    %scan3A_326 = arith.constant 30 : i32
    %dma_wait3A_327 = arith.constant 0 : i32
    %dma_wait3A_328 = arith.constant 0 : i32
    %dma_wait3A_329 = tpu.memref_slice %arg2[%dma_wait3A_327, %dma_wait3A_328] : memref<10000x128xf32, #tpu.memory_space<hbm>> -> memref<10000x128xf32, #tpu.memory_space<hbm>>
    tpu.wait_indirect_dma semaphore(%arg25 : memref<!tpu.dma_semaphore, #tpu.memory_space<semaphore_mem>>) src(%dma_wait3A_329 : memref<10000x128xf32, #tpu.memory_space<hbm>>) dst(%arg9 : memref<80x128xf32, #tpu.memory_space<vmem>>)
    %dma_start3A_330 = arith.constant 0 : i32
    %dma_start3A_331 = arith.constant 0 : i32
    %dma_start3A_332 = tpu.memref_slice %arg5[%dma_start3A_330, %dma_start3A_331] : memref<10000x128xf32, #tpu.memory_space<vmem_shared>> -> memref<10000x128xf32, #tpu.memory_space<vmem_shared>>
    tpu.enqueue_indirect_dma source(%arg9 : memref<80x128xf32, #tpu.memory_space<vmem>>) target(%dma_start3A_332 : memref<10000x128xf32, #tpu.memory_space<vmem_shared>>) offsets(%arg17 : memref<80xi32, #tpu.memory_space<vmem>>) semaphore(%arg29 : memref<!tpu.dma_semaphore, #tpu.memory_space<semaphore_mem>>) {add = true}
    %dma_wait3A_333 = arith.constant 0 : i32
    %dma_wait3A_334 = arith.constant 0 : i32
    %dma_wait3A_335 = tpu.memref_slice %arg2[%dma_wait3A_333, %dma_wait3A_334] : memref<10000x128xf32, #tpu.memory_space<hbm>> -> memref<10000x128xf32, #tpu.memory_space<hbm>>
    tpu.wait_indirect_dma semaphore(%arg26 : memref<!tpu.dma_semaphore, #tpu.memory_space<semaphore_mem>>) src(%dma_wait3A_335 : memref<10000x128xf32, #tpu.memory_space<hbm>>) dst(%arg10 : memref<80x128xf32, #tpu.memory_space<vmem>>)
    %dma_start3A_336 = arith.constant 0 : i32
    %dma_start3A_337 = arith.constant 0 : i32
    %dma_start3A_338 = tpu.memref_slice %arg5[%dma_start3A_336, %dma_start3A_337] : memref<10000x128xf32, #tpu.memory_space<vmem_shared>> -> memref<10000x128xf32, #tpu.memory_space<vmem_shared>>
    tpu.enqueue_indirect_dma source(%arg10 : memref<80x128xf32, #tpu.memory_space<vmem>>) target(%dma_start3A_338 : memref<10000x128xf32, #tpu.memory_space<vmem_shared>>) offsets(%arg18 : memref<80xi32, #tpu.memory_space<vmem>>) semaphore(%arg30 : memref<!tpu.dma_semaphore, #tpu.memory_space<semaphore_mem>>) {add = true}
    %dma_wait3A_339 = arith.constant 0 : i32
    %dma_wait3A_340 = arith.constant 0 : i32
    %dma_wait3A_341 = tpu.memref_slice %arg5[%dma_wait3A_339, %dma_wait3A_340] : memref<10000x128xf32, #tpu.memory_space<vmem_shared>> -> memref<10000x128xf32, #tpu.memory_space<vmem_shared>>
    tpu.wait_indirect_dma semaphore(%arg27 : memref<!tpu.dma_semaphore, #tpu.memory_space<semaphore_mem>>) src(%arg7 : memref<80x128xf32, #tpu.memory_space<vmem>>) dst(%dma_wait3A_341 : memref<10000x128xf32, #tpu.memory_space<vmem_shared>>)
    %dma_wait3A_342 = arith.constant 0 : i32
    %dma_wait3A_343 = arith.constant 0 : i32
    %dma_wait3A_344 = tpu.memref_slice %arg5[%dma_wait3A_342, %dma_wait3A_343] : memref<10000x128xf32, #tpu.memory_space<vmem_shared>> -> memref<10000x128xf32, #tpu.memory_space<vmem_shared>>
    tpu.wait_indirect_dma semaphore(%arg28 : memref<!tpu.dma_semaphore, #tpu.memory_space<semaphore_mem>>) src(%arg8 : memref<80x128xf32, #tpu.memory_space<vmem>>) dst(%dma_wait3A_344 : memref<10000x128xf32, #tpu.memory_space<vmem_shared>>)
    %dma_wait3A_345 = arith.constant 0 : i32
    %dma_wait3A_346 = arith.constant 0 : i32
    %dma_wait3A_347 = tpu.memref_slice %arg5[%dma_wait3A_345, %dma_wait3A_346] : memref<10000x128xf32, #tpu.memory_space<vmem_shared>> -> memref<10000x128xf32, #tpu.memory_space<vmem_shared>>
    tpu.wait_indirect_dma semaphore(%arg29 : memref<!tpu.dma_semaphore, #tpu.memory_space<semaphore_mem>>) src(%arg9 : memref<80x128xf32, #tpu.memory_space<vmem>>) dst(%dma_wait3A_347 : memref<10000x128xf32, #tpu.memory_space<vmem_shared>>)
    %dma_wait3A_348 = arith.constant 0 : i32
    %dma_wait3A_349 = arith.constant 0 : i32
    %dma_wait3A_350 = tpu.memref_slice %arg5[%dma_wait3A_348, %dma_wait3A_349] : memref<10000x128xf32, #tpu.memory_space<vmem_shared>> -> memref<10000x128xf32, #tpu.memory_space<vmem_shared>>
    tpu.wait_indirect_dma semaphore(%arg30 : memref<!tpu.dma_semaphore, #tpu.memory_space<semaphore_mem>>) src(%arg10 : memref<80x128xf32, #tpu.memory_space<vmem>>) dst(%dma_wait3A_350 : memref<10000x128xf32, #tpu.memory_space<vmem_shared>>)
    %add3A_351 = arith.constant 9920 : i32
    %add3A_352 = arith.addi %mul3A_2, %add3A_351 : i32
    %dma_start3A_353 = tpu.memref_slice %arg3[%add3A_352] : memref<640000xi32, #tpu.memory_space<hbm>> -> memref<80xi32, #tpu.memory_space<hbm>>
    %dma_start3A_354 = tpu.memref_slice %arg3[%add3A_352] : memref<640000xi32, #tpu.memory_space<hbm>> -> memref<80xi32, #tpu.memory_space<hbm>>
    tpu.enqueue_dma source(%dma_start3A_354 : memref<80xi32, #tpu.memory_space<hbm>>) target(%arg11 : memref<80xi32, #tpu.memory_space<vmem>>) target_semaphore(%arg19 : memref<!tpu.dma_semaphore, #tpu.memory_space<semaphore_mem>>)
    %add3A_355 = arith.constant 320000 : i32
    %add3A_356 = arith.addi %add3A_355, %add3A_352 : i32
    %dma_start3A_357 = tpu.memref_slice %arg3[%add3A_356] : memref<640000xi32, #tpu.memory_space<hbm>> -> memref<80xi32, #tpu.memory_space<hbm>>
    %dma_start3A_358 = tpu.memref_slice %arg3[%add3A_356] : memref<640000xi32, #tpu.memory_space<hbm>> -> memref<80xi32, #tpu.memory_space<hbm>>
    tpu.enqueue_dma source(%dma_start3A_358 : memref<80xi32, #tpu.memory_space<hbm>>) target(%arg15 : memref<80xi32, #tpu.memory_space<vmem>>) target_semaphore(%arg19 : memref<!tpu.dma_semaphore, #tpu.memory_space<semaphore_mem>>)
    %dma_wait3A_359 = tpu.memref_slice %arg3[%add3A_352] : memref<640000xi32, #tpu.memory_space<hbm>> -> memref<80xi32, #tpu.memory_space<hbm>>
    %dma_wait3A_360 = tpu.memref_slice %arg3[%add3A_352] : memref<640000xi32, #tpu.memory_space<hbm>> -> memref<80xi32, #tpu.memory_space<hbm>>
    tpu.wait_dma2 semaphore(%arg19 : memref<!tpu.dma_semaphore, #tpu.memory_space<semaphore_mem>>) src(%dma_wait3A_360 : memref<80xi32, #tpu.memory_space<hbm>>) dst(%arg11 : memref<80xi32, #tpu.memory_space<vmem>>)
    %dma_wait3A_361 = tpu.memref_slice %arg3[%add3A_356] : memref<640000xi32, #tpu.memory_space<hbm>> -> memref<80xi32, #tpu.memory_space<hbm>>
    %dma_wait3A_362 = tpu.memref_slice %arg3[%add3A_356] : memref<640000xi32, #tpu.memory_space<hbm>> -> memref<80xi32, #tpu.memory_space<hbm>>
    tpu.wait_dma2 semaphore(%arg19 : memref<!tpu.dma_semaphore, #tpu.memory_space<semaphore_mem>>) src(%dma_wait3A_362 : memref<80xi32, #tpu.memory_space<hbm>>) dst(%arg15 : memref<80xi32, #tpu.memory_space<vmem>>)
    %dma_start3A_363 = arith.constant 0 : i32
    %dma_start3A_364 = arith.constant 0 : i32
    %dma_start3A_365 = tpu.memref_slice %arg2[%dma_start3A_363, %dma_start3A_364] : memref<10000x128xf32, #tpu.memory_space<hbm>> -> memref<10000x128xf32, #tpu.memory_space<hbm>>
    tpu.enqueue_indirect_dma source(%dma_start3A_365 : memref<10000x128xf32, #tpu.memory_space<hbm>>) target(%arg7 : memref<80x128xf32, #tpu.memory_space<vmem>>) offsets(%arg11 : memref<80xi32, #tpu.memory_space<vmem>>) semaphore(%arg23 : memref<!tpu.dma_semaphore, #tpu.memory_space<semaphore_mem>>)
    %dma_wait3A_366 = arith.constant 0 : i32
    %dma_wait3A_367 = arith.constant 0 : i32
    %dma_wait3A_368 = tpu.memref_slice %arg2[%dma_wait3A_366, %dma_wait3A_367] : memref<10000x128xf32, #tpu.memory_space<hbm>> -> memref<10000x128xf32, #tpu.memory_space<hbm>>
    tpu.wait_indirect_dma semaphore(%arg23 : memref<!tpu.dma_semaphore, #tpu.memory_space<semaphore_mem>>) src(%dma_wait3A_368 : memref<10000x128xf32, #tpu.memory_space<hbm>>) dst(%arg7 : memref<80x128xf32, #tpu.memory_space<vmem>>)
    %dma_start3A_369 = arith.constant 0 : i32
    %dma_start3A_370 = arith.constant 0 : i32
    %dma_start3A_371 = tpu.memref_slice %arg5[%dma_start3A_369, %dma_start3A_370] : memref<10000x128xf32, #tpu.memory_space<vmem_shared>> -> memref<10000x128xf32, #tpu.memory_space<vmem_shared>>
    tpu.enqueue_indirect_dma source(%arg7 : memref<80x128xf32, #tpu.memory_space<vmem>>) target(%dma_start3A_371 : memref<10000x128xf32, #tpu.memory_space<vmem_shared>>) offsets(%arg15 : memref<80xi32, #tpu.memory_space<vmem>>) semaphore(%arg27 : memref<!tpu.dma_semaphore, #tpu.memory_space<semaphore_mem>>) {add = true}
    %dma_wait3A_372 = arith.constant 0 : i32
    %dma_wait3A_373 = arith.constant 0 : i32
    %dma_wait3A_374 = tpu.memref_slice %arg5[%dma_wait3A_372, %dma_wait3A_373] : memref<10000x128xf32, #tpu.memory_space<vmem_shared>> -> memref<10000x128xf32, #tpu.memory_space<vmem_shared>>
    tpu.wait_indirect_dma semaphore(%arg27 : memref<!tpu.dma_semaphore, #tpu.memory_space<semaphore_mem>>) src(%arg7 : memref<80x128xf32, #tpu.memory_space<vmem>>) dst(%dma_wait3A_374 : memref<10000x128xf32, #tpu.memory_space<vmem_shared>>)
    %barrier3A_375 = arith.constant 0 : index
    tpu.barrier barrier_id(%barrier3A_375)
    %mul3A_376 = arith.constant 624 : i32
    %mul3A_377 = arith.muli %arg1, %mul3A_376 : i32
    %mul3A_378 = arith.constant 624 : i32
    %mul3A_379 = arith.muli %arg1, %mul3A_378 : i32
    %dma_start3A_380 = arith.constant 0 : i32
    %dma_start3A_381 = tpu.memref_slice %arg4[%arg0, %mul3A_379, %dma_start3A_380] : memref<2x10000x128xf32, #tpu.memory_space<hbm>> -> memref<1x640x128xf32, #tpu.memory_space<hbm>>
    %dma_start3A_382 = tpu.memref_squeeze %dma_start3A_381 : memref<1x640x128xf32, #tpu.memory_space<hbm>> -> memref<640x128xf32, #tpu.memory_space<hbm>>
    %dma_start3A_383 = arith.constant 0 : i32
    %dma_start3A_384 = tpu.memref_slice %arg5[%mul3A_377, %dma_start3A_383] : memref<10000x128xf32, #tpu.memory_space<vmem_shared>> -> memref<640x128xf32, #tpu.memory_space<vmem_shared>>
    tpu.enqueue_dma source(%dma_start3A_384 : memref<640x128xf32, #tpu.memory_space<vmem_shared>>) target(%dma_start3A_382 : memref<640x128xf32, #tpu.memory_space<hbm>>) target_semaphore(%arg23 : memref<!tpu.dma_semaphore, #tpu.memory_space<semaphore_mem>>)
    %dma_wait3A_385 = arith.constant 0 : i32
    %dma_wait3A_386 = tpu.memref_slice %arg4[%arg0, %mul3A_379, %dma_wait3A_385] : memref<2x10000x128xf32, #tpu.memory_space<hbm>> -> memref<1x640x128xf32, #tpu.memory_space<hbm>>
    %dma_wait3A_387 = tpu.memref_squeeze %dma_wait3A_386 : memref<1x640x128xf32, #tpu.memory_space<hbm>> -> memref<640x128xf32, #tpu.memory_space<hbm>>
    %dma_wait3A_388 = arith.constant 0 : i32
    %dma_wait3A_389 = tpu.memref_slice %arg5[%mul3A_377, %dma_wait3A_388] : memref<10000x128xf32, #tpu.memory_space<vmem_shared>> -> memref<640x128xf32, #tpu.memory_space<vmem_shared>>
    tpu.wait_dma2 semaphore(%arg23 : memref<!tpu.dma_semaphore, #tpu.memory_space<semaphore_mem>>) src(%dma_wait3A_389 : memref<640x128xf32, #tpu.memory_space<vmem_shared>>) dst(%dma_wait3A_387 : memref<640x128xf32, #tpu.memory_space<hbm>>)
    return
  }
}

module attributes {stable_mosaic.version = 14 : i64} {
  func.func @gcn_mid(%arg0: i32, %arg1: memref<1000x128xf32, #tpu.memory_space<vmem>>, %arg2: memref<2x1000x128xf32, #tpu.memory_space<vmem>>, %arg3: memref<1x2x1000xf32, #tpu.memory_space<vmem>>, %arg4: memref<128x64xf32, #tpu.memory_space<vmem>>, %arg5: memref<1x64xf32, #tpu.memory_space<vmem>>, %arg6: memref<64x128xf32, #tpu.memory_space<vmem>>, %arg7: memref<1000x128xf32, #tpu.memory_space<vmem>>) attributes {dimension_semantics = [#tpu.dimension_semantics<arbitrary>], iteration_bounds = array<i64: 10>, scalar_prefetch = 0 : i64, scratch_operands = 0 : i64, tpu.core_type = #tpu.core_type<tc>, window_params = [{transform_indices = @transform_0, window_bounds = array<i64: 1000, 128>}, {transform_indices = @transform_1, window_bounds = array<i64: 2, 1000, 128>}, {transform_indices = @transform_2, window_bounds = array<i64: 1, 2, 1000>}, {pipeline_mode = #tpu.pipeline_mode<synchronous>, transform_indices = @transform_3, window_bounds = array<i64: 128, 64>}, {pipeline_mode = #tpu.pipeline_mode<synchronous>, transform_indices = @transform_4, window_bounds = array<i64: 1, 64>}, {pipeline_mode = #tpu.pipeline_mode<synchronous>, transform_indices = @transform_5, window_bounds = array<i64: 64, 128>}, {transform_indices = @transform_6, window_bounds = array<i64: 1000, 128>}]} {
    %get3A = arith.constant 0 : index
    %get3A_0 = arith.constant 0 : index
    %get3A_1 = vector.load %arg1[%get3A, %get3A_0] : memref<1000x128xf32, #tpu.memory_space<vmem>>, vector<1000x128xf32>
    %get3A_2 = arith.constant 0 : index
    %get3A_3 = arith.constant 0 : index
    %get3A_4 = arith.constant 0 : index
    %get3A_5 = vector.load %arg2[%get3A_2, %get3A_3, %get3A_4] : memref<2x1000x128xf32, #tpu.memory_space<vmem>>, vector<1x1000x128xf32>
    %get3A_6 = vector.shape_cast %get3A_5 : vector<1x1000x128xf32> to vector<1000x128xf32>
    %add3A = arith.addf %get3A_1, %get3A_6 : vector<1000x128xf32>
    %get3A_7 = arith.constant 1 : index
    %get3A_8 = arith.constant 0 : index
    %get3A_9 = arith.constant 0 : index
    %get3A_10 = vector.load %arg2[%get3A_7, %get3A_8, %get3A_9] : memref<2x1000x128xf32, #tpu.memory_space<vmem>>, vector<1x1000x128xf32>
    %get3A_11 = vector.shape_cast %get3A_10 : vector<1x1000x128xf32> to vector<1000x128xf32>
    %add3A_12 = arith.addf %add3A, %get3A_11 : vector<1000x128xf32>
    %get3A_13 = arith.constant 0 : index
    %get3A_14 = arith.constant 0 : index
    %get3A_15 = vector.load %arg4[%get3A_13, %get3A_14] : memref<128x64xf32, #tpu.memory_space<vmem>>, vector<128x64xf32>
    %dot_general3A = arith.constant dense<0.000000e+00> : vector<1000x64xf32>
    %dot_general3A_16 = tpu.matmul %add3A_12, %get3A_15, %dot_general3A {dimension_numbers = #tpu.dot_dimension_numbers<[1], [0], [0], [1], [0, 0, 1, 1], [], []>, transpose_lhs_hint = false} : vector<1000x128xf32>, vector<128x64xf32>, vector<1000x64xf32> -> vector<1000x64xf32>
    %get3A_17 = arith.constant 0 : index
    %get3A_18 = arith.constant 0 : index
    %get3A_19 = vector.load %arg5[%get3A_17, %get3A_18] : memref<1x64xf32, #tpu.memory_space<vmem>>, vector<1x64xf32>
    %add3A_20 = vector.broadcast %get3A_19 : vector<1x64xf32> to vector<1000x64xf32>
    %add3A_21 = arith.addf %dot_general3A_16, %add3A_20 : vector<1000x64xf32>
    %max3A = arith.constant 0.000000e+00 : f32
    %max3A_22 = vector.broadcast %max3A : f32 to vector<1000x64xf32>
    %max3A_23 = arith.maximumf %add3A_21, %max3A_22 : vector<1000x64xf32>
    %get3A_24 = arith.constant 0 : index
    %get3A_25 = arith.constant 0 : index
    %get3A_26 = arith.constant 0 : index
    %get3A_27 = vector.load %arg3[%get3A_24, %get3A_25, %get3A_26] : memref<1x2x1000xf32, #tpu.memory_space<vmem>>, vector<1x1x1000xf32>
    %get3A_28 = vector.shape_cast %get3A_27 : vector<1x1x1000xf32> to vector<1000xf32>
    %get3A_29 = arith.constant 0 : index
    %get3A_30 = arith.constant 1 : index
    %get3A_31 = arith.constant 0 : index
    %get3A_32 = vector.load %arg3[%get3A_29, %get3A_30, %get3A_31] : memref<1x2x1000xf32, #tpu.memory_space<vmem>>, vector<1x1x1000xf32>
    %get3A_33 = vector.shape_cast %get3A_32 : vector<1x1x1000xf32> to vector<1000xf32>
    %add3A_34 = arith.addf %get3A_28, %get3A_33 : vector<1000xf32>
    %add3A_35 = arith.constant 1.000000e+00 : f32
    %add3A_36 = vector.broadcast %add3A_35 : f32 to vector<1000xf32>
    %add3A_37 = arith.addf %add3A_34, %add3A_36 : vector<1000xf32>
    %rsqrt3A = math.rsqrt %add3A_37 : vector<1000xf32>
    %get3A_38 = arith.constant 0 : index
    %get3A_39 = arith.constant 0 : index
    %get3A_40 = vector.load %arg6[%get3A_38, %get3A_39] : memref<64x128xf32, #tpu.memory_space<vmem>>, vector<64x128xf32>
    %dot_general3A_41 = arith.constant dense<0.000000e+00> : vector<1000x128xf32>
    %dot_general3A_42 = tpu.matmul %max3A_23, %get3A_40, %dot_general3A_41 {dimension_numbers = #tpu.dot_dimension_numbers<[1], [0], [0], [1], [0, 0, 1, 1], [], []>, transpose_lhs_hint = false} : vector<1000x64xf32>, vector<64x128xf32>, vector<1000x128xf32> -> vector<1000x128xf32>
    %broadcast_in_dim3A = vector.shape_cast %rsqrt3A : vector<1000xf32> to vector<1000x1xf32>
    %mul3A = vector.broadcast %broadcast_in_dim3A : vector<1000x1xf32> to vector<1000x128xf32>
    %mul3A_43 = arith.mulf %dot_general3A_42, %mul3A : vector<1000x128xf32>
    %swap3A = arith.constant 0 : index
    %swap3A_44 = arith.constant 0 : index
    %swap3A_45 = vector.load %arg7[%swap3A, %swap3A_44] : memref<1000x128xf32, #tpu.memory_space<vmem>>, vector<1000x128xf32>
    tpu.vector_store %arg7[%swap3A, %swap3A_44], %mul3A_43 {strides = array<i32>} : memref<1000x128xf32, #tpu.memory_space<vmem>>, vector<1000x128xf32>,
    return
  }
  func.func @transform_0(%arg0: i32) -> (i32, i32) {
    %c0_i32 = arith.constant 0 : i32
    %c0_i32_0 = arith.constant 0 : i32
    return %arg0, %c0_i32 : i32, i32
  }
  func.func @transform_1(%arg0: i32) -> (i32, i32, i32) {
    %c0_i32 = arith.constant 0 : i32
    %c0_i32_0 = arith.constant 0 : i32
    %c0_i32_1 = arith.constant 0 : i32
    return %c0_i32, %arg0, %c0_i32_0 : i32, i32, i32
  }
  func.func @transform_2(%arg0: i32) -> (i32, i32, i32) {
    %c0_i32 = arith.constant 0 : i32
    %c0_i32_0 = arith.constant 0 : i32
    %c0_i32_1 = arith.constant 0 : i32
    return %arg0, %c0_i32, %c0_i32_0 : i32, i32, i32
  }
  func.func @transform_3(%arg0: i32) -> (i32, i32) {
    %c0_i32 = arith.constant 0 : i32
    %c0_i32_0 = arith.constant 0 : i32
    %c0_i32_1 = arith.constant 0 : i32
    return %c0_i32, %c0_i32_0 : i32, i32
  }
  func.func @transform_4(%arg0: i32) -> (i32, i32) {
    %c0_i32 = arith.constant 0 : i32
    %c0_i32_0 = arith.constant 0 : i32
    %c0_i32_1 = arith.constant 0 : i32
    return %c0_i32, %c0_i32_0 : i32, i32
  }
  func.func @transform_5(%arg0: i32) -> (i32, i32) {
    %c0_i32 = arith.constant 0 : i32
    %c0_i32_0 = arith.constant 0 : i32
    %c0_i32_1 = arith.constant 0 : i32
    return %c0_i32, %c0_i32_0 : i32, i32
  }
  func.func @transform_6(%arg0: i32) -> (i32, i32) {
    %c0_i32 = arith.constant 0 : i32
    %c0_i32_0 = arith.constant 0 : i32
    return %arg0, %c0_i32 : i32, i32
  }
}

module attributes {stable_mosaic.version = 14 : i64} {
  func.func @gcn_out(%arg0: i32, %arg1: memref<2x1000x128xf32, #tpu.memory_space<vmem>>, %arg2: memref<1000x128xf32, #tpu.memory_space<vmem>>, %arg3: memref<1x2x1000xf32, #tpu.memory_space<vmem>>, %arg4: memref<1x64xf32, #tpu.memory_space<vmem>>, %arg5: memref<1x64xf32, #tpu.memory_space<vmem>>, %arg6: memref<1000x64xf32, #tpu.memory_space<vmem>>, %arg7: memref<1000x64xf32, #tpu.memory_space<vmem>>) attributes {dimension_semantics = [#tpu.dimension_semantics<arbitrary>], iteration_bounds = array<i64: 10>, scalar_prefetch = 0 : i64, scratch_operands = 0 : i64, tpu.core_type = #tpu.core_type<tc>, window_params = [{transform_indices = @transform_0, window_bounds = array<i64: 2, 1000, 128>}, {transform_indices = @transform_1, window_bounds = array<i64: 1000, 128>}, {transform_indices = @transform_2, window_bounds = array<i64: 1, 2, 1000>}, {pipeline_mode = #tpu.pipeline_mode<synchronous>, transform_indices = @transform_3, window_bounds = array<i64: 1, 64>}, {pipeline_mode = #tpu.pipeline_mode<synchronous>, transform_indices = @transform_4, window_bounds = array<i64: 1, 64>}, {transform_indices = @transform_5, window_bounds = array<i64: 1000, 64>}, {transform_indices = @transform_6, window_bounds = array<i64: 1000, 64>}]} {
    %get3A = arith.constant 0 : index
    %get3A_0 = arith.constant 0 : index
    %get3A_1 = arith.constant 0 : index
    %get3A_2 = vector.load %arg1[%get3A, %get3A_0, %get3A_1] : memref<2x1000x128xf32, #tpu.memory_space<vmem>>, vector<1x1000x128xf32>
    %get3A_3 = vector.shape_cast %get3A_2 : vector<1x1000x128xf32> to vector<1000x128xf32>
    %get3A_4 = arith.constant 1 : index
    %get3A_5 = arith.constant 0 : index
    %get3A_6 = arith.constant 0 : index
    %get3A_7 = vector.load %arg1[%get3A_4, %get3A_5, %get3A_6] : memref<2x1000x128xf32, #tpu.memory_space<vmem>>, vector<1x1000x128xf32>
    %get3A_8 = vector.shape_cast %get3A_7 : vector<1x1000x128xf32> to vector<1000x128xf32>
    %add3A = arith.addf %get3A_3, %get3A_8 : vector<1000x128xf32>
    %get3A_9 = arith.constant 0 : index
    %get3A_10 = arith.constant 0 : index
    %get3A_11 = vector.load %arg2[%get3A_9, %get3A_10] : memref<1000x128xf32, #tpu.memory_space<vmem>>, vector<1000x128xf32>
    %add3A_12 = arith.addf %add3A, %get3A_11 : vector<1000x128xf32>
    %get3A_13 = arith.constant 0 : index
    %get3A_14 = arith.constant 0 : index
    %get3A_15 = arith.constant 0 : index
    %get3A_16 = vector.load %arg3[%get3A_13, %get3A_14, %get3A_15] : memref<1x2x1000xf32, #tpu.memory_space<vmem>>, vector<1x1x1000xf32>
    %get3A_17 = vector.shape_cast %get3A_16 : vector<1x1x1000xf32> to vector<1000xf32>
    %get3A_18 = arith.constant 0 : index
    %get3A_19 = arith.constant 1 : index
    %get3A_20 = arith.constant 0 : index
    %get3A_21 = vector.load %arg3[%get3A_18, %get3A_19, %get3A_20] : memref<1x2x1000xf32, #tpu.memory_space<vmem>>, vector<1x1x1000xf32>
    %get3A_22 = vector.shape_cast %get3A_21 : vector<1x1x1000xf32> to vector<1000xf32>
    %add3A_23 = arith.addf %get3A_17, %get3A_22 : vector<1000xf32>
    %add3A_24 = arith.constant 1.000000e+00 : f32
    %add3A_25 = vector.broadcast %add3A_24 : f32 to vector<1000xf32>
    %add3A_26 = arith.addf %add3A_23, %add3A_25 : vector<1000xf32>
    %rsqrt3A = math.rsqrt %add3A_26 : vector<1000xf32>
    %broadcast_in_dim3A = vector.shape_cast %rsqrt3A : vector<1000xf32> to vector<1000x1xf32>
    %mul3A = vector.broadcast %broadcast_in_dim3A : vector<1000x1xf32> to vector<1000x128xf32>
    %mul3A_27 = arith.mulf %add3A_12, %mul3A : vector<1000x128xf32>
    %slice3A = vector.extract_strided_slice %mul3A_27 {offsets = [0, 0], sizes = [1000, 64], strides = [1, 1]} : vector<1000x128xf32> to vector<1000x64xf32>
    %get3A_28 = arith.constant 0 : index
    %get3A_29 = arith.constant 0 : index
    %get3A_30 = vector.load %arg4[%get3A_28, %get3A_29] : memref<1x64xf32, #tpu.memory_space<vmem>>, vector<1x64xf32>
    %add3A_31 = vector.broadcast %get3A_30 : vector<1x64xf32> to vector<1000x64xf32>
    %add3A_32 = arith.addf %slice3A, %add3A_31 : vector<1000x64xf32>
    %max3A = arith.constant 0.000000e+00 : f32
    %max3A_33 = vector.broadcast %max3A : f32 to vector<1000x64xf32>
    %max3A_34 = arith.maximumf %add3A_32, %max3A_33 : vector<1000x64xf32>
    %swap3A = arith.constant 0 : index
    %swap3A_35 = arith.constant 0 : index
    %swap3A_36 = vector.load %arg6[%swap3A, %swap3A_35] : memref<1000x64xf32, #tpu.memory_space<vmem>>, vector<1000x64xf32>
    tpu.vector_store %arg6[%swap3A, %swap3A_35], %max3A_34 {strides = array<i32>} : memref<1000x64xf32, #tpu.memory_space<vmem>>, vector<1000x64xf32>,
    %slice3A_37 = vector.extract_strided_slice %mul3A_27 {offsets = [0, 64], sizes = [1000, 64], strides = [1, 1]} : vector<1000x128xf32> to vector<1000x64xf32>
    %get3A_38 = arith.constant 0 : index
    %get3A_39 = arith.constant 0 : index
    %get3A_40 = vector.load %arg5[%get3A_38, %get3A_39] : memref<1x64xf32, #tpu.memory_space<vmem>>, vector<1x64xf32>
    %add3A_41 = vector.broadcast %get3A_40 : vector<1x64xf32> to vector<1000x64xf32>
    %add3A_42 = arith.addf %slice3A_37, %add3A_41 : vector<1000x64xf32>
    %swap3A_43 = arith.constant 0 : index
    %swap3A_44 = arith.constant 0 : index
    %swap3A_45 = vector.load %arg7[%swap3A_43, %swap3A_44] : memref<1000x64xf32, #tpu.memory_space<vmem>>, vector<1000x64xf32>
    tpu.vector_store %arg7[%swap3A_43, %swap3A_44], %add3A_42 {strides = array<i32>} : memref<1000x64xf32, #tpu.memory_space<vmem>>, vector<1000x64xf32>,
    return
  }
  func.func @transform_0(%arg0: i32) -> (i32, i32, i32) {
    %c0_i32 = arith.constant 0 : i32
    %c0_i32_0 = arith.constant 0 : i32
    %c0_i32_1 = arith.constant 0 : i32
    return %c0_i32, %arg0, %c0_i32_0 : i32, i32, i32
  }
  func.func @transform_1(%arg0: i32) -> (i32, i32) {
    %c0_i32 = arith.constant 0 : i32
    %c0_i32_0 = arith.constant 0 : i32
    return %arg0, %c0_i32 : i32, i32
  }
  func.func @transform_2(%arg0: i32) -> (i32, i32, i32) {
    %c0_i32 = arith.constant 0 : i32
    %c0_i32_0 = arith.constant 0 : i32
    %c0_i32_1 = arith.constant 0 : i32
    return %arg0, %c0_i32, %c0_i32_0 : i32, i32, i32
  }
  func.func @transform_3(%arg0: i32) -> (i32, i32) {
    %c0_i32 = arith.constant 0 : i32
    %c0_i32_0 = arith.constant 0 : i32
    %c0_i32_1 = arith.constant 0 : i32
    return %c0_i32, %c0_i32_0 : i32, i32
  }
  func.func @transform_4(%arg0: i32) -> (i32, i32) {
    %c0_i32 = arith.constant 0 : i32
    %c0_i32_0 = arith.constant 0 : i32
    %c0_i32_1 = arith.constant 0 : i32
    return %c0_i32, %c0_i32_0 : i32, i32
  }
  func.func @transform_5(%arg0: i32) -> (i32, i32) {
    %c0_i32 = arith.constant 0 : i32
    %c0_i32_0 = arith.constant 0 : i32
    return %arg0, %c0_i32 : i32, i32
  }
  func.func @transform_6(%arg0: i32) -> (i32, i32) {
    %c0_i32 = arith.constant 0 : i32
    %c0_i32_0 = arith.constant 0 : i32
    return %arg0, %c0_i32 : i32, i32
  }
}

</mosaic_0001>

<sc_bundles>
// kernel: edge_scatter.3.cloned.1.call-start
scs
__scs_entry_jumppad:
0x0: {  	(pc) =	sbr.rel $0x88, $3  }
0x1: {  	(tag) =	ssettag $0x0;
	lr =	simm.s32 $0x1  }
0x2: {  	[smem:$0x3F99] =	sst lr;
	_ =	strace $0xD0000000  }
0x3: {  	_ = 	snop  }
0x4: {  	_ = 	snop  }
0x5: {  	_ = 	snop  }
0x6: {  	_ = 	snop  }
0x7: {  	_ = 	snop  }
__scs_overlays_trampoline_lowered:
0x8: {  	[smem:$0x3FA8] =	sst s0  }
0x9: {  	[smem:$0x3FA9] =	sst s1  }
0xa: {  	[smem:$0x3FAA] =	sst s2  }
0xb: {  	[smem:$0x3FAB] =	sst s3  }
0xc: {  	[smem:$0x3FAC] =	sst s4  }
0xd: {  	[smem:$0x3FAD] =	sst s5  }
0xe: {  	[smem:$0x3FAE] =	sst s6  }
0xf: {  	[smem:$0x3FAF] =	sst s7  }
0x10: {  	[smem:$0x3FB0] =	sst s8  }
0x11: {  	[smem:$0x3FB1] =	sst s9;
	s0 =	simm.s32 @!p0 $0x0  }
0x12: {  	s1 =	sld [smem:$0x3F97];
	s0 =	simm.s32 @p0 $0x1  }
0x13: {  	[smem:$0x3FB2] =	sst s0;
	s0 =	simm.s32 @!p1 $0x0  }
0x14: {  	s2 =	sld [smem:$0x3F96];
	s0 =	simm.s32 @p1 $0x1  }
0x15: {  	[smem:$0x3FB3] =	sst s0;
	s0 =	simm.s32 @!p2 $0x0  }
0x16: {  	s3 =	sld [smem:$0x3FDB];
	s0 =	simm.s32 @p2 $0x1  }
0x17: {  	s4 =	simm.s32 $0x1BF5;
	[smem:$0x3FB5] =	sst s0  }
0x18: {  	s0 =	sld [smem:$0x3F98];
	_ =	swait.ge [sflag:s4], $0x0  }
0x19: {  	s7 =	sld [smem:$0x3F99]  }
0x1a: {  	s8 =	sadd.s32 $0xFFFFE003, lr  }
0x1b: {  	s9 =	sadd.s32 $0xFFFFFEF7, lr;
	s5 =	simm.s32 $0xFFFFFFFF;
	p2 =	slt.u32 s8, $0xFFFFF086  }
0x1c: {  	p1 =	slt.u32 s9, $0xF7A;
	s5 =	simm.s32 @!p2 $0x0  }
0x1d: {  	s5 =	simm.s32 @p1 $0x1;
	p0 =	seq.s32 s7, s2  }
0x1e: {  	s7 =	smul.u32 @!p0 $0xF7A, s2;
	p2 =	seq.s32 @!p0 s5, $0x0  }
0x1f: {  	s9 =	smul.u32 $0xF7A, s1;
	s8 =	simm.s32 @!p0 $0x1BF5;
	p2 =	por !p2, p0  }
0x20: {  	[sflag:s8] =	ssyncset.s32 @!p0 $0xFFFFF086;
	s6 =	sadd.s32 @!p0 s3, s7;
	s7 =	simm.s32 @!p0 $0x108  }
0x21: {  	s3 =	sadd.s32 s3, s9;
	s6 =	sadd.s32 @!p0 $0x88, s6;
	s7 =	simm.s32 @p2 $0x1082  }
0x22: {  	[simem:s7], [sflag:s8] =	dma.local @!p0 [hbm:s6], $0xF7A  }
0x23: {  	s9 =	sor.u32 $0xD0000000, s2;
	s6 =	simm.s32 $0x108;
	_ =	swait.ge @!p0 [sflag:s8], $0x0  }
0x24: {  	s3 =	sadd.s32 $0x88, s3;
	s6 =	simm.s32 @!p1 $0x1082;
	[sflag:s4] =	ssyncset.s32 $0xFFFFF086  }
0x25: {  	[simem:s6], [sflag:s4] =	dma.local [hbm:s3], $0xF7A  }
0x26: {  	[smem:$0x3F99] =	sst s1;
	(tag) =	ssettag s2;
	_ =	strace s9  }
0x27: {  	s1 =	sld [smem:$0x3FA9]  }
0x28: {  	s2 =	sld [smem:$0x3FAA]  }
0x29: {  	s4 =	sld [smem:$0x3FAC]  }
0x2a: {  	p0 =	seq.s32 s5, $0x0;
	s5 =	sld [smem:$0x3FAD]  }
0x2b: {  	s6 =	sld [smem:$0x3FAE]  }
0x2c: {  	s7 =	sld [smem:$0x3FAF]  }
0x2d: {  	s3 =	simm.s32 $0x108;
	s8 =	sld [smem:$0x3FB0]  }
0x2e: {  	s3 =	simm.s32 @!p0 $0x1082;
	s9 =	sld [smem:$0x3FB1]  }
0x2f: {  	lr =	sadd.s32 s0, s3;
	s0 =	sld [smem:$0x3FA8]  }
0x30: {  	s3 =	sld [smem:$0x3FAB]  }
0x31: {  	[smem:$0x3FB4] =	sst s10  }
0x32: {  	s10 =	sld [smem:$0x3FB2];
	_ =	sdelay $0x3  }
0x33: {  	p0 =	seq.s32 s10, $0x1;
	s10 =	sld [smem:$0x3FB4];
	_ =	sdelay $0x3  }
0x34: {  	[smem:$0x3FB4] =	sst s10  }
0x35: {  	s10 =	sld [smem:$0x3FB3];
	_ =	sdelay $0x3  }
0x36: {  	p1 =	seq.s32 s10, $0x1;
	s10 =	sld [smem:$0x3FB4];
	_ =	sdelay $0x3  }
0x37: {  	[smem:$0x3FB4] =	sst s10  }
0x38: {  	s10 =	sld [smem:$0x3FB5]  }
0x39: {  	_ = 	snop;
	(pc) =	sbr.ind lr, $3  }
0x3a: {  	_ = 	snop  }
0x3b: {  	_ = 	snop  }
0x3c: {  	p2 =	seq.s32 s10, $0x1;
	s10 =	sld [smem:$0x3FB4]  }
0x3d: {  	_ =	shalt  }
0x3e: {  	_ =	shalt  }
0x3f: {  	_ =	shalt  }
0x40: {  	_ =	shalt  }
0x41: {  	_ =	shalt  }
0x42: {  	_ =	shalt  }
0x43: {  	_ =	shalt  }
0x44: {  	_ =	shalt  }
0x45: {  	_ =	shalt  }
0x46: {  	_ =	shalt  }
0x47: {  	_ =	shalt  }
0x48: {  	_ =	shalt  }
0x49: {  	_ =	shalt  }
0x4a: {  	_ =	shalt  }
0x4b: {  	_ =	shalt  }
0x4c: {  	_ =	shalt  }
0x4d: {  	_ =	shalt  }
0x4e: {  	_ =	shalt  }
0x4f: {  	_ =	shalt  }
0x50: {  	_ =	shalt  }
0x51: {  	_ =	shalt  }
0x52: {  	_ =	shalt  }
0x53: {  	_ =	shalt  }
0x54: {  	_ =	shalt  }
0x55: {  	_ =	shalt  }
0x56: {  	_ =	shalt  }
0x57: {  	_ =	shalt  }
0x58: {  	_ =	shalt  }
0x59: {  	_ =	shalt  }
0x5a: {  	_ =	shalt  }
0x5b: {  	_ =	shalt  }
0x5c: {  	_ =	shalt  }
0x5d: {  	_ =	shalt  }
0x5e: {  	_ =	shalt  }
0x5f: {  	_ =	shalt  }
0x60: {  	_ =	shalt  }
0x61: {  	_ =	shalt  }
0x62: {  	_ =	shalt  }
0x63: {  	_ =	shalt  }
0x64: {  	_ =	shalt  }
0x65: {  	_ =	shalt  }
0x66: {  	_ =	shalt  }
0x67: {  	_ =	shalt  }
0x68: {  	_ =	shalt  }
0x69: {  	_ =	shalt  }
0x6a: {  	_ =	shalt  }
0x6b: {  	_ =	shalt  }
0x6c: {  	_ =	shalt  }
0x6d: {  	_ =	shalt  }
0x6e: {  	_ =	shalt  }
0x6f: {  	_ =	shalt  }
0x70: {  	_ =	shalt  }
0x71: {  	_ =	shalt  }
0x72: {  	_ =	shalt  }
0x73: {  	_ =	shalt  }
0x74: {  	_ =	shalt  }
0x75: {  	_ =	shalt  }
0x76: {  	_ =	shalt  }
0x77: {  	_ =	shalt  }
0x78: {  	_ =	shalt  }
0x79: {  	_ =	shalt  }
0x7a: {  	_ =	shalt  }
0x7b: {  	_ =	shalt  }
0x7c: {  	_ =	shalt  }
0x7d: {  	_ =	shalt  }
0x7e: {  	_ =	shalt  }
0x7f: {  	_ =	shalt  }
0x80: {  	_ =	shalt  }
0x81: {  	_ =	shalt  }
0x82: {  	_ =	shalt  }
0x83: {  	_ =	shalt  }
0x84: {  	_ =	shalt  }
0x85: {  	_ =	shalt  }
0x86: {  	_ =	shalt  }
0x87: {  	_ =	shalt  }
.Lfunc_end0:
.L_simem_size_0:
called_computation.1_lowered:
.L_overlay_start_0:
0x88: {  	s2 =	sld [smem:$0x3FD9]  }
0x89: {  	s3 =	sld [smem:$0x3FFE];
	_ =	sdelay $0x1  }
0x8a: {  	s1 =	srdreg.scid  }
0x8b: {  	s0 =	sand.u32 $0x1, s1  }
0x8c: {  	s14 =	sshll.u32 s0, $0xA;
	s2 =	sadd.s32 s3, s2  }
0x8d: {  	s2 =	sadd.s32 s2, s14  }
0x8e: {  	[smem:$0x3FC0] =	sst s2  }
0x8f: {  	_ = 	snop  }
0x90: {  	s2 =	sld [smem:$0x3FD0];
	_ =	sdelay $0x2  }
0x91: {  	s15 =	simm.s32 $0xA;
	s4 =	simm.s32 $0x10  }
0x92: {  	[smem:s4], [sflag:s15] =	dma.local [hbm:s2], $0x1  }
0x93: {  	_ =	swait.eq [sflag:s15], $0x1  }
0x94: {  	[sflag:s15] =	ssyncset.done $0x0  }
0x95: {  	[sflag:s15] =	ssyncadd.s32 $0xFFFFFFFF  }
0x96: {  	s16 =	sld [smem:$0x11];
	(tm) =	ssettm $0x1  }
0x97: {  	s17 =	sld [smem:$0x3FFB];
	_ =	sdelay $0x3  }
0x98: {  	_ =	strace s17  }
0x99: {  	s3 =	sld [smem:$0x3FFC];
	_ =	sdelay $0x3  }
0x9a: {  	_ =	strace s3  }
0x9b: {  	s3 =	sld [smem:$0x3FFD];
	_ =	sdelay $0x3  }
0x9c: {  	_ =	strace s3  }
0x9d: {  	_ =	strace $0x8FFFFFFF  }
0x9e: {  	s18 =	sld [smem:$0x3FDB];
	_ =	sdelay $0x1  }
0x9f: {  	s19 =	simm.s32 $_scs_section_size  }
0xa0: {  	s5 =	simm.s32 $_size__tile_overlayer_lowered;
	s6 =	simm.s32 $_tile_overlayer_lowered  }
0xa1: {  	s22 =	simm.s32 $0x1BFF;
	s21 =	sshll.u32 s6, $0x1;
	s3 =	sadd.s32 s19, s18  }
0xa2: {  	s7 =	simm.s32 $0x0;
	s20 =	sshll.u32 s5, $0x1;
	s5 =	sadd.s32 s21, s3  }
0xa3: {  	[timem:s7], [sflag:s22] =	dma.local [hbm:s5], s20  }
0xa4: {  	_ =	swait.ge [sflag:s22], s20  }
0xa5: {  	s4 =	ssub.s32 $0x0, s20;
	[sflag:s22] =	ssyncset.done $0x0  }
0xa6: {  	[sflag:s22] =	ssyncadd.s32 s4;
	_ =	sdelay $0x1  }
0xa7: {  	s23 =	simm.s32 $0x1B8B  }
0xa8: {  	_ =	swait.ge [sflag:s23], $0x1  }
0xa9: {  	[sflag:s23] =	ssyncset.done $0x0  }
0xaa: {  	s25 =	simm.s32 $0x1B8E;
	s24 =	sld [smem:$0x3FFE];
	[sflag:s23] =	ssyncadd.s32 $0xFFFFFFFF  }
0xab: {  	s26 =	simm.s32 $execute0_lowered;
	[smem:$0x3FD2] =	sst s25  }
0xac: {  	s5 =	sshll.u32 s26, $0x1;
	_ =	strace $0x80000049;
	[dreg:$0x1] =	wrdreg $0xFFFFFFFF  }
0xad: {  	s28 =	simm.s32 $_size_execute0_lowered;
	s3 =	sadd.s32 s3, s5;
	[dreg:$0x0] =	wrdreg $0x0  }
0xae: {  	s5 =	sshll.u32 s28, $0x1;
	[dreg:$0x2] =	wrdreg s3  }
0xaf: {  	[dreg:$0x3] =	wrdreg s5  }
0xb0: {  	[dreg:$0x4] =	wrdreg $0xC0  }
0xb1: {  	_ =	task [dreg:s7], $0x5FFFF  }
0xb2: {  	[dreg:$0x1] =	wrdreg $0xFFFFFFFF  }
0xb3: {  	[dreg:$0x0] =	wrdreg $0x60  }
0xb4: {  	[dreg:$0x2] =	wrdreg s24  }
0xb5: {  	[dreg:$0x3] =	wrdreg s16  }
0xb6: {  	[dreg:$0x4] =	wrdreg $0x0  }
0xb7: {  	[dreg:$0x5] =	wrdreg $0x9  }
0xb8: {  	_ =	task.clear_ibuf [dreg:s7], $0x6FFFF;
	_ =	strace $0x90000049  }
0xb9: {  	s29 =	simm.s32 $0x9;
	_ =	strace $0x8000004B  }
0xba: {  	_ =	swait.ge [sflag:s29], $0x1  }
0xbb: {  	[sflag:s29] =	ssyncadd.s32 $0xFFFFFFFF  }
0xbc: {  	_ =	strace $0x9000004B  }
0xbd: {  	_ =	sfence  }
0xbe: {  	s30 =	sld [smem:$0x0];
	_ =	sdelay $0x2  }
0xbf: {  	s31 =	sshll.u32 s1, $0xD;
	s1 =	sshrl.u32 s1, $0x2  }
0xc0: {  	s3 =	sand.u32 $0x4000, s31;
	s1 =	sadd.s32 s1, s30  }
0xc1: {  	s0 =	sor.u32 s3, s0;
	s1 =	sshll.u32 s1, $0x11  }
0xc2: {  	s0 =	sor.u32 s1, s0  }
0xc3: {  	s0 =	sadd.s32 $0x8F2B, s0  }
0xc4: {  	[sflag:s0] =	ssyncadd.remote.s32 $0x1  }
0xc5: {  	_ =	sfence.sel $0xFFFF  }
0xc6: {  	[dreg:$0x0] =	wrdreg $0xFFFFFFFF;
	(pc) =	sbr.abs _section_cstart, $3  }
0xc7: {  	[dreg:$0x1] =	wrdreg $0xFFFFFFFF  }
0xc8: {  	_ =	task.clear_ibuf [dreg:s7], $0x2FFFF;
	_ =	strace $0x9FFFFFFF  }
0xc9: {  	(tm) =	ssettm $0x7FFFFFFF  }
tec
execute0_lowered:
.L_overlay_start_1:
0x0: {  	(tag) =	ssettag $0x1  }
0x1: {  	s0 =	rddreg [dreg:$0x0]  }
0x2: {  	s16 =	rddreg [dreg:$0x1];
	s8 =	stileid.u32  }
0x3: {  	s3 =	rddreg [dreg:$0x2];
	s6 =	smul.u32 $0x13800, s8  }
0x4: {  	s1 =	srdreg.scid;
	s19 =	smul.u32 $0x4E000, s8  }
0x5: {  	s4 =	simm.s32 $0x0;
	s1 =	sand.u32 $0x1, s1;
	s22 =	smul.u32 $0x2710, s8  }
0x6: {  	[smem:$0x7FF] =	sst s4;
	s2 =	smul.u32 $0x138800, s1;
	s5 =	sshll.u32 s1, $0x4  }
0x7: {  	s15 =	ssub.s32 $0x2, s1;
	s1 =	smul.u32 $0x27100, s1;
	s5 =	sor.u32 s8, s5  }
0x8: {  	s17 =	sshrl.u32 s15, $0x1;
	s7 =	smul.u32 $0x2710, s5;
	s2 =	sadd.s32 s6, s2  }
0x9: {  	s5 =	sadd.s32 $0x2800, s0;
	s6 =	sshrl.u32 s19, $0x2;
	s2 =	sshrl.u32 s2, $0x3  }
0xa: {  	s0 =	sadd.s32 s2, s0;
	s2 =	ssub.s32 s15, s17;
	s15 =	sadd.s32 s6, s3  }
0xb: {  	_ =	strace $0x8000004A;
	s26 =	sadd.s32 $0x1000, s15;
	[dreg:$0x12] =	wrdreg s15  }
0xc: {  	s1 =	sadd.s32 s22, s1;
	s3 =	sadd.s32 $0x2000, s15;
	[dreg:$0x14] =	wrdreg s26  }
0xd: {  	s8 =	sadd.s32 $0x1E0, s1;
	s10 =	sadd.s32 $0x4000, s15;
	[dreg:$0x15] =	wrdreg s3  }
0xe: {  	s6 =	sshrl.u32 s8, $0x3;
	s12 =	sadd.s32 $0x5000, s15;
	[dreg:$0x17] =	wrdreg s10  }
0xf: {  	s6 =	sadd.s32 s6, s16;
	[dreg:$0x18] =	wrdreg s12  }
0x10: {  	s14 =	sadd.s32 $0x230, s1;
	s8 =	sadd.s32 $0x8000, s15;
	[dreg:$0x4] =	wrdreg s6  }
0x11: {  	s7 =	sshrl.u32 s7, $0x3;
	s0 =	sadd.s32 $0x29A00, s0;
	[dreg:$0x1b] =	wrdreg s8  }
0x12: {  	s17 =	sshrl.u32 s14, $0x3;
	s14 =	sadd.s32 $0xB000, s15;
	[dreg:$0x1c] =	wrdreg s0  }
0x13: {  	s9 =	sadd.s32 s16, s7;
	[smem:$0x7F3] =	sst s14  }
0x14: {  	s18 =	sadd.s32 $0x9C40, s9;
	[dreg:$0xb] =	wrdreg s9  }
0x15: {  	s28 =	simm.s32 $0x1E980;
	s7 =	sadd.s32 $0xA, s9;
	[dreg:$0xc] =	wrdreg s18  }
0x16: {  	s30 =	simm.s32 $0x1EB80;
	s20 =	sadd.s32 $0x9C4A, s9;
	[dreg:$0xd] =	wrdreg s7  }
0x17: {  	s29 =	simm.s32 $0x3;
	s21 =	sadd.s32 $0x14, s9;
	[dreg:$0xe] =	wrdreg s20  }
0x18: {  	s31 =	simm.s32 $0x4;
	s23 =	sadd.s32 $0x9C54, s9;
	[dreg:$0xf] =	wrdreg s21  }
0x19: {  	s11 =	sadd.s32 $0x4E3E0, s1;
	s24 =	sadd.s32 $0x1E, s9;
	[dreg:$0x10] =	wrdreg s23  }
0x1a: {  	s19 =	sadd.s32 $0x190, s1;
	s25 =	sadd.s32 $0x9C5E, s9;
	[dreg:$0x11] =	wrdreg s24  }
0x1b: {  	s6 =	sadd.s32 s17, s16;
	s26 =	sadd.s32 $0x6000, s15;
	[dreg:$0x13] =	wrdreg s25  }
0x1c: {  	s3 =	sadd.s32 $0x7000, s15;
	s10 =	smax.u32 s2, $0x1;
	[dreg:$0x6] =	wrdreg s6  }
0x1d: {  	s12 =	sadd.s32 $0x9000, s15;
	s17 =	sadd.s32 $0xC000, s15;
	[dreg:$0x19] =	wrdreg s26  }
0x1e: {  	s0 =	simm.s32 $0x1EA00;
	s8 =	simm.s32 $0x1EC00;
	[dreg:$0x1a] =	wrdreg s3  }
0x1f: {  	s2 =	simm.s32 $0x0;
	s7 =	sadd.s32 $0x3000, s15;
	[dreg:$0x1d] =	wrdreg s10  }
0x20: {  	s18 =	sadd.s32 $0x4E430, s1;
	s21 =	sshrl.u32 s19, $0x3;
	[dreg:$0x1f] =	wrdreg s12  }
0x21: {  	s23 =	sadd.s32 $0x4E390, s1;
	s25 =	sadd.s32 $0x4E340, s1;
	[smem:$0x7F4] =	sst s17  }
0x22: {  	s19 =	sadd.s32 $0xE000, s15;
	s26 =	sadd.s32 $0xA118, s9;
	s17 =	simm.s32 $0x1E880  }
0x23: {  	s10 =	simm.s32 $0x1EA80;
	s3 =	simm.s32 $0x9;
	[dreg:$0x16] =	wrdreg s7  }
0x24: {  	s12 =	simm.s32 $0x6;
	s7 =	sshrl.u32 s11, $0x3;
	[smem:$0x7F6] =	sst s19  }
0x25: {  	s22 =	sadd.s32 s21, s16;
	s24 =	sshrl.u32 s23, $0x3;
	[smem:$0x7FD] =	sst s26  }
0x26: {  	s11 =	sadd.s32 $0x140, s1;
	s21 =	sadd.s32 $0x10000, s15;
	[dreg:$0x8] =	wrdreg s22  }
0x27: {  	s23 =	sadd.s32 $0x12000, s15;
	s19 =	simm.s32 $0x50;
	[dreg:$0x1e] =	wrdreg s11  }
0x28: {  	s26 =	simm.s32 $0x17080;
	s13 =	sadd.s32 s7, s16;
	[smem:$0x7F8] =	sst s21  }
0x29: {  	s7 =	sshrl.u32 s18, $0x3;
	s6 =	sadd.s32 s24, s16;
	[smem:$0x7FA] =	sst s23  }
0x2a: {  	s18 =	sadd.s32 $0xD000, s15;
	s22 =	sadd.s32 $0x11000, s15;
	[dreg:$0x5] =	wrdreg s13  }
0x2b: {  	s24 =	sadd.s32 $0x13000, s15;
	s23 =	simm.s32 $0x1EB00;
	[dreg:$0x9] =	wrdreg s6  }
0x2c: {  	s21 =	simm.s32 $0x2;
	s11 =	simm.s32 $0x5;
	[smem:$0x7F5] =	sst s18  }
0x2d: {  	s20 =	sadd.s32 s7, s16;
	s7 =	sshrl.u32 s25, $0x3;
	[smem:$0x7F9] =	sst s22  }
0x2e: {  	s13 =	sadd.s32 $0xA000, s15;
	[smem:$0x7FB] =	sst s24;
	s25 =	sadd.s32 $0x4D8, s9  }
0x2f: {  	s22 =	simm.s32 $0x1E900;
	s18 =	simm.s32 $0x1;
	[dreg:$0x7] =	wrdreg s20  }
0x30: {  	s24 =	simm.s32 $0x14880;
	s9 =	simm.s32 $0x19880;
	[smem:$0x7F2] =	sst s13  }
0x31: {  	s6 =	simm.s32 $0xA;
	s7 =	sadd.s32 s7, s16;
	[smem:$0x7FC] =	sst s25  }
0x32: {  	s20 =	sadd.s32 $0xF000, s15;
	s25 =	simm.s32 $0xB;
	[dreg:$0xa] =	wrdreg s7  }
0x33: {  	v0 =	vimm.f32 $0.0e+00;
	[smem:$0x7F7] =	sst s20;
	s20 =	simm.s32 $0x1C080;
	s7 =	simm.s32 $0x7  }
.LBB2_1:
0x34: {  	[smem:$0x7F1] =	sst s2  }
0x35: {  	s1 =	rddreg [dreg:$0xb]  }
0x36: {  	[tilespmem:s17], [sflag:$0x1] =	stream.linear.gather [hbm4b:s1+s4], $0x50, $0x38;
	[tilespmem:$0x1EC80] =	vst v63  }
0x37: {  	s2 =	rddreg [dreg:$0xc]  }
0x38: {  	[tilespmem:s10], [sflag:$0x1] =	stream.linear.gather [hbm4b:s2+s4], $0x50, $0x38;
	[tilespmem:$0x1EC80] =	vst v63  }
0x39: {  	s13 =	rddreg [dreg:$0xd]  }
0x3a: {  	[tilespmem:s22], [sflag:$0x2] =	stream.linear.gather [hbm4b:s13+s4], $0x50, $0x38;
	[tilespmem:$0x1EC80] =	vst v63  }
0x3b: {  	s14 =	rddreg [dreg:$0xe]  }
0x3c: {  	[tilespmem:s23], [sflag:$0x2] =	stream.linear.gather [hbm4b:s14+s4], $0x50, $0x38;
	[tilespmem:$0x1EC80] =	vst v63  }
0x3d: {  	_ =	swait.ge [sflag:s18], $0x50  }
0x3e: {  	[sflag:s18] =	ssyncset.done $0x0  }
0x3f: {  	[sflag:s18] =	ssyncadd.s32 $0xFFFFFFB0  }
0x40: {  	_ =	swait.ge [sflag:s18], $0x50  }
0x41: {  	[sflag:s18] =	ssyncset.done $0x0  }
0x42: {  	[sflag:s18] =	ssyncadd.s32 $0xFFFFFFB0  }
0x43: {  	[tilespmem:s24], [sflag:$0x5] =	stream.indirect.gather [hbm4b:s5+s19], $0x80, s17, s19, $0xb8;
	[tilespmem:$0x1EC80] =	vst v63  }
0x44: {  	_ =	swait.ge [sflag:s21], $0x50  }
0x45: {  	[sflag:s21] =	ssyncset.done $0x0  }
0x46: {  	[sflag:s21] =	ssyncadd.s32 $0xFFFFFFB0  }
0x47: {  	_ =	swait.ge [sflag:s21], $0x50  }
0x48: {  	[sflag:s21] =	ssyncset.done $0x0  }
0x49: {  	[sflag:s21] =	ssyncadd.s32 $0xFFFFFFB0  }
0x4a: {  	[tilespmem:s26], [sflag:$0x6] =	stream.indirect.gather [hbm4b:s5+s19], $0x80, s22, s19, $0xb8;
	[tilespmem:$0x1EC80] =	vst v63  }
0x4b: {  	s2 =	rddreg [dreg:$0xf]  }
0x4c: {  	[tilespmem:s28], [sflag:$0x3] =	stream.linear.gather [hbm4b:s2+s4], $0x50, $0x38;
	[tilespmem:$0x1EC80] =	vst v63  }
0x4d: {  	s13 =	rddreg [dreg:$0x10]  }
0x4e: {  	[tilespmem:s30], [sflag:$0x3] =	stream.linear.gather [hbm4b:s13+s4], $0x50, $0x38;
	[tilespmem:$0x1EC80] =	vst v63  }
0x4f: {  	s14 =	rddreg [dreg:$0x11]  }
0x50: {  	[tilespmem:s0], [sflag:$0x4] =	stream.linear.gather [hbm4b:s14+s4], $0x50, $0x38;
	[tilespmem:$0x1EC80] =	vst v63  }
0x51: {  	s2 =	rddreg [dreg:$0x13]  }
0x52: {  	[tilespmem:s8], [sflag:$0x4] =	stream.linear.gather [hbm4b:s2+s4], $0x50, $0x38;
	[tilespmem:$0x1EC80] =	vst v63  }
0x53: {  	_ =	swait.ge [sflag:s29], $0x50  }
0x54: {  	[sflag:s29] =	ssyncset.done $0x0  }
0x55: {  	[sflag:s29] =	ssyncadd.s32 $0xFFFFFFB0  }
0x56: {  	_ =	swait.ge [sflag:s29], $0x50  }
0x57: {  	[sflag:s29] =	ssyncset.done $0x0  }
0x58: {  	[sflag:s29] =	ssyncadd.s32 $0xFFFFFFB0  }
0x59: {  	[tilespmem:s9], [sflag:$0x7] =	stream.indirect.gather [hbm4b:s5+s19], $0x80, s28, s19, $0xb8;
	[tilespmem:$0x1EC80] =	vst v63  }
0x5a: {  	_ =	swait.ge [sflag:s31], $0x50  }
0x5b: {  	[sflag:s31] =	ssyncset.done $0x0  }
0x5c: {  	[sflag:s31] =	ssyncadd.s32 $0xFFFFFFB0  }
0x5d: {  	s1 =	simm.s32 $0x40;
	s13 =	sand.u32 $0x3E00, s4;
	_ =	swait.ge [sflag:s31], $0x50  }
0x5e: {  	s13 =	sshrl.u32 s13, $0x2;
	s14 =	sand.u32 $0x70, s4;
	[sflag:s31] =	ssyncset.done $0x0  }
0x5f: {  	s13 =	sor.u32 s14, s13;
	s2 =	simm.s32 $0x0;
	[sflag:s31] =	ssyncadd.s32 $0xFFFFFFB0  }
0x60: {  	[tilespmem:s20], [sflag:$0x8] =	stream.indirect.gather [hbm4b:s5+s19], $0x80, s0, s19, $0xb8;
	[tilespmem:$0x1EC80] =	vst v63  }
.LBB2_2:
0x61: {  	p0 =	sne.s32 s1, $0x3FC0  }
0x62: {  	[tilespmem:s13+$0x13880] =	vst v0;
	s2 =	sadd.s32 $0x10, s2;
	s13 =	smov.u32 s1;
	s1 =	sadd.s32 $0x40, s1  }
.Ltmp0:
0x63: {  	(pc) =	sbr.rel @p0 .LBB2_2-.Ltmp0, $4  }
0x64: {  	_ = 	snop  }
0x65: {  	s13 =	sand.u32 $0x3E00, s13  }
0x66: {  	s14 =	sand.u32 $0x70, s2;
	s13 =	sshrl.u32 s13, $0x2  }
0x67: {  	s13 =	sor.u32 s14, s13  }
0x68: {  	[tilespmem:s13+$0x13880] =	vst v0;
	s2 =	simm.s32 $0x13880;
	s1 =	rddreg [dreg:$0x14]  }
0x69: {  	[spmem:s15] =	stream.linear.scatter [tilespmem:s2], [sflag:$0x9], $0x1000, $0x38;
	[tilespmem:$0x1EC80] =	vst v63  }
0x6a: {  	s13 =	rddreg [dreg:$0x15]  }
0x6b: {  	[spmem:s1] =	stream.linear.scatter [tilespmem:s2], [sflag:$0x9], $0x1000, $0x38;
	[tilespmem:$0x1EC80] =	vst v63  }
0x6c: {  	s14 =	rddreg [dreg:$0x16]  }
0x6d: {  	[spmem:s13] =	stream.linear.scatter [tilespmem:s2], [sflag:$0x9], $0x1000, $0x38;
	[tilespmem:$0x1EC80] =	vst v63  }
0x6e: {  	s15 =	rddreg [dreg:$0x17]  }
0x6f: {  	[spmem:s14] =	stream.linear.scatter [tilespmem:s2], [sflag:$0x9], $0x1000, $0x38;
	[tilespmem:$0x1EC80] =	vst v63  }
0x70: {  	s13 =	rddreg [dreg:$0x18]  }
0x71: {  	[spmem:s15] =	stream.linear.scatter [tilespmem:s2], [sflag:$0x9], $0x1000, $0x38;
	[tilespmem:$0x1EC80] =	vst v63  }
0x72: {  	s14 =	rddreg [dreg:$0x19]  }
0x73: {  	[spmem:s13] =	stream.linear.scatter [tilespmem:s2], [sflag:$0x9], $0x1000, $0x38;
	[tilespmem:$0x1EC80] =	vst v63  }
0x74: {  	s15 =	rddreg [dreg:$0x1a]  }
0x75: {  	[spmem:s14] =	stream.linear.scatter [tilespmem:s2], [sflag:$0x9], $0x1000, $0x38;
	[tilespmem:$0x1EC80] =	vst v63  }
0x76: {  	s13 =	rddreg [dreg:$0x1b]  }
0x77: {  	[spmem:s15] =	stream.linear.scatter [tilespmem:s2], [sflag:$0x9], $0x1000, $0x38;
	[tilespmem:$0x1EC80] =	vst v63  }
0x78: {  	s14 =	rddreg [dreg:$0x1f]  }
0x79: {  	[spmem:s13] =	stream.linear.scatter [tilespmem:s2], [sflag:$0x9], $0x1000, $0x38;
	[tilespmem:$0x1EC80] =	vst v63  }
0x7a: {  	s15 =	sld [smem:$0x7F2]  }
0x7b: {  	[spmem:s14] =	stream.linear.scatter [tilespmem:s2], [sflag:$0x9], $0x1000, $0x38;
	[tilespmem:$0x1EC80] =	vst v63  }
0x7c: {  	s13 =	sld [smem:$0x7F3]  }
0x7d: {  	[spmem:s15] =	stream.linear.scatter [tilespmem:s2], [sflag:$0x9], $0x1000, $0x38;
	[tilespmem:$0x1EC80] =	vst v63  }
0x7e: {  	s14 =	sld [smem:$0x7F4]  }
0x7f: {  	[spmem:s13] =	stream.linear.scatter [tilespmem:s2], [sflag:$0x9], $0x1000, $0x38;
	[tilespmem:$0x1EC80] =	vst v63  }
0x80: {  	s15 =	sld [smem:$0x7F5]  }
0x81: {  	[spmem:s14] =	stream.linear.scatter [tilespmem:s2], [sflag:$0x9], $0x1000, $0x38;
	[tilespmem:$0x1EC80] =	vst v63  }
0x82: {  	s13 =	sld [smem:$0x7F6]  }
0x83: {  	[spmem:s15] =	stream.linear.scatter [tilespmem:s2], [sflag:$0x9], $0x1000, $0x38;
	[tilespmem:$0x1EC80] =	vst v63  }
0x84: {  	s14 =	sld [smem:$0x7F7]  }
0x85: {  	[spmem:s13] =	stream.linear.scatter [tilespmem:s2], [sflag:$0x9], $0x1000, $0x38;
	[tilespmem:$0x1EC80] =	vst v63  }
0x86: {  	s15 =	sld [smem:$0x7F8]  }
0x87: {  	[spmem:s14] =	stream.linear.scatter [tilespmem:s2], [sflag:$0x9], $0x1000, $0x38;
	[tilespmem:$0x1EC80] =	vst v63  }
0x88: {  	s13 =	sld [smem:$0x7F9]  }
0x89: {  	[spmem:s15] =	stream.linear.scatter [tilespmem:s2], [sflag:$0x9], $0x1000, $0x38;
	[tilespmem:$0x1EC80] =	vst v63  }
0x8a: {  	s14 =	sld [smem:$0x7FA]  }
0x8b: {  	[spmem:s13] =	stream.linear.scatter [tilespmem:s2], [sflag:$0x9], $0x1000, $0x38;
	[tilespmem:$0x1EC80] =	vst v63  }
0x8c: {  	s15 =	sld [smem:$0x7FB]  }
0x8d: {  	[spmem:s14] =	stream.linear.scatter [tilespmem:s2], [sflag:$0x9], $0x1000, $0x38;
	[tilespmem:$0x1EC80] =	vst v63  }
0x8e: {  	_ = 	snop  }
0x8f: {  	[spmem:s15] =	stream.linear.scatter [tilespmem:s2], [sflag:$0x9], $0x1000, $0x38;
	[tilespmem:$0x1EC80] =	vst v63  }
0x90: {  	_ =	swait.ge [sflag:s3], $0x1000  }
0x91: {  	[sflag:s3] =	ssyncset.done $0x0  }
0x92: {  	[sflag:s3] =	ssyncadd.s32 $0xFFFFF000  }
0x93: {  	_ =	swait.ge [sflag:s3], $0x1000  }
0x94: {  	[sflag:s3] =	ssyncset.done $0x0  }
0x95: {  	[sflag:s3] =	ssyncadd.s32 $0xFFFFF000  }
0x96: {  	_ =	swait.ge [sflag:s3], $0x1000  }
0x97: {  	[sflag:s3] =	ssyncset.done $0x0  }
0x98: {  	[sflag:s3] =	ssyncadd.s32 $0xFFFFF000  }
0x99: {  	_ =	swait.ge [sflag:s3], $0x1000  }
0x9a: {  	[sflag:s3] =	ssyncset.done $0x0  }
0x9b: {  	[sflag:s3] =	ssyncadd.s32 $0xFFFFF000  }
0x9c: {  	_ =	swait.ge [sflag:s3], $0x1000  }
0x9d: {  	[sflag:s3] =	ssyncset.done $0x0  }
0x9e: {  	[sflag:s3] =	ssyncadd.s32 $0xFFFFF000  }
0x9f: {  	_ =	swait.ge [sflag:s3], $0x1000  }
0xa0: {  	[sflag:s3] =	ssyncset.done $0x0  }
0xa1: {  	[sflag:s3] =	ssyncadd.s32 $0xFFFFF000  }
0xa2: {  	_ =	swait.ge [sflag:s3], $0x1000  }
0xa3: {  	[sflag:s3] =	ssyncset.done $0x0  }
0xa4: {  	[sflag:s3] =	ssyncadd.s32 $0xFFFFF000  }
0xa5: {  	_ =	swait.ge [sflag:s3], $0x1000  }
0xa6: {  	[sflag:s3] =	ssyncset.done $0x0  }
0xa7: {  	[sflag:s3] =	ssyncadd.s32 $0xFFFFF000  }
0xa8: {  	_ =	swait.ge [sflag:s3], $0x1000  }
0xa9: {  	[sflag:s3] =	ssyncset.done $0x0  }
0xaa: {  	[sflag:s3] =	ssyncadd.s32 $0xFFFFF000  }
0xab: {  	_ =	swait.ge [sflag:s3], $0x1000  }
0xac: {  	[sflag:s3] =	ssyncset.done $0x0  }
0xad: {  	[sflag:s3] =	ssyncadd.s32 $0xFFFFF000  }
0xae: {  	_ =	swait.ge [sflag:s3], $0x1000  }
0xaf: {  	[sflag:s3] =	ssyncset.done $0x0  }
0xb0: {  	[sflag:s3] =	ssyncadd.s32 $0xFFFFF000  }
0xb1: {  	_ =	swait.ge [sflag:s3], $0x1000  }
0xb2: {  	[sflag:s3] =	ssyncset.done $0x0  }
0xb3: {  	[sflag:s3] =	ssyncadd.s32 $0xFFFFF000  }
0xb4: {  	_ =	swait.ge [sflag:s3], $0x1000  }
0xb5: {  	[sflag:s3] =	ssyncset.done $0x0  }
0xb6: {  	[sflag:s3] =	ssyncadd.s32 $0xFFFFF000  }
0xb7: {  	_ =	swait.ge [sflag:s3], $0x1000  }
0xb8: {  	[sflag:s3] =	ssyncset.done $0x0  }
0xb9: {  	[sflag:s3] =	ssyncadd.s32 $0xFFFFF000  }
0xba: {  	_ =	swait.ge [sflag:s3], $0x1000  }
0xbb: {  	[sflag:s3] =	ssyncset.done $0x0  }
0xbc: {  	[sflag:s3] =	ssyncadd.s32 $0xFFFFF000  }
0xbd: {  	_ =	swait.ge [sflag:s3], $0x1000  }
0xbe: {  	[sflag:s3] =	ssyncset.done $0x0  }
0xbf: {  	[sflag:s3] =	ssyncadd.s32 $0xFFFFF000  }
0xc0: {  	_ =	swait.ge [sflag:s3], $0x1000  }
0xc1: {  	[sflag:s3] =	ssyncset.done $0x0  }
0xc2: {  	[sflag:s3] =	ssyncadd.s32 $0xFFFFF000  }
0xc3: {  	_ =	swait.ge [sflag:s3], $0x1000  }
0xc4: {  	[sflag:s3] =	ssyncset.done $0x0  }
0xc5: {  	[sflag:s3] =	ssyncadd.s32 $0xFFFFF000  }
0xc6: {  	_ =	swait.ge [sflag:s3], $0x1000  }
0xc7: {  	[sflag:s3] =	ssyncset.done $0x0  }
0xc8: {  	[sflag:s3] =	ssyncadd.s32 $0xFFFFF000  }
0xc9: {  	_ =	swait.ge [sflag:s3], $0x1000  }
0xca: {  	[sflag:s3] =	ssyncset.done $0x0  }
0xcb: {  	[sflag:s3] =	ssyncadd.s32 $0xFFFFF000  }
0xcc: {  	[bflag:$0x0] =	sbarrier.arrive $0xFFFF  }
0xcd: {  	_ =	swait.ge [sflag:s11], $0x2800  }
0xce: {  	[sflag:s11] =	ssyncset.done $0x0  }
0xcf: {  	[sflag:s11] =	ssyncadd.s32 $0xFFFFD800  }
0xd0: {  	s15 =	rddreg [dreg:$0x2]  }
0xd1: {  	[spmem:s15] =	stream.indirect.scatter.add.f32 [tilespmem:s24], [sflag:$0x9], $0x80, s10, s19, $0xb8;
	[tilespmem:$0x1EC80] =	vst v63  }
0xd2: {  	_ =	swait.ge [sflag:s12], $0x2800  }
0xd3: {  	[sflag:s12] =	ssyncset.done $0x0  }
0xd4: {  	[sflag:s12] =	ssyncadd.s32 $0xFFFFD800  }
0xd5: {  	[spmem:s15] =	stream.indirect.scatter.add.f32 [tilespmem:s26], [sflag:$0xA], $0x80, s23, s19, $0xb8;
	[tilespmem:$0x1EC80] =	vst v63  }
0xd6: {  	_ =	swait.ge [sflag:s3], $0x2800  }
0xd7: {  	[sflag:s3] =	ssyncset.done $0x0  }
0xd8: {  	[sflag:s3] =	ssyncadd.s32 $0xFFFFD800  }
0xd9: {  	_ =	swait.ge [sflag:s6], $0x2800  }
0xda: {  	s14 =	rddreg [dreg:$0x1e]  }
0xdb: {  	[sflag:s6] =	ssyncset.done $0x0;
	s2 =	sshrl.u32 s14, $0x3  }
0xdc: {  	s3 =	rddreg [dreg:$0xa];
	[sflag:s6] =	ssyncadd.s32 $0xFFFFD800;
	s1 =	sadd.s32 s16, s2  }
0xdd: {  	[tilespmem:s17], [sflag:$0x1] =	stream.linear.gather [hbm4b:s1+s4], $0x50, $0x38;
	[tilespmem:$0x1EC80] =	vst v63  }
0xde: {  	s13 =	rddreg [dreg:$0x8];
	s2 =	sadd.s32 $0x0, s3  }
0xdf: {  	[tilespmem:s10], [sflag:$0x1] =	stream.linear.gather [hbm4b:s2+s4], $0x50, $0x38;
	[tilespmem:$0x1EC80] =	vst v63  }
0xe0: {  	s3 =	rddreg [dreg:$0x9];
	s1 =	sadd.s32 $0x0, s13  }
0xe1: {  	[tilespmem:s22], [sflag:$0x2] =	stream.linear.gather [hbm4b:s1+s4], $0x50, $0x38;
	[tilespmem:$0x1EC80] =	vst v63  }
0xe2: {  	s6 =	sadd.s32 $0x0, s3  }
0xe3: {  	[tilespmem:s23], [sflag:$0x2] =	stream.linear.gather [hbm4b:s6+s4], $0x50, $0x38;
	[tilespmem:$0x1EC80] =	vst v63  }
0xe4: {  	_ =	swait.ge [sflag:s18], $0x50  }
0xe5: {  	[sflag:s18] =	ssyncset.done $0x0  }
0xe6: {  	[sflag:s18] =	ssyncadd.s32 $0xFFFFFFB0  }
0xe7: {  	_ =	swait.ge [sflag:s18], $0x50  }
0xe8: {  	[sflag:s18] =	ssyncset.done $0x0  }
0xe9: {  	[sflag:s18] =	ssyncadd.s32 $0xFFFFFFB0  }
0xea: {  	[tilespmem:s24], [sflag:$0x5] =	stream.indirect.gather [hbm4b:s5+s19], $0x80, s17, s19, $0xb8;
	[tilespmem:$0x1EC80] =	vst v63  }
0xeb: {  	_ =	swait.ge [sflag:s21], $0x50  }
0xec: {  	[sflag:s21] =	ssyncset.done $0x0  }
0xed: {  	[sflag:s21] =	ssyncadd.s32 $0xFFFFFFB0  }
0xee: {  	_ =	swait.ge [sflag:s21], $0x50  }
0xef: {  	[sflag:s21] =	ssyncset.done $0x0  }
0xf0: {  	[sflag:s21] =	ssyncadd.s32 $0xFFFFFFB0  }
0xf1: {  	[tilespmem:s26], [sflag:$0x6] =	stream.indirect.gather [hbm4b:s5+s19], $0x80, s22, s19, $0xb8;
	[tilespmem:$0x1EC80] =	vst v63  }
0xf2: {  	_ =	swait.ge [sflag:s7], $0x2800  }
0xf3: {  	[sflag:s7] =	ssyncset.done $0x0  }
0xf4: {  	s22 =	simm.s32 $0x8;
	[sflag:s7] =	ssyncadd.s32 $0xFFFFD800  }
0xf5: {  	[spmem:s15] =	stream.indirect.scatter.add.f32 [tilespmem:s9], [sflag:$0xB], $0x80, s30, s19, $0xb8;
	[tilespmem:$0x1EC80] =	vst v63  }
0xf6: {  	_ =	swait.ge [sflag:s22], $0x2800  }
0xf7: {  	[sflag:s22] =	ssyncset.done $0x0  }
0xf8: {  	[sflag:s22] =	ssyncadd.s32 $0xFFFFD800  }
0xf9: {  	[spmem:s15] =	stream.indirect.scatter.add.f32 [tilespmem:s20], [sflag:$0xC], $0x80, s8, s19, $0xb8;
	[tilespmem:$0x1EC80] =	vst v63  }
0xfa: {  	_ =	swait.ge [sflag:s25], $0x2800  }
0xfb: {  	[sflag:s25] =	ssyncset.done $0x0  }
0xfc: {  	s20 =	simm.s32 $0xC;
	[sflag:s25] =	ssyncadd.s32 $0xFFFFD800  }
0xfd: {  	_ =	swait.ge [sflag:s20], $0x2800  }
0xfe: {  	s17 =	rddreg [dreg:$0x4];
	[sflag:s20] =	ssyncset.done $0x0  }
0xff: {  	s23 =	rddreg [dreg:$0x5];
	[sflag:s20] =	ssyncadd.s32 $0xFFFFD800;
	s1 =	sadd.s32 $0x0, s17  }
0x100: {  	[tilespmem:s28], [sflag:$0x3] =	stream.linear.gather [hbm4b:s1+s4], $0x50, $0x38;
	[tilespmem:$0x1EC80] =	vst v63  }
0x101: {  	s25 =	rddreg [dreg:$0x6];
	s2 =	sadd.s32 $0x0, s23  }
0x102: {  	[tilespmem:s30], [sflag:$0x3] =	stream.linear.gather [hbm4b:s2+s4], $0x50, $0x38;
	[tilespmem:$0x1EC80] =	vst v63  }
0x103: {  	s26 =	rddreg [dreg:$0x7];
	s1 =	sadd.s32 $0x0, s25  }
0x104: {  	[tilespmem:s0], [sflag:$0x4] =	stream.linear.gather [hbm4b:s1+s4], $0x50, $0x38;
	[tilespmem:$0x1EC80] =	vst v63  }
0x105: {  	s30 =	sadd.s32 $0x0, s26  }
0x106: {  	[tilespmem:s8], [sflag:$0x4] =	stream.linear.gather [hbm4b:s30+s4], $0x50, $0x38;
	[tilespmem:$0x1EC80] =	vst v63  }
0x107: {  	_ =	swait.ge [sflag:s29], $0x50  }
0x108: {  	[sflag:s29] =	ssyncset.done $0x0  }
0x109: {  	[sflag:s29] =	ssyncadd.s32 $0xFFFFFFB0  }
0x10a: {  	_ =	swait.ge [sflag:s29], $0x50  }
0x10b: {  	[sflag:s29] =	ssyncset.done $0x0  }
0x10c: {  	[sflag:s29] =	ssyncadd.s32 $0xFFFFFFB0  }
0x10d: {  	[tilespmem:s9], [sflag:$0x7] =	stream.indirect.gather [hbm4b:s5+s19], $0x80, s28, s19, $0xb8;
	[tilespmem:$0x1EC80] =	vst v63  }
0x10e: {  	_ =	swait.ge [sflag:s31], $0x50  }
0x10f: {  	[sflag:s31] =	ssyncset.done $0x0  }
0x110: {  	[sflag:s31] =	ssyncadd.s32 $0xFFFFFFB0  }
0x111: {  	_ =	swait.ge [sflag:s31], $0x50  }
0x112: {  	[sflag:s31] =	ssyncset.done $0x0  }
0x113: {  	s13 =	simm.s32 $0x1C080;
	[sflag:s31] =	ssyncadd.s32 $0xFFFFFFB0  }
0x114: {  	[tilespmem:s13], [sflag:$0x8] =	stream.indirect.gather [hbm4b:s5+s19], $0x80, s0, s19, $0xb8;
	[tilespmem:$0x1EC80] =	vst v63  }
0x115: {  	_ =	swait.ge [sflag:s11], $0x2800  }
0x116: {  	[sflag:s11] =	ssyncset.done $0x0  }
0x117: {  	[sflag:s11] =	ssyncadd.s32 $0xFFFFD800  }
0x118: {  	[spmem:s15] =	stream.indirect.scatter.add.f32 [tilespmem:s24], [sflag:$0x9], $0x80, s10, s19, $0xb8;
	[tilespmem:$0x1EC80] =	vst v63  }
0x119: {  	s6 =	simm.s32 $0x6;
	s25 =	simm.s32 $0xA;
	_ =	swait.ge [sflag:s12], $0x2800  }
0x11a: {  	s2 =	sadd.s32 $0x140, s14;
	s26 =	simm.s32 $0xB;
	[sflag:s12] =	ssyncset.done $0x0  }
0x11b: {  	s13 =	simm.s32 $0x28;
	[sflag:s12] =	ssyncadd.s32 $0xFFFFD800;
	s12 =	simm.s32 $0x5  }
.LBB2_4:
0x11c: {  	s8 =	simm.s32 $0x17080;
	s9 =	simm.s32 $0x1EB00;
	s0 =	simm.s32 $0x9  }
0x11d: {  	[spmem:s15] =	stream.indirect.scatter.add.f32 [tilespmem:s8], [sflag:$0xA], $0x80, s9, s19, $0xb8;
	[tilespmem:$0x1EC80] =	vst v63  }
0x11e: {  	_ =	swait.ge [sflag:s0], $0x2800  }
0x11f: {  	[sflag:s0] =	ssyncset.done $0x0  }
0x120: {  	[sflag:s0] =	ssyncadd.s32 $0xFFFFD800  }
0x121: {  	s14 =	sshrl.u32 s2, $0x3;
	_ =	swait.ge [sflag:s25], $0x2800  }
0x122: {  	s1 =	smov.u32 s13;
	s14 =	sadd.s32 s16, s14;
	[sflag:s25] =	ssyncset.done $0x0  }
0x123: {  	s0 =	simm.s32 $0x1E880;
	s3 =	rddreg [dreg:$0xa];
	[sflag:s25] =	ssyncadd.s32 $0xFFFFD800  }
0x124: {  	[tilespmem:s0], [sflag:$0x1] =	stream.linear.gather [hbm4b:s14+s4], $0x50, $0x38;
	[tilespmem:$0x1EC80] =	vst v63  }
0x125: {  	s11 =	simm.s32 $0x1EA80;
	s10 =	rddreg [dreg:$0x8];
	s15 =	sadd.s32 s1, s3  }
0x126: {  	[tilespmem:s11], [sflag:$0x1] =	stream.linear.gather [hbm4b:s15+s4], $0x50, $0x38;
	[tilespmem:$0x1EC80] =	vst v63  }
0x127: {  	s23 =	rddreg [dreg:$0x9];
	s24 =	sadd.s32 s1, s10;
	s3 =	simm.s32 $0x1E900  }
0x128: {  	[tilespmem:s3], [sflag:$0x2] =	stream.linear.gather [hbm4b:s24+s4], $0x50, $0x38;
	[tilespmem:$0x1EC80] =	vst v63  }
0x129: {  	s10 =	sadd.s32 s1, s23  }
0x12a: {  	[tilespmem:s9], [sflag:$0x2] =	stream.linear.gather [hbm4b:s10+s4], $0x50, $0x38;
	[tilespmem:$0x1EC80] =	vst v63  }
0x12b: {  	_ =	swait.ge [sflag:s18], $0x50  }
0x12c: {  	[sflag:s18] =	ssyncset.done $0x0  }
0x12d: {  	[sflag:s18] =	ssyncadd.s32 $0xFFFFFFB0  }
0x12e: {  	_ =	swait.ge [sflag:s18], $0x50  }
0x12f: {  	[sflag:s18] =	ssyncset.done $0x0  }
0x130: {  	s9 =	simm.s32 $0x14880;
	[sflag:s18] =	ssyncadd.s32 $0xFFFFFFB0  }
0x131: {  	[tilespmem:s9], [sflag:$0x5] =	stream.indirect.gather [hbm4b:s5+s19], $0x80, s0, s19, $0xb8;
	[tilespmem:$0x1EC80] =	vst v63  }
0x132: {  	_ =	swait.ge [sflag:s21], $0x50  }
0x133: {  	[sflag:s21] =	ssyncset.done $0x0  }
0x134: {  	[sflag:s21] =	ssyncadd.s32 $0xFFFFFFB0  }
0x135: {  	_ =	swait.ge [sflag:s21], $0x50  }
0x136: {  	[sflag:s21] =	ssyncset.done $0x0  }
0x137: {  	[sflag:s21] =	ssyncadd.s32 $0xFFFFFFB0  }
0x138: {  	[tilespmem:s8], [sflag:$0x6] =	stream.indirect.gather [hbm4b:s5+s19], $0x80, s3, s19, $0xb8;
	[tilespmem:$0x1EC80] =	vst v63  }
0x139: {  	_ =	swait.ge [sflag:s7], $0x2800  }
0x13a: {  	[sflag:s7] =	ssyncset.done $0x0  }
0x13b: {  	[sflag:s7] =	ssyncadd.s32 $0xFFFFD800  }
0x13c: {  	s24 =	simm.s32 $0x19880;
	s8 =	simm.s32 $0x1EB80;
	s15 =	rddreg [dreg:$0x2]  }
0x13d: {  	[spmem:s15] =	stream.indirect.scatter.add.f32 [tilespmem:s24], [sflag:$0xB], $0x80, s8, s19, $0xb8;
	[tilespmem:$0x1EC80] =	vst v63  }
0x13e: {  	_ =	swait.ge [sflag:s22], $0x2800  }
0x13f: {  	[sflag:s22] =	ssyncset.done $0x0  }
0x140: {  	s17 =	smov.u32 s16;
	[sflag:s22] =	ssyncadd.s32 $0xFFFFD800  }
0x141: {  	s10 =	simm.s32 $0x1C080;
	s0 =	simm.s32 $0x1EC00;
	s16 =	rddreg [dreg:$0x2]  }
0x142: {  	[spmem:s16] =	stream.indirect.scatter.add.f32 [tilespmem:s10], [sflag:$0xC], $0x80, s0, s19, $0xb8;
	[tilespmem:$0x1EC80] =	vst v63  }
0x143: {  	_ =	swait.ge [sflag:s26], $0x2800  }
0x144: {  	[sflag:s26] =	ssyncset.done $0x0  }
0x145: {  	[sflag:s26] =	ssyncadd.s32 $0xFFFFD800  }
0x146: {  	_ =	swait.ge [sflag:s20], $0x2800  }
0x147: {  	s3 =	rddreg [dreg:$0x4]  }
0x148: {  	s15 =	rddreg [dreg:$0x5]  }
0x149: {  	[sflag:s20] =	ssyncset.done $0x0;
	s16 =	rddreg [dreg:$0x6]  }
0x14a: {  	[sflag:s20] =	ssyncadd.s32 $0xFFFFD800;
	s14 =	sadd.s32 s1, s3;
	s3 =	simm.s32 $0x1E980  }
0x14b: {  	[tilespmem:s3], [sflag:$0x3] =	stream.linear.gather [hbm4b:s14+s4], $0x50, $0x38;
	[tilespmem:$0x1EC80] =	vst v63  }
0x14c: {  	s14 =	sadd.s32 s1, s15;
	s15 =	rddreg [dreg:$0x7]  }
0x14d: {  	[tilespmem:s8], [sflag:$0x3] =	stream.linear.gather [hbm4b:s14+s4], $0x50, $0x38;
	[tilespmem:$0x1EC80] =	vst v63  }
0x14e: {  	s8 =	sadd.s32 s1, s16;
	s16 =	smov.u32 s17;
	s17 =	simm.s32 $0x1EA00  }
0x14f: {  	[tilespmem:s17], [sflag:$0x4] =	stream.linear.gather [hbm4b:s8+s4], $0x50, $0x38;
	[tilespmem:$0x1EC80] =	vst v63  }
0x150: {  	s1 =	sadd.s32 s1, s15  }
0x151: {  	[tilespmem:s0], [sflag:$0x4] =	stream.linear.gather [hbm4b:s1+s4], $0x50, $0x38;
	[tilespmem:$0x1EC80] =	vst v63  }
0x152: {  	s15 =	rddreg [dreg:$0x2];
	_ =	swait.ge [sflag:s29], $0x50  }
0x153: {  	[sflag:s29] =	ssyncset.done $0x0  }
0x154: {  	[sflag:s29] =	ssyncadd.s32 $0xFFFFFFB0  }
0x155: {  	_ =	swait.ge [sflag:s29], $0x50  }
0x156: {  	[sflag:s29] =	ssyncset.done $0x0  }
0x157: {  	[sflag:s29] =	ssyncadd.s32 $0xFFFFFFB0  }
0x158: {  	[tilespmem:s24], [sflag:$0x7] =	stream.indirect.gather [hbm4b:s5+s19], $0x80, s3, s19, $0xb8;
	[tilespmem:$0x1EC80] =	vst v63  }
0x159: {  	_ =	swait.ge [sflag:s31], $0x50  }
0x15a: {  	[sflag:s31] =	ssyncset.done $0x0  }
0x15b: {  	[sflag:s31] =	ssyncadd.s32 $0xFFFFFFB0  }
0x15c: {  	_ =	swait.ge [sflag:s31], $0x50  }
0x15d: {  	[sflag:s31] =	ssyncset.done $0x0  }
0x15e: {  	[sflag:s31] =	ssyncadd.s32 $0xFFFFFFB0  }
0x15f: {  	[tilespmem:s10], [sflag:$0x8] =	stream.indirect.gather [hbm4b:s5+s19], $0x80, s17, s19, $0xb8;
	[tilespmem:$0x1EC80] =	vst v63  }
0x160: {  	_ =	swait.ge [sflag:s12], $0x2800  }
0x161: {  	p0 =	sne.s32 s13, $0x488;
	s13 =	sadd.s32 $0x28, s13;
	[sflag:s12] =	ssyncset.done $0x0  }
.Ltmp1:
0x162: {  	s30 =	simm.s32 $0x1EB00;
	[sflag:s12] =	ssyncadd.s32 $0xFFFFD800;
	(pc) =	sbr.rel @p0 .LBB2_4-.Ltmp1, $4  }
0x163: {  	[spmem:s15] =	stream.indirect.scatter.add.f32 [tilespmem:s9], [sflag:$0x9], $0x80, s11, s19, $0xb8;
	[tilespmem:$0x1EC80] =	vst v63  }
0x164: {  	s28 =	simm.s32 $0x1EB80;
	s2 =	sadd.s32 $0x140, s2;
	_ =	swait.ge [sflag:s6], $0x2800  }
0x165: {  	s23 =	simm.s32 $0x17080;
	s14 =	simm.s32 $0x1EC00;
	[sflag:s6] =	ssyncset.done $0x0  }
0x166: {  	s1 =	simm.s32 $0x19880;
	s0 =	simm.s32 $0x1C080;
	[sflag:s6] =	ssyncadd.s32 $0xFFFFD800  }
0x167: {  	[spmem:s15] =	stream.indirect.scatter.add.f32 [tilespmem:s23], [sflag:$0xA], $0x80, s30, s19, $0xb8;
	[tilespmem:$0x1EC80] =	vst v63  }
0x168: {  	_ =	swait.ge [sflag:s7], $0x2800  }
0x169: {  	[sflag:s7] =	ssyncset.done $0x0  }
0x16a: {  	[sflag:s7] =	ssyncadd.s32 $0xFFFFD800  }
0x16b: {  	[spmem:s15] =	stream.indirect.scatter.add.f32 [tilespmem:s1], [sflag:$0xB], $0x80, s28, s19, $0xb8;
	[tilespmem:$0x1EC80] =	vst v63  }
0x16c: {  	_ =	swait.ge [sflag:s22], $0x2800  }
0x16d: {  	[sflag:s22] =	ssyncset.done $0x0  }
0x16e: {  	s3 =	simm.s32 $0x9;
	[sflag:s22] =	ssyncadd.s32 $0xFFFFD800  }
0x16f: {  	[spmem:s15] =	stream.indirect.scatter.add.f32 [tilespmem:s0], [sflag:$0xC], $0x80, s14, s19, $0xb8;
	[tilespmem:$0x1EC80] =	vst v63  }
0x170: {  	_ =	swait.ge [sflag:s3], $0x2800  }
0x171: {  	[sflag:s3] =	ssyncset.done $0x0  }
0x172: {  	[sflag:s3] =	ssyncadd.s32 $0xFFFFD800  }
0x173: {  	_ =	swait.ge [sflag:s25], $0x2800  }
0x174: {  	[sflag:s25] =	ssyncset.done $0x0  }
0x175: {  	[sflag:s25] =	ssyncadd.s32 $0xFFFFD800  }
0x176: {  	_ =	swait.ge [sflag:s26], $0x2800  }
0x177: {  	[sflag:s26] =	ssyncset.done $0x0  }
0x178: {  	[sflag:s26] =	ssyncadd.s32 $0xFFFFD800  }
0x179: {  	_ =	swait.ge [sflag:s20], $0x2800  }
0x17a: {  	s17 =	sld [smem:$0x7FC]  }
0x17b: {  	[sflag:s20] =	ssyncset.done $0x0  }
0x17c: {  	s6 =	simm.s32 $0x1E880;
	[sflag:s20] =	ssyncadd.s32 $0xFFFFD800;
	s20 =	sld [smem:$0x7FD]  }
0x17d: {  	[tilespmem:s6], [sflag:$0x1] =	stream.linear.gather [hbm4b:s17+s4], $0x50, $0x38;
	[tilespmem:$0x1EC80] =	vst v63  }
0x17e: {  	s2 =	simm.s32 $0x1EA80  }
0x17f: {  	[tilespmem:s2], [sflag:$0x1] =	stream.linear.gather [hbm4b:s20+s4], $0x50, $0x38;
	[tilespmem:$0x1EC80] =	vst v63  }
0x180: {  	_ =	swait.ge [sflag:s18], $0x50  }
0x181: {  	[sflag:s18] =	ssyncset.done $0x0  }
0x182: {  	[sflag:s18] =	ssyncadd.s32 $0xFFFFFFB0  }
0x183: {  	_ =	swait.ge [sflag:s18], $0x50  }
0x184: {  	[sflag:s18] =	ssyncset.done $0x0  }
0x185: {  	s22 =	simm.s32 $0x14880;
	[sflag:s18] =	ssyncadd.s32 $0xFFFFFFB0  }
0x186: {  	[tilespmem:s22], [sflag:$0x5] =	stream.indirect.gather [hbm4b:s5+s19], $0x80, s6, s19, $0xb8;
	[tilespmem:$0x1EC80] =	vst v63  }
0x187: {  	_ =	swait.ge [sflag:s12], $0x2800  }
0x188: {  	[sflag:s12] =	ssyncset.done $0x0  }
0x189: {  	[sflag:s12] =	ssyncadd.s32 $0xFFFFD800  }
0x18a: {  	[spmem:s15] =	stream.indirect.scatter.add.f32 [tilespmem:s22], [sflag:$0x9], $0x80, s2, s19, $0xb8;
	[tilespmem:$0x1EC80] =	vst v63  }
0x18b: {  	_ =	swait.ge [sflag:s3], $0x2800  }
0x18c: {  	[sflag:s3] =	ssyncset.done $0x0  }
0x18d: {  	[sflag:s3] =	ssyncadd.s32 $0xFFFFD800  }
0x18e: {  	s23 =	stileid.u32;
	[bflag:$0x0] =	sbarrier.arrive $0xFFFF  }
0x18f: {  	s1 =	sshll.u32 s23, $0x6;
	s15 =	rddreg [dreg:$0x12]  }
0x190: {  	s1 =	sor.u32 $0x1C05, s1;
	s13 =	rddreg [dreg:$0x1c];
	s24 =	sshrl.u32 s15, $0x3  }
0x191: {  	[hbm:s13], [sflag:s1] =	dma.local [spmem:s24], $0x2800  }
0x192: {  	_ =	swait.ge [sflag:s12], $0x2800  }
0x193: {  	s25 =	sld [smem:$0x7F1];
	_ =	sdelay $0x1  }
0x194: {  	s10 =	simm.s32 $0x1EA80;
	s30 =	simm.s32 $0x1EB80  }
0x195: {  	s8 =	simm.s32 $0x1EC00;
	s26 =	rddreg [dreg:$0x1d];
	s2 =	sadd.s32 $0x1, s25  }
0x196: {  	s9 =	simm.s32 $0x19880;
	s11 =	simm.s32 $0x5;
	p0 =	sne.s32 s2, s26  }
.Ltmp2:
0x197: {  	s23 =	simm.s32 $0x1EB00;
	s28 =	simm.s32 $0x1E980;
	(pc) =	sbr.rel @p0 .LBB2_1-.Ltmp2, $4  }
0x198: {  	s0 =	simm.s32 $0x1EA00;
	s17 =	simm.s32 $0x1E880;
	s20 =	simm.s32 $0x1C080  }
0x199: {  	s6 =	simm.s32 $0xA;
	s22 =	simm.s32 $0x1E900;
	[sflag:s12] =	ssyncset.done $0x0  }
0x19a: {  	s3 =	simm.s32 $0x9;
	s24 =	simm.s32 $0x14880;
	[sflag:s12] =	ssyncadd.s32 $0xFFFFD800  }
0x19b: {  	s12 =	simm.s32 $0x6;
	s25 =	simm.s32 $0xB;
	s26 =	simm.s32 $0x17080  }
0x19c: {  	_ =	sfence.sel $0x180000  }
0x19d: {  	[bflag:$0x0] =	sbarrier.arrive $0xFFFF  }
0x19e: {  	_ =	strace $0x9000004A  }
0x19f: {  	s0 =	stileid.u32;
	[bflag:$0x2] =	sbarrier.arrive $0xFFFF  }
0x1a0: {  	p0 =	sne.s32 s0, $0x0;
	s0 =	rddreg [dreg:$0x3]  }
0x1a1: {  	s0 =	sadd.s32 @!p0 $0x100000, s0  }
0x1a2: {  	[sflag:s0] =	ssyncadd.tile.s32 @!p0 $0x1;
	_ =	shalt  }
.Lfunc_end2:
_tile_overlayer_lowered:
.L_overlay_start_2:
0x1a3: {  	(tag) =	ssettag $0x2  }
0x1a4: {  	s0 =	rddreg [dreg:$0x0];
	s2 =	stileid.u32  }
0x1a5: {  	s1 =	rddreg [dreg:$0x1];
	p0 =	sne.s32 s2, $0x0  }
0x1a6: {  	s3 =	rddreg [dreg:$0x2];
	[bflag:$0x3] =	sbarrier.arrive $0xFFFF;
	s2 =	simm.s32 @!p0 $0x1C0D  }
0x1a7: {  	[timem:s3], [sflag:s2] =	dma.local @!p0 [hbm:s0], s1  }
0x1a8: {  	s0 =	simm.s32 @!p0 $0xD  }
0x1a9: {  	_ =	swait.ge @!p0 [sflag:s0], s1  }
0x1aa: {  	s1 =	ssub.s32 @!p0 $0x0, s1;
	[sflag:s0] =	ssyncset.done @!p0 $0x0  }
0x1ab: {  	[sflag:s0] =	ssyncadd.s32 @!p0 s1  }
0x1ac: {  	[bflag:$0x3] =	sbarrier.arrive $0xFFFF  }
0x1ad: {  	_ =	shalt  }

// kernel: edge_scatter_deg.3.cloned.1.call-start
scs
__scs_entry_jumppad:
0x0: {  	(pc) =	sbr.rel $0x88, $3  }
0x1: {  	(tag) =	ssettag $0x0;
	lr =	simm.s32 $0x1  }
0x2: {  	[smem:$0x3F99] =	sst lr;
	_ =	strace $0xD0000000  }
0x3: {  	_ = 	snop  }
0x4: {  	_ = 	snop  }
0x5: {  	_ = 	snop  }
0x6: {  	_ = 	snop  }
0x7: {  	_ = 	snop  }
__scs_overlays_trampoline_lowered:
0x8: {  	[smem:$0x3FA8] =	sst s0  }
0x9: {  	[smem:$0x3FA9] =	sst s1  }
0xa: {  	[smem:$0x3FAA] =	sst s2  }
0xb: {  	[smem:$0x3FAB] =	sst s3  }
0xc: {  	[smem:$0x3FAC] =	sst s4  }
0xd: {  	[smem:$0x3FAD] =	sst s5  }
0xe: {  	[smem:$0x3FAE] =	sst s6  }
0xf: {  	[smem:$0x3FAF] =	sst s7  }
0x10: {  	[smem:$0x3FB0] =	sst s8  }
0x11: {  	[smem:$0x3FB1] =	sst s9;
	s0 =	simm.s32 @!p0 $0x0  }
0x12: {  	s1 =	sld [smem:$0x3F97];
	s0 =	simm.s32 @p0 $0x1  }
0x13: {  	[smem:$0x3FB2] =	sst s0;
	s0 =	simm.s32 @!p1 $0x0  }
0x14: {  	s2 =	sld [smem:$0x3F96];
	s0 =	simm.s32 @p1 $0x1  }
0x15: {  	[smem:$0x3FB3] =	sst s0;
	s0 =	simm.s32 @!p2 $0x0  }
0x16: {  	s3 =	sld [smem:$0x3FDB];
	s0 =	simm.s32 @p2 $0x1  }
0x17: {  	s4 =	simm.s32 $0x1BF5;
	[smem:$0x3FB5] =	sst s0  }
0x18: {  	s0 =	sld [smem:$0x3F98];
	_ =	swait.ge [sflag:s4], $0x0  }
0x19: {  	s7 =	sld [smem:$0x3F99]  }
0x1a: {  	s8 =	sadd.s32 $0xFFFFE003, lr  }
0x1b: {  	s9 =	sadd.s32 $0xFFFFFEF7, lr;
	s5 =	simm.s32 $0xFFFFFFFF;
	p2 =	slt.u32 s8, $0xFFFFF086  }
0x1c: {  	p1 =	slt.u32 s9, $0xF7A;
	s5 =	simm.s32 @!p2 $0x0  }
0x1d: {  	s5 =	simm.s32 @p1 $0x1;
	p0 =	seq.s32 s7, s2  }
0x1e: {  	s7 =	smul.u32 @!p0 $0xF7A, s2;
	p2 =	seq.s32 @!p0 s5, $0x0  }
0x1f: {  	s9 =	smul.u32 $0xF7A, s1;
	s8 =	simm.s32 @!p0 $0x1BF5;
	p2 =	por !p2, p0  }
0x20: {  	[sflag:s8] =	ssyncset.s32 @!p0 $0xFFFFF086;
	s6 =	sadd.s32 @!p0 s3, s7;
	s7 =	simm.s32 @!p0 $0x108  }
0x21: {  	s3 =	sadd.s32 s3, s9;
	s6 =	sadd.s32 @!p0 $0x88, s6;
	s7 =	simm.s32 @p2 $0x1082  }
0x22: {  	[simem:s7], [sflag:s8] =	dma.local @!p0 [hbm:s6], $0xF7A  }
0x23: {  	s9 =	sor.u32 $0xD0000000, s2;
	s6 =	simm.s32 $0x108;
	_ =	swait.ge @!p0 [sflag:s8], $0x0  }
0x24: {  	s3 =	sadd.s32 $0x88, s3;
	s6 =	simm.s32 @!p1 $0x1082;
	[sflag:s4] =	ssyncset.s32 $0xFFFFF086  }
0x25: {  	[simem:s6], [sflag:s4] =	dma.local [hbm:s3], $0xF7A  }
0x26: {  	[smem:$0x3F99] =	sst s1;
	(tag) =	ssettag s2;
	_ =	strace s9  }
0x27: {  	s1 =	sld [smem:$0x3FA9]  }
0x28: {  	s2 =	sld [smem:$0x3FAA]  }
0x29: {  	s4 =	sld [smem:$0x3FAC]  }
0x2a: {  	p0 =	seq.s32 s5, $0x0;
	s5 =	sld [smem:$0x3FAD]  }
0x2b: {  	s6 =	sld [smem:$0x3FAE]  }
0x2c: {  	s7 =	sld [smem:$0x3FAF]  }
0x2d: {  	s3 =	simm.s32 $0x108;
	s8 =	sld [smem:$0x3FB0]  }
0x2e: {  	s3 =	simm.s32 @!p0 $0x1082;
	s9 =	sld [smem:$0x3FB1]  }
0x2f: {  	lr =	sadd.s32 s0, s3;
	s0 =	sld [smem:$0x3FA8]  }
0x30: {  	s3 =	sld [smem:$0x3FAB]  }
0x31: {  	[smem:$0x3FB4] =	sst s10  }
0x32: {  	s10 =	sld [smem:$0x3FB2];
	_ =	sdelay $0x3  }
0x33: {  	p0 =	seq.s32 s10, $0x1;
	s10 =	sld [smem:$0x3FB4];
	_ =	sdelay $0x3  }
0x34: {  	[smem:$0x3FB4] =	sst s10  }
0x35: {  	s10 =	sld [smem:$0x3FB3];
	_ =	sdelay $0x3  }
0x36: {  	p1 =	seq.s32 s10, $0x1;
	s10 =	sld [smem:$0x3FB4];
	_ =	sdelay $0x3  }
0x37: {  	[smem:$0x3FB4] =	sst s10  }
0x38: {  	s10 =	sld [smem:$0x3FB5]  }
0x39: {  	_ = 	snop;
	(pc) =	sbr.ind lr, $3  }
0x3a: {  	_ = 	snop  }
0x3b: {  	_ = 	snop  }
0x3c: {  	p2 =	seq.s32 s10, $0x1;
	s10 =	sld [smem:$0x3FB4]  }
0x3d: {  	_ =	shalt  }
0x3e: {  	_ =	shalt  }
0x3f: {  	_ =	shalt  }
0x40: {  	_ =	shalt  }
0x41: {  	_ =	shalt  }
0x42: {  	_ =	shalt  }
0x43: {  	_ =	shalt  }
0x44: {  	_ =	shalt  }
0x45: {  	_ =	shalt  }
0x46: {  	_ =	shalt  }
0x47: {  	_ =	shalt  }
0x48: {  	_ =	shalt  }
0x49: {  	_ =	shalt  }
0x4a: {  	_ =	shalt  }
0x4b: {  	_ =	shalt  }
0x4c: {  	_ =	shalt  }
0x4d: {  	_ =	shalt  }
0x4e: {  	_ =	shalt  }
0x4f: {  	_ =	shalt  }
0x50: {  	_ =	shalt  }
0x51: {  	_ =	shalt  }
0x52: {  	_ =	shalt  }
0x53: {  	_ =	shalt  }
0x54: {  	_ =	shalt  }
0x55: {  	_ =	shalt  }
0x56: {  	_ =	shalt  }
0x57: {  	_ =	shalt  }
0x58: {  	_ =	shalt  }
0x59: {  	_ =	shalt  }
0x5a: {  	_ =	shalt  }
0x5b: {  	_ =	shalt  }
0x5c: {  	_ =	shalt  }
0x5d: {  	_ =	shalt  }
0x5e: {  	_ =	shalt  }
0x5f: {  	_ =	shalt  }
0x60: {  	_ =	shalt  }
0x61: {  	_ =	shalt  }
0x62: {  	_ =	shalt  }
0x63: {  	_ =	shalt  }
0x64: {  	_ =	shalt  }
0x65: {  	_ =	shalt  }
0x66: {  	_ =	shalt  }
0x67: {  	_ =	shalt  }
0x68: {  	_ =	shalt  }
0x69: {  	_ =	shalt  }
0x6a: {  	_ =	shalt  }
0x6b: {  	_ =	shalt  }
0x6c: {  	_ =	shalt  }
0x6d: {  	_ =	shalt  }
0x6e: {  	_ =	shalt  }
0x6f: {  	_ =	shalt  }
0x70: {  	_ =	shalt  }
0x71: {  	_ =	shalt  }
0x72: {  	_ =	shalt  }
0x73: {  	_ =	shalt  }
0x74: {  	_ =	shalt  }
0x75: {  	_ =	shalt  }
0x76: {  	_ =	shalt  }
0x77: {  	_ =	shalt  }
0x78: {  	_ =	shalt  }
0x79: {  	_ =	shalt  }
0x7a: {  	_ =	shalt  }
0x7b: {  	_ =	shalt  }
0x7c: {  	_ =	shalt  }
0x7d: {  	_ =	shalt  }
0x7e: {  	_ =	shalt  }
0x7f: {  	_ =	shalt  }
0x80: {  	_ =	shalt  }
0x81: {  	_ =	shalt  }
0x82: {  	_ =	shalt  }
0x83: {  	_ =	shalt  }
0x84: {  	_ =	shalt  }
0x85: {  	_ =	shalt  }
0x86: {  	_ =	shalt  }
0x87: {  	_ =	shalt  }
.Lfunc_end0:
.L_simem_size_0:
called_computation_lowered:
.L_overlay_start_0:
0x88: {  	s2 =	sld [smem:$0x3FD9]  }
0x89: {  	s3 =	sld [smem:$0x3FFE];
	_ =	sdelay $0x1  }
0x8a: {  	s1 =	srdreg.scid  }
0x8b: {  	s0 =	sand.u32 $0x1, s1  }
0x8c: {  	s14 =	sshll.u32 s0, $0xA;
	s2 =	sadd.s32 s3, s2  }
0x8d: {  	s2 =	sadd.s32 s2, s14  }
0x8e: {  	[smem:$0x3FC0] =	sst s2  }
0x8f: {  	_ = 	snop  }
0x90: {  	s2 =	sld [smem:$0x3FD0];
	_ =	sdelay $0x2  }
0x91: {  	s4 =	simm.s32 $0xA;
	s5 =	simm.s32 $0x10;
	s15 =	sld [smem:$0x3FC9]  }
0x92: {  	[smem:s5], [sflag:s4] =	dma.local [hbm:s2], $0x1  }
0x93: {  	_ =	swait.eq [sflag:s4], $0x1  }
0x94: {  	[sflag:s4] =	ssyncset.done $0x0  }
0x95: {  	s16 =	sld [smem:$0x10];
	[sflag:s4] =	ssyncadd.s32 $0xFFFFFFFF  }
0x96: {  	s17 =	sld [smem:$0x11];
	(tm) =	ssettm $0x1  }
0x97: {  	s18 =	sld [smem:$0x3FFB];
	_ =	sdelay $0x3  }
0x98: {  	_ =	strace s18  }
0x99: {  	s5 =	sld [smem:$0x3FFC];
	_ =	sdelay $0x3  }
0x9a: {  	_ =	strace s5  }
0x9b: {  	s5 =	sld [smem:$0x3FFD];
	_ =	sdelay $0x3  }
0x9c: {  	_ =	strace s5  }
0x9d: {  	_ =	strace $0x8FFFFFFF  }
0x9e: {  	s19 =	sld [smem:$0x3FDB];
	_ =	sdelay $0x1  }
0x9f: {  	s6 =	simm.s32 $_scs_section_size  }
0xa0: {  	s7 =	simm.s32 $_size__tile_overlayer_lowered;
	s8 =	simm.s32 $_tile_overlayer_lowered  }
0xa1: {  	s22 =	simm.s32 $0x1BFF;
	s21 =	sshll.u32 s8, $0x1;
	s5 =	sadd.s32 s6, s19  }
0xa2: {  	s9 =	simm.s32 $0x0;
	s20 =	sshll.u32 s7, $0x1;
	s7 =	sadd.s32 s21, s5  }
0xa3: {  	[timem:s9], [sflag:s22] =	dma.local [hbm:s7], s20  }
0xa4: {  	_ =	swait.ge [sflag:s22], s20  }
0xa5: {  	s6 =	ssub.s32 $0x0, s20;
	[sflag:s22] =	ssyncset.done $0x0  }
0xa6: {  	[sflag:s22] =	ssyncadd.s32 s6;
	_ =	sdelay $0x1  }
0xa7: {  	s23 =	simm.s32 $0x1B8B  }
0xa8: {  	_ =	swait.ge [sflag:s23], $0x1  }
0xa9: {  	[sflag:s23] =	ssyncset.done $0x0  }
0xaa: {  	s25 =	simm.s32 $0x1B8E;
	s24 =	sld [smem:$0x3FFE];
	[sflag:s23] =	ssyncadd.s32 $0xFFFFFFFF  }
0xab: {  	s26 =	simm.s32 $execute0_lowered;
	[smem:$0x3FD2] =	sst s25  }
0xac: {  	s7 =	sshll.u32 s26, $0x1;
	_ =	strace $0x80000046;
	[dreg:$0x1] =	wrdreg $0xFFFFFFFF  }
0xad: {  	s28 =	simm.s32 $_size_execute0_lowered;
	s5 =	sadd.s32 s5, s7;
	[dreg:$0x0] =	wrdreg $0x0  }
0xae: {  	s7 =	sshll.u32 s28, $0x1;
	[dreg:$0x2] =	wrdreg s5  }
0xaf: {  	[dreg:$0x3] =	wrdreg s7  }
0xb0: {  	[dreg:$0x4] =	wrdreg $0xC0  }
0xb1: {  	_ =	task [dreg:s9], $0x5FFFF  }
0xb2: {  	[dreg:$0x1] =	wrdreg $0xFFFFFFFF  }
0xb3: {  	[dreg:$0x0] =	wrdreg $0x60  }
0xb4: {  	[dreg:$0x2] =	wrdreg s15  }
0xb5: {  	[dreg:$0x3] =	wrdreg s17  }
0xb6: {  	[dreg:$0x4] =	wrdreg s24  }
0xb7: {  	[dreg:$0x5] =	wrdreg s16  }
0xb8: {  	[dreg:$0x6] =	wrdreg $0x0  }
0xb9: {  	[dreg:$0x7] =	wrdreg $0x1EC800  }
0xba: {  	[dreg:$0x8] =	wrdreg $0x9  }
0xbb: {  	_ =	task.clear_ibuf [dreg:s9], $0x9FFFF;
	_ =	strace $0x90000046  }
0xbc: {  	s29 =	simm.s32 $0x9;
	_ =	strace $0x80000048  }
0xbd: {  	_ =	swait.ge [sflag:s29], $0x1  }
0xbe: {  	[sflag:s29] =	ssyncadd.s32 $0xFFFFFFFF  }
0xbf: {  	_ =	strace $0x90000048  }
0xc0: {  	_ =	sfence  }
0xc1: {  	s30 =	sld [smem:$0x0];
	_ =	sdelay $0x2  }
0xc2: {  	s31 =	sshll.u32 s1, $0xD;
	s1 =	sshrl.u32 s1, $0x2  }
0xc3: {  	s3 =	sand.u32 $0x4000, s31;
	s1 =	sadd.s32 s1, s30  }
0xc4: {  	s0 =	sor.u32 s3, s0;
	s1 =	sshll.u32 s1, $0x11  }
0xc5: {  	s0 =	sor.u32 s1, s0  }
0xc6: {  	s0 =	sadd.s32 $0x8F2B, s0  }
0xc7: {  	[sflag:s0] =	ssyncadd.remote.s32 $0x1  }
0xc8: {  	_ =	sfence.sel $0xFFFF  }
0xc9: {  	[dreg:$0x0] =	wrdreg $0xFFFFFFFF;
	(pc) =	sbr.abs _section_cstart, $3  }
0xca: {  	[dreg:$0x1] =	wrdreg $0xFFFFFFFF  }
0xcb: {  	_ =	task.clear_ibuf [dreg:s9], $0x2FFFF;
	_ =	strace $0x9FFFFFFF  }
0xcc: {  	(tm) =	ssettm $0x7FFFFFFF  }
0xcd: {  	_ =	shalt  }
tec
execute0_lowered:
.L_overlay_start_1:
0x0: {  	(tag) =	ssettag $0x1  }
0x1: {  	s0 =	rddreg [dreg:$0x0]  }
0x2: {  	s19 =	rddreg [dreg:$0x1]  }
0x3: {  	s2 =	rddreg [dreg:$0x2]  }
0x4: {  	s4 =	srdreg.scid;
	s11 =	stileid.u32  }
0x5: {  	s1 =	rddreg [dreg:$0x3];
	s4 =	sand.u32 $0x1, s4;
	s9 =	smul.u32 $0x13800, s11  }
0x6: {  	s5 =	rddreg [dreg:$0x4];
	s7 =	smul.u32 $0x138800, s4  }
0x7: {  	s3 =	rddreg [dreg:$0x5];
	s8 =	sshll.u32 s4, $0x4  }
0x8: {  	s15 =	ssub.s32 $0x2, s4;
	s8 =	sor.u32 s11, s8;
	s7 =	sadd.s32 s9, s7  }
0x9: {  	s16 =	sshrl.u32 s15, $0x1;
	s8 =	smul.u32 $0x2710, s8;
	s7 =	sshrl.u32 s7, $0x3  }
0xa: {  	s6 =	simm.s32 $0x0;
	s2 =	sadd.s32 s7, s2;
	s7 =	ssub.s32 s15, s16  }
0xb: {  	[smem:$0x7FF] =	sst s6;
	s8 =	sshrl.u32 s8, $0x3;
	s7 =	smax.u32 s7, $0x1  }
0xc: {  	_ =	strace $0x80000047;
	s12 =	sadd.s32 s19, s8;
	[dreg:$0x1f] =	wrdreg s7  }
0xd: {  	s21 =	smul.u32 $0x2710, s11;
	s8 =	sadd.s32 $0x9C40, s12;
	[dreg:$0xe] =	wrdreg s12  }
0xe: {  	s17 =	smul.u32 $0x27100, s4;
	s18 =	sadd.s32 $0xA, s12;
	[dreg:$0xf] =	wrdreg s8  }
0xf: {  	s4 =	smul.u32 $0x2710, s4;
	s20 =	sadd.s32 $0x9C4A, s12;
	[dreg:$0x10] =	wrdreg s18  }
0x10: {  	s9 =	smul.u32 $0x270, s11;
	s10 =	sadd.s32 $0x14, s12;
	[dreg:$0x11] =	wrdreg s20  }
0x11: {  	s23 =	smul.u32 $0x4E000, s11;
	s22 =	sadd.s32 $0x9C54, s12;
	[dreg:$0x12] =	wrdreg s10  }
0x12: {  	s4 =	sadd.s32 s9, s4;
	s13 =	sadd.s32 $0x1E, s12;
	[dreg:$0x13] =	wrdreg s22  }
0x13: {  	s4 =	sshrl.u32 s4, $0x3;
	s24 =	sadd.s32 $0x9C5E, s12;
	[dreg:$0x14] =	wrdreg s13  }
0x14: {  	s1 =	sadd.s32 s1, s4;
	s4 =	sadd.s32 $0x2800, s2;
	[dreg:$0x15] =	wrdreg s24  }
0x15: {  	s8 =	sadd.s32 s21, s17;
	s10 =	sshrl.u32 s23, $0x2;
	[dreg:$0x1a] =	wrdreg s1  }
0x16: {  	[dreg:$0x1e] =	wrdreg s4;
	s25 =	sadd.s32 $0x1E0, s8;
	s29 =	sadd.s32 $0x4E3E0, s8  }
0x17: {  	s13 =	sadd.s32 $0x230, s8;
	s15 =	sadd.s32 $0x4E430, s8;
	s18 =	sadd.s32 $0x190, s8  }
0x18: {  	s22 =	sadd.s32 $0x4E390, s8;
	s24 =	sadd.s32 $0x4E340, s8;
	s8 =	sadd.s32 $0x140, s8  }
0x19: {  	s21 =	sadd.s32 s10, s5;
	[smem:$0x7ED] =	sst s8  }
0x1a: {  	s30 =	sadd.s32 $0x1000, s21;
	[dreg:$0x16] =	wrdreg s21  }
0x1b: {  	s26 =	sshrl.u32 s25, $0x3;
	s16 =	sadd.s32 $0x2000, s21;
	[dreg:$0x17] =	wrdreg s30  }
0x1c: {  	s11 =	sshrl.u32 s29, $0x3;
	s29 =	sadd.s32 $0x4000, s21;
	[dreg:$0x18] =	wrdreg s16  }
0x1d: {  	s14 =	sshrl.u32 s13, $0x3;
	s13 =	sadd.s32 $0x8000, s21;
	[dreg:$0x1b] =	wrdreg s29  }
0x1e: {  	s20 =	sshrl.u32 s18, $0x3;
	s18 =	sadd.s32 $0xD000, s21;
	[smem:$0x7F0] =	sst s13  }
0x1f: {  	s25 =	sshrl.u32 s24, $0x3;
	s24 =	sadd.s32 $0x11000, s21;
	[smem:$0x7F5] =	sst s18  }
0x20: {  	s10 =	sadd.s32 s26, s19;
	[smem:$0x7F9] =	sst s24  }
0x21: {  	s11 =	sadd.s32 s11, s19;
	[dreg:$0x7] =	wrdreg s10  }
0x22: {  	s26 =	sadd.s32 $0x3000, s21;
	[dreg:$0x8] =	wrdreg s11  }
0x23: {  	s28 =	simm.s32 $0x2;
	s30 =	sadd.s32 $0x5000, s21;
	[dreg:$0x19] =	wrdreg s26  }
0x24: {  	s31 =	simm.s32 $0x1EEF8;
	s16 =	sadd.s32 $0xB000, s21;
	[dreg:$0x1c] =	wrdreg s30  }
0x25: {  	s2 =	simm.s32 $0x1EC00;
	s29 =	sadd.s32 $0x4D8, s12;
	[smem:$0x7F3] =	sst s16  }
0x26: {  	s7 =	simm.s32 $0x1F178;
	s10 =	sadd.s32 s14, s19;
	[smem:$0x7FC] =	sst s29  }
0x27: {  	s4 =	simm.s32 $0x1EA80;
	s14 =	sadd.s32 $0x9000, s21;
	[dreg:$0x9] =	wrdreg s10  }
0x28: {  	s11 =	sshrl.u32 s15, $0x3;
	s15 =	sadd.s32 $0xA000, s21;
	[smem:$0x7F1] =	sst s14  }
0x29: {  	s8 =	simm.s32 $0x3;
	s26 =	sadd.s32 $0x13000, s21;
	[smem:$0x7F2] =	sst s15  }
0x2a: {  	s24 =	simm.s32 $0x50;
	s30 =	sadd.s32 $0xA118, s12;
	[smem:$0x7FB] =	sst s26  }
0x2b: {  	s18 =	simm.s32 $0x19880;
	s17 =	sadd.s32 s11, s19;
	[smem:$0x7FD] =	sst s30  }
0x2c: {  	s16 =	simm.s32 $0x1E900;
	s10 =	sadd.s32 s20, s19;
	[dreg:$0xa] =	wrdreg s17  }
0x2d: {  	s12 =	simm.s32 $0x1EA00;
	s20 =	sadd.s32 $0xE000, s21;
	[dreg:$0xb] =	wrdreg s10  }
0x2e: {  	s11 =	sshrl.u32 s22, $0x3;
	s22 =	sadd.s32 $0xF000, s21;
	[smem:$0x7F6] =	sst s20  }
0x2f: {  	s26 =	simm.s32 $0x17080;
	s23 =	sadd.s32 s11, s19;
	[smem:$0x7F7] =	sst s22  }
0x30: {  	s15 =	simm.s32 $0x1EB80;
	s10 =	sadd.s32 s25, s19;
	[dreg:$0xc] =	wrdreg s23  }
0x31: {  	s11 =	sadd.s32 s9, s3;
	s9 =	sadd.s32 $0x6000, s21;
	[dreg:$0xd] =	wrdreg s10  }
0x32: {  	s14 =	simm.s32 $0x1C080;
	s17 =	sadd.s32 $0xC000, s21;
	[smem:$0x7EE] =	sst s9  }
0x33: {  	s25 =	sadd.s32 $0x12000, s21;
	s22 =	simm.s32 $0x14880;
	[smem:$0x7F4] =	sst s17  }
0x34: {  	s20 =	simm.s32 $0x0;
	s10 =	sadd.s32 $0x7000, s21;
	[smem:$0x7FA] =	sst s25  }
0x35: {  	s23 =	sadd.s32 $0x10000, s21;
	s9 =	simm.s32 $0x1E880;
	[dreg:$0x1d] =	wrdreg s11  }
0x36: {  	s17 =	simm.s32 $0x1EB00;
	s25 =	simm.s32 $0x1E980;
	[smem:$0x7EF] =	sst s10  }
0x37: {  	v0 =	vimm.f32 $0.0e+00;
	v1 =	vimm.f32 $1.000000000e+00;
	[smem:$0x7F8] =	sst s23;
	s23 =	simm.s32 $0x1;
	s10 =	simm.s32 $0x4  }
.LBB2_1:
0x38: {  	[smem:$0x7EC] =	sst s20  }
0x39: {  	s1 =	rddreg [dreg:$0xe]  }
0x3a: {  	[tilespmem:s9], [sflag:$0x1] =	stream.linear.gather [hbm4b:s1+s6], $0x50, $0x38;
	[tilespmem:$0x1F1F8] =	vst v63  }
0x3b: {  	s20 =	rddreg [dreg:$0xf]  }
0x3c: {  	[tilespmem:s4], [sflag:$0x1] =	stream.linear.gather [hbm4b:s20+s6], $0x50, $0x38;
	[tilespmem:$0x1F1F8] =	vst v63  }
0x3d: {  	s13 =	smov.u32 s3;
	s3 =	rddreg [dreg:$0x10]  }
0x3e: {  	[tilespmem:s16], [sflag:$0x2] =	stream.linear.gather [hbm4b:s3+s6], $0x50, $0x38;
	[tilespmem:$0x1F1F8] =	vst v63  }
0x3f: {  	s4 =	rddreg [dreg:$0x11]  }
0x40: {  	[tilespmem:s17], [sflag:$0x2] =	stream.linear.gather [hbm4b:s4+s6], $0x50, $0x38;
	[tilespmem:$0x1F1F8] =	vst v63  }
0x41: {  	_ =	swait.ge [sflag:s23], $0x50  }
0x42: {  	[sflag:s23] =	ssyncset.done $0x0  }
0x43: {  	[sflag:s23] =	ssyncadd.s32 $0xFFFFFFB0  }
0x44: {  	_ =	swait.ge [sflag:s23], $0x50  }
0x45: {  	[sflag:s23] =	ssyncset.done $0x0  }
0x46: {  	[sflag:s23] =	ssyncadd.s32 $0xFFFFFFB0  }
0x47: {  	[tilespmem:s22], [sflag:$0x5] =	stream.indirect.gather [hbm4b:s0+s24], $0x80, s9, s24, $0xb8;
	[tilespmem:$0x1F1F8] =	vst v63  }
0x48: {  	_ =	swait.ge [sflag:s28], $0x50  }
0x49: {  	[sflag:s28] =	ssyncset.done $0x0  }
0x4a: {  	[sflag:s28] =	ssyncadd.s32 $0xFFFFFFB0  }
0x4b: {  	_ =	swait.ge [sflag:s28], $0x50  }
0x4c: {  	[sflag:s28] =	ssyncset.done $0x0  }
0x4d: {  	[sflag:s28] =	ssyncadd.s32 $0xFFFFFFB0  }
0x4e: {  	[tilespmem:s26], [sflag:$0x6] =	stream.indirect.gather [hbm4b:s0+s24], $0x80, s16, s24, $0xb8;
	[tilespmem:$0x1F1F8] =	vst v63  }
0x4f: {  	s9 =	rddreg [dreg:$0x12]  }
0x50: {  	[tilespmem:s25], [sflag:$0x3] =	stream.linear.gather [hbm4b:s9+s6], $0x50, $0x38;
	[tilespmem:$0x1F1F8] =	vst v63  }
0x51: {  	s16 =	rddreg [dreg:$0x13]  }
0x52: {  	[tilespmem:s15], [sflag:$0x3] =	stream.linear.gather [hbm4b:s16+s6], $0x50, $0x38;
	[tilespmem:$0x1F1F8] =	vst v63  }
0x53: {  	s17 =	rddreg [dreg:$0x14]  }
0x54: {  	[tilespmem:s12], [sflag:$0x4] =	stream.linear.gather [hbm4b:s17+s6], $0x50, $0x38;
	[tilespmem:$0x1F1F8] =	vst v63  }
0x55: {  	s20 =	rddreg [dreg:$0x15]  }
0x56: {  	[tilespmem:s2], [sflag:$0x4] =	stream.linear.gather [hbm4b:s20+s6], $0x50, $0x38;
	[tilespmem:$0x1F1F8] =	vst v63  }
0x57: {  	_ =	swait.ge [sflag:s8], $0x50  }
0x58: {  	[sflag:s8] =	ssyncset.done $0x0  }
0x59: {  	[sflag:s8] =	ssyncadd.s32 $0xFFFFFFB0  }
0x5a: {  	_ =	swait.ge [sflag:s8], $0x50  }
0x5b: {  	[sflag:s8] =	ssyncset.done $0x0  }
0x5c: {  	[sflag:s8] =	ssyncadd.s32 $0xFFFFFFB0  }
0x5d: {  	[tilespmem:s18], [sflag:$0x7] =	stream.indirect.gather [hbm4b:s0+s24], $0x80, s25, s24, $0xb8;
	[tilespmem:$0x1F1F8] =	vst v63  }
0x5e: {  	_ =	swait.ge [sflag:s10], $0x50  }
0x5f: {  	[sflag:s10] =	ssyncset.done $0x0  }
0x60: {  	s29 =	sand.u32 $0x70, s6;
	[sflag:s10] =	ssyncadd.s32 $0xFFFFFFB0  }
0x61: {  	s1 =	simm.s32 $0x40;
	s25 =	sand.u32 $0x3E00, s6;
	_ =	swait.ge [sflag:s10], $0x50  }
0x62: {  	s3 =	smov.u32 s0;
	s30 =	sshrl.u32 s25, $0x2;
	[sflag:s10] =	ssyncset.done $0x0  }
0x63: {  	s30 =	sor.u32 s29, s30;
	s29 =	simm.s32 $0x0;
	[sflag:s10] =	ssyncadd.s32 $0xFFFFFFB0  }
0x64: {  	[tilespmem:s14], [sflag:$0x8] =	stream.indirect.gather [hbm4b:s0+s24], $0x80, s12, s24, $0xb8;
	[tilespmem:$0x1F1F8] =	vst v63  }
.LBB2_2:
0x65: {  	p0 =	sne.s32 s1, $0x3FC0  }
0x66: {  	[tilespmem:s30+$0x13880] =	vst v0;
	s29 =	sadd.s32 $0x10, s29;
	s30 =	smov.u32 s1;
	s1 =	sadd.s32 $0x40, s1  }
.Ltmp0:
0x67: {  	(pc) =	sbr.rel @p0 .LBB2_2-.Ltmp0, $4  }
0x68: {  	_ = 	snop  }
0x69: {  	s30 =	sand.u32 $0x3E00, s30  }
0x6a: {  	s9 =	sand.u32 $0x70, s29;
	s30 =	sshrl.u32 s30, $0x2  }
0x6b: {  	s30 =	sor.u32 s9, s30  }
0x6c: {  	[tilespmem:s30+$0x13880] =	vst v0  }
0x6d: {  	[tilespmem:$0x1EEF8] =	vst v0  }
0x6e: {  	[tilespmem:$0x1EF08] =	vst v0  }
0x6f: {  	[tilespmem:$0x1EF18] =	vst v0  }
0x70: {  	[tilespmem:$0x1EF28] =	vst v0  }
0x71: {  	[tilespmem:$0x1EF38] =	vst v0  }
0x72: {  	[tilespmem:$0x1EF48] =	vst v0  }
0x73: {  	[tilespmem:$0x1EF58] =	vst v0  }
0x74: {  	[tilespmem:$0x1EF68] =	vst v0  }
0x75: {  	[tilespmem:$0x1EF78] =	vst v0  }
0x76: {  	[tilespmem:$0x1EF88] =	vst v0  }
0x77: {  	[tilespmem:$0x1EF98] =	vst v0  }
0x78: {  	[tilespmem:$0x1EFA8] =	vst v0  }
0x79: {  	[tilespmem:$0x1EFB8] =	vst v0  }
0x7a: {  	[tilespmem:$0x1EFC8] =	vst v0  }
0x7b: {  	[tilespmem:$0x1EFD8] =	vst v0  }
0x7c: {  	[tilespmem:$0x1EFE8] =	vst v0  }
0x7d: {  	[tilespmem:$0x1EFF8] =	vst v0  }
0x7e: {  	[tilespmem:$0x1F008] =	vst v0  }
0x7f: {  	[tilespmem:$0x1F018] =	vst v0  }
0x80: {  	[tilespmem:$0x1F028] =	vst v0  }
0x81: {  	[tilespmem:$0x1F038] =	vst v0  }
0x82: {  	[tilespmem:$0x1F048] =	vst v0  }
0x83: {  	[tilespmem:$0x1F058] =	vst v0  }
0x84: {  	[tilespmem:$0x1F068] =	vst v0  }
0x85: {  	[tilespmem:$0x1F078] =	vst v0  }
0x86: {  	[tilespmem:$0x1F088] =	vst v0  }
0x87: {  	[tilespmem:$0x1F098] =	vst v0  }
0x88: {  	[tilespmem:$0x1F0A8] =	vst v0  }
0x89: {  	[tilespmem:$0x1F0B8] =	vst v0  }
0x8a: {  	[tilespmem:$0x1F0C8] =	vst v0  }
0x8b: {  	[tilespmem:$0x1F0D8] =	vst v0  }
0x8c: {  	[tilespmem:$0x1F0E8] =	vst v0  }
0x8d: {  	[tilespmem:$0x1F0F8] =	vst v0  }
0x8e: {  	[tilespmem:$0x1F108] =	vst v0  }
0x8f: {  	[tilespmem:$0x1F118] =	vst v0  }
0x90: {  	[tilespmem:$0x1F128] =	vst v0  }
0x91: {  	[tilespmem:$0x1F138] =	vst v0  }
0x92: {  	[tilespmem:$0x1F148] =	vst v0  }
0x93: {  	[tilespmem:$0x1F158] =	vst v0  }
0x94: {  	[tilespmem:$0x1F168] =	vst v0  }
0x95: {  	[tilespmem:$0x1F178] =	vst v1  }
0x96: {  	[tilespmem:$0x1F188] =	vst v1  }
0x97: {  	[tilespmem:$0x1F198] =	vst v1  }
0x98: {  	[tilespmem:$0x1F1A8] =	vst v1  }
0x99: {  	s2 =	simm.s32 $0x13880;
	s1 =	rddreg [dreg:$0x17];
	[tilespmem:$0x1F1B8] =	vst v1  }
0x9a: {  	[spmem:s21] =	stream.linear.scatter [tilespmem:s2], [sflag:$0x9], $0x1000, $0x38;
	[tilespmem:$0x1F1F8] =	vst v63  }
0x9b: {  	s17 =	rddreg [dreg:$0x18]  }
0x9c: {  	[spmem:s1] =	stream.linear.scatter [tilespmem:s2], [sflag:$0x9], $0x1000, $0x38;
	[tilespmem:$0x1F1F8] =	vst v63  }
0x9d: {  	s18 =	rddreg [dreg:$0x19]  }
0x9e: {  	[spmem:s17] =	stream.linear.scatter [tilespmem:s2], [sflag:$0x9], $0x1000, $0x38;
	[tilespmem:$0x1F1F8] =	vst v63  }
0x9f: {  	s20 =	rddreg [dreg:$0x1b]  }
0xa0: {  	[spmem:s18] =	stream.linear.scatter [tilespmem:s2], [sflag:$0x9], $0x1000, $0x38;
	[tilespmem:$0x1F1F8] =	vst v63  }
0xa1: {  	s25 =	sld [smem:$0x7EE]  }
0xa2: {  	[spmem:s20] =	stream.linear.scatter [tilespmem:s2], [sflag:$0x9], $0x1000, $0x38;
	[tilespmem:$0x1F1F8] =	vst v63  }
0xa3: {  	s21 =	rddreg [dreg:$0x1c]  }
0xa4: {  	[spmem:s21] =	stream.linear.scatter [tilespmem:s2], [sflag:$0x9], $0x1000, $0x38;
	[tilespmem:$0x1F1F8] =	vst v63  }
0xa5: {  	s0 =	sld [smem:$0x7EF]  }
0xa6: {  	[spmem:s25] =	stream.linear.scatter [tilespmem:s2], [sflag:$0x9], $0x1000, $0x38;
	[tilespmem:$0x1F1F8] =	vst v63  }
0xa7: {  	s4 =	sld [smem:$0x7F0]  }
0xa8: {  	[spmem:s0] =	stream.linear.scatter [tilespmem:s2], [sflag:$0x9], $0x1000, $0x38;
	[tilespmem:$0x1F1F8] =	vst v63  }
0xa9: {  	s9 =	sld [smem:$0x7F1]  }
0xaa: {  	[spmem:s4] =	stream.linear.scatter [tilespmem:s2], [sflag:$0x9], $0x1000, $0x38;
	[tilespmem:$0x1F1F8] =	vst v63  }
0xab: {  	s12 =	sld [smem:$0x7F2]  }
0xac: {  	[spmem:s9] =	stream.linear.scatter [tilespmem:s2], [sflag:$0x9], $0x1000, $0x38;
	[tilespmem:$0x1F1F8] =	vst v63  }
0xad: {  	s14 =	sld [smem:$0x7F3]  }
0xae: {  	[spmem:s12] =	stream.linear.scatter [tilespmem:s2], [sflag:$0x9], $0x1000, $0x38;
	[tilespmem:$0x1F1F8] =	vst v63  }
0xaf: {  	s15 =	sld [smem:$0x7F4]  }
0xb0: {  	[spmem:s14] =	stream.linear.scatter [tilespmem:s2], [sflag:$0x9], $0x1000, $0x38;
	[tilespmem:$0x1F1F8] =	vst v63  }
0xb1: {  	s16 =	sld [smem:$0x7F5]  }
0xb2: {  	[spmem:s15] =	stream.linear.scatter [tilespmem:s2], [sflag:$0x9], $0x1000, $0x38;
	[tilespmem:$0x1F1F8] =	vst v63  }
0xb3: {  	s17 =	sld [smem:$0x7F6]  }
0xb4: {  	[spmem:s16] =	stream.linear.scatter [tilespmem:s2], [sflag:$0x9], $0x1000, $0x38;
	[tilespmem:$0x1F1F8] =	vst v63  }
0xb5: {  	s18 =	sld [smem:$0x7F7]  }
0xb6: {  	[spmem:s17] =	stream.linear.scatter [tilespmem:s2], [sflag:$0x9], $0x1000, $0x38;
	[tilespmem:$0x1F1F8] =	vst v63  }
0xb7: {  	s20 =	sld [smem:$0x7F8]  }
0xb8: {  	[spmem:s18] =	stream.linear.scatter [tilespmem:s2], [sflag:$0x9], $0x1000, $0x38;
	[tilespmem:$0x1F1F8] =	vst v63  }
0xb9: {  	s21 =	sld [smem:$0x7F9]  }
0xba: {  	[spmem:s20] =	stream.linear.scatter [tilespmem:s2], [sflag:$0x9], $0x1000, $0x38;
	[tilespmem:$0x1F1F8] =	vst v63  }
0xbb: {  	s25 =	sld [smem:$0x7FA]  }
0xbc: {  	[spmem:s21] =	stream.linear.scatter [tilespmem:s2], [sflag:$0x9], $0x1000, $0x38;
	[tilespmem:$0x1F1F8] =	vst v63  }
0xbd: {  	s0 =	sld [smem:$0x7FB]  }
0xbe: {  	[spmem:s25] =	stream.linear.scatter [tilespmem:s2], [sflag:$0x9], $0x1000, $0x38;
	[tilespmem:$0x1F1F8] =	vst v63  }
0xbf: {  	_ = 	snop  }
0xc0: {  	[spmem:s0] =	stream.linear.scatter [tilespmem:s2], [sflag:$0x9], $0x1000, $0x38;
	[tilespmem:$0x1F1F8] =	vst v63  }
0xc1: {  	s21 =	simm.s32 $0x9  }
0xc2: {  	[spmem:s11] =	stream.linear.scatter [tilespmem:s31], [sflag:$0xA], $0x280, $0x38;
	[tilespmem:$0x1F1F8] =	vst v63  }
0xc3: {  	_ =	swait.ge [sflag:s21], $0x1000  }
0xc4: {  	[sflag:s21] =	ssyncset.done $0x0  }
0xc5: {  	[sflag:s21] =	ssyncadd.s32 $0xFFFFF000  }
0xc6: {  	_ =	swait.ge [sflag:s21], $0x1000  }
0xc7: {  	[sflag:s21] =	ssyncset.done $0x0  }
0xc8: {  	[sflag:s21] =	ssyncadd.s32 $0xFFFFF000  }
0xc9: {  	_ =	swait.ge [sflag:s21], $0x1000  }
0xca: {  	[sflag:s21] =	ssyncset.done $0x0  }
0xcb: {  	[sflag:s21] =	ssyncadd.s32 $0xFFFFF000  }
0xcc: {  	_ =	swait.ge [sflag:s21], $0x1000  }
0xcd: {  	[sflag:s21] =	ssyncset.done $0x0  }
0xce: {  	[sflag:s21] =	ssyncadd.s32 $0xFFFFF000  }
0xcf: {  	_ =	swait.ge [sflag:s21], $0x1000  }
0xd0: {  	[sflag:s21] =	ssyncset.done $0x0  }
0xd1: {  	[sflag:s21] =	ssyncadd.s32 $0xFFFFF000  }
0xd2: {  	_ =	swait.ge [sflag:s21], $0x1000  }
0xd3: {  	[sflag:s21] =	ssyncset.done $0x0  }
0xd4: {  	[sflag:s21] =	ssyncadd.s32 $0xFFFFF000  }
0xd5: {  	_ =	swait.ge [sflag:s21], $0x1000  }
0xd6: {  	[sflag:s21] =	ssyncset.done $0x0  }
0xd7: {  	[sflag:s21] =	ssyncadd.s32 $0xFFFFF000  }
0xd8: {  	_ =	swait.ge [sflag:s21], $0x1000  }
0xd9: {  	[sflag:s21] =	ssyncset.done $0x0  }
0xda: {  	[sflag:s21] =	ssyncadd.s32 $0xFFFFF000  }
0xdb: {  	_ =	swait.ge [sflag:s21], $0x1000  }
0xdc: {  	[sflag:s21] =	ssyncset.done $0x0  }
0xdd: {  	[sflag:s21] =	ssyncadd.s32 $0xFFFFF000  }
0xde: {  	_ =	swait.ge [sflag:s21], $0x1000  }
0xdf: {  	[sflag:s21] =	ssyncset.done $0x0  }
0xe0: {  	[sflag:s21] =	ssyncadd.s32 $0xFFFFF000  }
0xe1: {  	_ =	swait.ge [sflag:s21], $0x1000  }
0xe2: {  	[sflag:s21] =	ssyncset.done $0x0  }
0xe3: {  	[sflag:s21] =	ssyncadd.s32 $0xFFFFF000  }
0xe4: {  	_ =	swait.ge [sflag:s21], $0x1000  }
0xe5: {  	[sflag:s21] =	ssyncset.done $0x0  }
0xe6: {  	[sflag:s21] =	ssyncadd.s32 $0xFFFFF000  }
0xe7: {  	_ =	swait.ge [sflag:s21], $0x1000  }
0xe8: {  	[sflag:s21] =	ssyncset.done $0x0  }
0xe9: {  	[sflag:s21] =	ssyncadd.s32 $0xFFFFF000  }
0xea: {  	_ =	swait.ge [sflag:s21], $0x1000  }
0xeb: {  	[sflag:s21] =	ssyncset.done $0x0  }
0xec: {  	[sflag:s21] =	ssyncadd.s32 $0xFFFFF000  }
0xed: {  	_ =	swait.ge [sflag:s21], $0x1000  }
0xee: {  	[sflag:s21] =	ssyncset.done $0x0  }
0xef: {  	[sflag:s21] =	ssyncadd.s32 $0xFFFFF000  }
0xf0: {  	_ =	swait.ge [sflag:s21], $0x1000  }
0xf1: {  	[sflag:s21] =	ssyncset.done $0x0  }
0xf2: {  	[sflag:s21] =	ssyncadd.s32 $0xFFFFF000  }
0xf3: {  	_ =	swait.ge [sflag:s21], $0x1000  }
0xf4: {  	[sflag:s21] =	ssyncset.done $0x0  }
0xf5: {  	[sflag:s21] =	ssyncadd.s32 $0xFFFFF000  }
0xf6: {  	_ =	swait.ge [sflag:s21], $0x1000  }
0xf7: {  	[sflag:s21] =	ssyncset.done $0x0  }
0xf8: {  	[sflag:s21] =	ssyncadd.s32 $0xFFFFF000  }
0xf9: {  	_ =	swait.ge [sflag:s21], $0x1000  }
0xfa: {  	[sflag:s21] =	ssyncset.done $0x0  }
0xfb: {  	[sflag:s21] =	ssyncadd.s32 $0xFFFFF000  }
0xfc: {  	_ =	swait.ge [sflag:s21], $0x1000  }
0xfd: {  	[sflag:s21] =	ssyncset.done $0x0  }
0xfe: {  	s4 =	simm.s32 $0xA;
	[sflag:s21] =	ssyncadd.s32 $0xFFFFF000  }
0xff: {  	_ =	swait.ge [sflag:s4], $0x280  }
0x100: {  	[sflag:s4] =	ssyncset.done $0x0  }
0x101: {  	[sflag:s4] =	ssyncadd.s32 $0xFFFFFD80  }
0x102: {  	s29 =	simm.s32 $0x5;
	[bflag:$0x0] =	sbarrier.arrive $0xFFFF  }
0x103: {  	_ =	swait.ge [sflag:s29], $0x2800  }
0x104: {  	[sflag:s29] =	ssyncset.done $0x0  }
0x105: {  	s12 =	simm.s32 $0x1EA80;
	[sflag:s29] =	ssyncadd.s32 $0xFFFFD800  }
0x106: {  	[spmem:s5] =	stream.indirect.scatter.add.f32 [tilespmem:s22], [sflag:$0x9], $0x80, s12, s24, $0xb8;
	[tilespmem:$0x1F1F8] =	vst v63  }
0x107: {  	s30 =	simm.s32 $0x6  }
0x108: {  	[spmem:s13] =	stream.indirect.scatter.add.f32 [tilespmem:s7], [sflag:$0xD], $0x1, s12, s24, $0xb8;
	[tilespmem:$0x1F1F8] =	vst v63  }
0x109: {  	_ =	swait.ge [sflag:s30], $0x2800  }
0x10a: {  	[sflag:s30] =	ssyncset.done $0x0  }
0x10b: {  	s17 =	simm.s32 $0x1EB00;
	[sflag:s30] =	ssyncadd.s32 $0xFFFFD800  }
0x10c: {  	[spmem:s5] =	stream.indirect.scatter.add.f32 [tilespmem:s26], [sflag:$0xA], $0x80, s17, s24, $0xb8;
	[tilespmem:$0x1F1F8] =	vst v63  }
0x10d: {  	_ = 	snop  }
0x10e: {  	[spmem:s13] =	stream.indirect.scatter.add.f32 [tilespmem:s7], [sflag:$0xE], $0x1, s17, s24, $0xb8;
	[tilespmem:$0x1F1F8] =	vst v63  }
0x10f: {  	_ =	swait.ge [sflag:s21], $0x2800  }
0x110: {  	[sflag:s21] =	ssyncset.done $0x0  }
0x111: {  	s0 =	simm.s32 $0xD;
	[sflag:s21] =	ssyncadd.s32 $0xFFFFD800  }
0x112: {  	_ =	swait.ge [sflag:s0], $0x50  }
0x113: {  	[sflag:s0] =	ssyncset.done $0x0  }
0x114: {  	[sflag:s0] =	ssyncadd.s32 $0xFFFFFFB0  }
0x115: {  	_ =	swait.ge [sflag:s4], $0x2800  }
0x116: {  	[sflag:s4] =	ssyncset.done $0x0  }
0x117: {  	s7 =	simm.s32 $0xE;
	[sflag:s4] =	ssyncadd.s32 $0xFFFFD800  }
0x118: {  	_ =	swait.ge [sflag:s7], $0x50  }
0x119: {  	s11 =	sld [smem:$0x7ED];
	_ =	sdelay $0x2  }
0x11a: {  	s15 =	simm.s32 $0x1E880;
	[sflag:s7] =	ssyncset.done $0x0;
	s14 =	sshrl.u32 s11, $0x3  }
0x11b: {  	s9 =	rddreg [dreg:$0xd];
	[sflag:s7] =	ssyncadd.s32 $0xFFFFFFB0;
	s1 =	sadd.s32 s19, s14  }
0x11c: {  	[tilespmem:s15], [sflag:$0x1] =	stream.linear.gather [hbm4b:s1+s6], $0x50, $0x38;
	[tilespmem:$0x1F1F8] =	vst v63  }
0x11d: {  	s16 =	rddreg [dreg:$0xb];
	s9 =	sadd.s32 $0x0, s9  }
0x11e: {  	[tilespmem:s12], [sflag:$0x1] =	stream.linear.gather [hbm4b:s9+s6], $0x50, $0x38;
	[tilespmem:$0x1F1F8] =	vst v63  }
0x11f: {  	s20 =	simm.s32 $0x1E900;
	s18 =	rddreg [dreg:$0xc];
	s1 =	sadd.s32 $0x0, s16  }
0x120: {  	[tilespmem:s20], [sflag:$0x2] =	stream.linear.gather [hbm4b:s1+s6], $0x50, $0x38;
	[tilespmem:$0x1F1F8] =	vst v63  }
0x121: {  	s25 =	sadd.s32 $0x0, s18  }
0x122: {  	[tilespmem:s17], [sflag:$0x2] =	stream.linear.gather [hbm4b:s25+s6], $0x50, $0x38;
	[tilespmem:$0x1F1F8] =	vst v63  }
0x123: {  	_ =	swait.ge [sflag:s23], $0x50  }
0x124: {  	[sflag:s23] =	ssyncset.done $0x0  }
0x125: {  	[sflag:s23] =	ssyncadd.s32 $0xFFFFFFB0  }
0x126: {  	_ =	swait.ge [sflag:s23], $0x50  }
0x127: {  	[sflag:s23] =	ssyncset.done $0x0  }
0x128: {  	s31 =	simm.s32 $0x14880;
	[sflag:s23] =	ssyncadd.s32 $0xFFFFFFB0  }
0x129: {  	[tilespmem:s31], [sflag:$0x5] =	stream.indirect.gather [hbm4b:s3+s24], $0x80, s15, s24, $0xb8;
	[tilespmem:$0x1F1F8] =	vst v63  }
0x12a: {  	_ =	swait.ge [sflag:s28], $0x50  }
0x12b: {  	[sflag:s28] =	ssyncset.done $0x0  }
0x12c: {  	[sflag:s28] =	ssyncadd.s32 $0xFFFFFFB0  }
0x12d: {  	_ =	swait.ge [sflag:s28], $0x50  }
0x12e: {  	[sflag:s28] =	ssyncset.done $0x0  }
0x12f: {  	s26 =	simm.s32 $0x7;
	s4 =	simm.s32 $0x17080;
	[sflag:s28] =	ssyncadd.s32 $0xFFFFFFB0  }
0x130: {  	[tilespmem:s4], [sflag:$0x6] =	stream.indirect.gather [hbm4b:s3+s24], $0x80, s20, s24, $0xb8;
	[tilespmem:$0x1F1F8] =	vst v63  }
0x131: {  	_ =	swait.ge [sflag:s26], $0x2800  }
0x132: {  	[sflag:s26] =	ssyncset.done $0x0  }
0x133: {  	s15 =	simm.s32 $0x1EB80;
	s20 =	simm.s32 $0x19880;
	[sflag:s26] =	ssyncadd.s32 $0xFFFFD800  }
0x134: {  	[spmem:s5] =	stream.indirect.scatter.add.f32 [tilespmem:s20], [sflag:$0xB], $0x80, s15, s24, $0xb8;
	[tilespmem:$0x1F1F8] =	vst v63  }
0x135: {  	s22 =	simm.s32 $0x1F178;
	s14 =	simm.s32 $0x8  }
0x136: {  	[spmem:s13] =	stream.indirect.scatter.add.f32 [tilespmem:s22], [sflag:$0xF], $0x1, s15, s24, $0xb8;
	[tilespmem:$0x1F1F8] =	vst v63  }
0x137: {  	_ =	swait.ge [sflag:s14], $0x2800  }
0x138: {  	[sflag:s14] =	ssyncset.done $0x0  }
0x139: {  	s2 =	simm.s32 $0x1EC00;
	s16 =	simm.s32 $0x1C080;
	[sflag:s14] =	ssyncadd.s32 $0xFFFFD800  }
0x13a: {  	[spmem:s5] =	stream.indirect.scatter.add.f32 [tilespmem:s16], [sflag:$0xC], $0x80, s2, s24, $0xb8;
	[tilespmem:$0x1F1F8] =	vst v63  }
0x13b: {  	s18 =	simm.s32 $0xB  }
0x13c: {  	[spmem:s13] =	stream.indirect.scatter.add.f32 [tilespmem:s22], [sflag:$0x10], $0x1, s2, s24, $0xb8;
	[tilespmem:$0x1F1F8] =	vst v63  }
0x13d: {  	_ =	swait.ge [sflag:s18], $0x2800  }
0x13e: {  	[sflag:s18] =	ssyncset.done $0x0  }
0x13f: {  	s26 =	simm.s32 $0xF;
	[sflag:s18] =	ssyncadd.s32 $0xFFFFD800  }
0x140: {  	_ =	swait.ge [sflag:s26], $0x50  }
0x141: {  	[sflag:s26] =	ssyncset.done $0x0  }
0x142: {  	s1 =	simm.s32 $0xC;
	[sflag:s26] =	ssyncadd.s32 $0xFFFFFFB0  }
0x143: {  	_ =	swait.ge [sflag:s1], $0x2800  }
0x144: {  	[sflag:s1] =	ssyncset.done $0x0  }
0x145: {  	s25 =	simm.s32 $0x10;
	[sflag:s1] =	ssyncadd.s32 $0xFFFFD800  }
0x146: {  	_ =	swait.ge [sflag:s25], $0x50  }
0x147: {  	s4 =	rddreg [dreg:$0x7]  }
0x148: {  	[sflag:s25] =	ssyncset.done $0x0;
	s7 =	rddreg [dreg:$0x8]  }
0x149: {  	[sflag:s25] =	ssyncadd.s32 $0xFFFFFFB0;
	s1 =	sadd.s32 $0x0, s4;
	s4 =	simm.s32 $0x1E980  }
0x14a: {  	[tilespmem:s4], [sflag:$0x3] =	stream.linear.gather [hbm4b:s1+s6], $0x50, $0x38;
	[tilespmem:$0x1F1F8] =	vst v63  }
0x14b: {  	s0 =	rddreg [dreg:$0x9];
	s9 =	sadd.s32 $0x0, s7  }
0x14c: {  	[tilespmem:s15], [sflag:$0x3] =	stream.linear.gather [hbm4b:s9+s6], $0x50, $0x38;
	[tilespmem:$0x1F1F8] =	vst v63  }
0x14d: {  	s7 =	rddreg [dreg:$0xa];
	s1 =	sadd.s32 $0x0, s0;
	s0 =	simm.s32 $0x1EA00  }
0x14e: {  	[tilespmem:s0], [sflag:$0x4] =	stream.linear.gather [hbm4b:s1+s6], $0x50, $0x38;
	[tilespmem:$0x1F1F8] =	vst v63  }
0x14f: {  	s9 =	sadd.s32 $0x0, s7  }
0x150: {  	[tilespmem:s2], [sflag:$0x4] =	stream.linear.gather [hbm4b:s9+s6], $0x50, $0x38;
	[tilespmem:$0x1F1F8] =	vst v63  }
0x151: {  	_ =	swait.ge [sflag:s8], $0x50  }
0x152: {  	[sflag:s8] =	ssyncset.done $0x0  }
0x153: {  	[sflag:s8] =	ssyncadd.s32 $0xFFFFFFB0  }
0x154: {  	_ =	swait.ge [sflag:s8], $0x50  }
0x155: {  	[sflag:s8] =	ssyncset.done $0x0  }
0x156: {  	[sflag:s8] =	ssyncadd.s32 $0xFFFFFFB0  }
0x157: {  	[tilespmem:s20], [sflag:$0x7] =	stream.indirect.gather [hbm4b:s3+s24], $0x80, s4, s24, $0xb8;
	[tilespmem:$0x1F1F8] =	vst v63  }
0x158: {  	_ =	swait.ge [sflag:s10], $0x50  }
0x159: {  	[sflag:s10] =	ssyncset.done $0x0  }
0x15a: {  	[sflag:s10] =	ssyncadd.s32 $0xFFFFFFB0  }
0x15b: {  	_ =	swait.ge [sflag:s10], $0x50  }
0x15c: {  	[sflag:s10] =	ssyncset.done $0x0  }
0x15d: {  	[sflag:s10] =	ssyncadd.s32 $0xFFFFFFB0  }
0x15e: {  	[tilespmem:s16], [sflag:$0x8] =	stream.indirect.gather [hbm4b:s3+s24], $0x80, s0, s24, $0xb8;
	[tilespmem:$0x1F1F8] =	vst v63  }
0x15f: {  	_ =	swait.ge [sflag:s29], $0x2800  }
0x160: {  	[sflag:s29] =	ssyncset.done $0x0  }
0x161: {  	[sflag:s29] =	ssyncadd.s32 $0xFFFFD800  }
0x162: {  	[spmem:s5] =	stream.indirect.scatter.add.f32 [tilespmem:s31], [sflag:$0x9], $0x80, s12, s24, $0xb8;
	[tilespmem:$0x1F1F8] =	vst v63  }
0x163: {  	s23 =	simm.s32 $0x17080  }
0x164: {  	[spmem:s13] =	stream.indirect.scatter.add.f32 [tilespmem:s22], [sflag:$0xD], $0x1, s12, s24, $0xb8;
	[tilespmem:$0x1F1F8] =	vst v63  }
0x165: {  	s28 =	simm.s32 $0x1;
	s8 =	simm.s32 $0x2;
	_ =	swait.ge [sflag:s30], $0x2800  }
0x166: {  	s10 =	simm.s32 $0x3;
	s0 =	simm.s32 $0x4;
	[sflag:s30] =	ssyncset.done $0x0  }
0x167: {  	s29 =	simm.s32 $0x28;
	[sflag:s30] =	ssyncadd.s32 $0xFFFFD800;
	s30 =	sadd.s32 $0x140, s11  }
0x168: {  	[spmem:s5] =	stream.indirect.scatter.add.f32 [tilespmem:s23], [sflag:$0xA], $0x80, s17, s24, $0xb8;
	[tilespmem:$0x1F1F8] =	vst v63  }
.LBB2_4:
0x169: {  	s23 =	simm.s32 $0x1EB00  }
0x16a: {  	[spmem:s13] =	stream.indirect.scatter.add.f32 [tilespmem:s22], [sflag:$0xE], $0x1, s23, s24, $0xb8;
	[tilespmem:$0x1F1F8] =	vst v63  }
0x16b: {  	_ =	swait.ge [sflag:s21], $0x2800  }
0x16c: {  	[sflag:s21] =	ssyncset.done $0x0  }
0x16d: {  	s4 =	simm.s32 $0xD;
	[sflag:s21] =	ssyncadd.s32 $0xFFFFD800  }
0x16e: {  	_ =	swait.ge [sflag:s4], $0x50  }
0x16f: {  	[sflag:s4] =	ssyncset.done $0x0  }
0x170: {  	s21 =	simm.s32 $0xA;
	[sflag:s4] =	ssyncadd.s32 $0xFFFFFFB0  }
0x171: {  	_ =	swait.ge [sflag:s21], $0x2800  }
0x172: {  	[sflag:s21] =	ssyncset.done $0x0  }
0x173: {  	s31 =	simm.s32 $0xE;
	[sflag:s21] =	ssyncadd.s32 $0xFFFFD800  }
0x174: {  	s1 =	smov.u32 s29;
	s9 =	sshrl.u32 s30, $0x3;
	_ =	swait.ge [sflag:s31], $0x50  }
0x175: {  	s12 =	simm.s32 $0x1EA80;
	s9 =	sadd.s32 s19, s9;
	[sflag:s31] =	ssyncset.done $0x0  }
0x176: {  	s11 =	rddreg [dreg:$0xd];
	[sflag:s31] =	ssyncadd.s32 $0xFFFFFFB0;
	s31 =	simm.s32 $0x1E880  }
0x177: {  	[tilespmem:s31], [sflag:$0x1] =	stream.linear.gather [hbm4b:s9+s6], $0x50, $0x38;
	[tilespmem:$0x1F1F8] =	vst v63  }
0x178: {  	s20 =	simm.s32 $0x1E900;
	s7 =	rddreg [dreg:$0xb];
	s16 =	sadd.s32 s1, s11  }
0x179: {  	[tilespmem:s12], [sflag:$0x1] =	stream.linear.gather [hbm4b:s16+s6], $0x50, $0x38;
	[tilespmem:$0x1F1F8] =	vst v63  }
0x17a: {  	s21 =	smov.u32 s19;
	s17 =	rddreg [dreg:$0xc];
	s19 =	sadd.s32 s1, s7  }
0x17b: {  	[tilespmem:s20], [sflag:$0x2] =	stream.linear.gather [hbm4b:s19+s6], $0x50, $0x38;
	[tilespmem:$0x1F1F8] =	vst v63  }
0x17c: {  	s4 =	sadd.s32 s1, s17  }
0x17d: {  	[tilespmem:s23], [sflag:$0x2] =	stream.linear.gather [hbm4b:s4+s6], $0x50, $0x38;
	[tilespmem:$0x1F1F8] =	vst v63  }
0x17e: {  	_ =	swait.ge [sflag:s28], $0x50  }
0x17f: {  	[sflag:s28] =	ssyncset.done $0x0  }
0x180: {  	[sflag:s28] =	ssyncadd.s32 $0xFFFFFFB0  }
0x181: {  	_ =	swait.ge [sflag:s28], $0x50  }
0x182: {  	[sflag:s28] =	ssyncset.done $0x0  }
0x183: {  	s4 =	simm.s32 $0x14880;
	[sflag:s28] =	ssyncadd.s32 $0xFFFFFFB0  }
0x184: {  	[tilespmem:s4], [sflag:$0x5] =	stream.indirect.gather [hbm4b:s3+s24], $0x80, s31, s24, $0xb8;
	[tilespmem:$0x1F1F8] =	vst v63  }
0x185: {  	_ =	swait.ge [sflag:s8], $0x50  }
0x186: {  	[sflag:s8] =	ssyncset.done $0x0  }
0x187: {  	[sflag:s8] =	ssyncadd.s32 $0xFFFFFFB0  }
0x188: {  	_ =	swait.ge [sflag:s8], $0x50  }
0x189: {  	[sflag:s8] =	ssyncset.done $0x0  }
0x18a: {  	s7 =	simm.s32 $0x7;
	s31 =	simm.s32 $0x17080;
	[sflag:s8] =	ssyncadd.s32 $0xFFFFFFB0  }
0x18b: {  	[tilespmem:s31], [sflag:$0x6] =	stream.indirect.gather [hbm4b:s3+s24], $0x80, s20, s24, $0xb8;
	[tilespmem:$0x1F1F8] =	vst v63  }
0x18c: {  	_ =	swait.ge [sflag:s7], $0x2800  }
0x18d: {  	[sflag:s7] =	ssyncset.done $0x0  }
0x18e: {  	s20 =	simm.s32 $0x19880;
	[sflag:s7] =	ssyncadd.s32 $0xFFFFD800  }
0x18f: {  	[spmem:s5] =	stream.indirect.scatter.add.f32 [tilespmem:s20], [sflag:$0xB], $0x80, s15, s24, $0xb8;
	[tilespmem:$0x1F1F8] =	vst v63  }
0x190: {  	_ = 	snop  }
0x191: {  	[spmem:s13] =	stream.indirect.scatter.add.f32 [tilespmem:s22], [sflag:$0xF], $0x1, s15, s24, $0xb8;
	[tilespmem:$0x1F1F8] =	vst v63  }
0x192: {  	_ =	swait.ge [sflag:s14], $0x2800  }
0x193: {  	[sflag:s14] =	ssyncset.done $0x0  }
0x194: {  	s16 =	simm.s32 $0x1C080;
	[sflag:s14] =	ssyncadd.s32 $0xFFFFD800  }
0x195: {  	[spmem:s5] =	stream.indirect.scatter.add.f32 [tilespmem:s16], [sflag:$0xC], $0x80, s2, s24, $0xb8;
	[tilespmem:$0x1F1F8] =	vst v63  }
0x196: {  	_ = 	snop  }
0x197: {  	[spmem:s13] =	stream.indirect.scatter.add.f32 [tilespmem:s22], [sflag:$0x10], $0x1, s2, s24, $0xb8;
	[tilespmem:$0x1F1F8] =	vst v63  }
0x198: {  	_ =	swait.ge [sflag:s18], $0x2800  }
0x199: {  	[sflag:s18] =	ssyncset.done $0x0  }
0x19a: {  	[sflag:s18] =	ssyncadd.s32 $0xFFFFD800  }
0x19b: {  	_ =	swait.ge [sflag:s26], $0x50  }
0x19c: {  	[sflag:s26] =	ssyncset.done $0x0  }
0x19d: {  	s7 =	simm.s32 $0xC;
	[sflag:s26] =	ssyncadd.s32 $0xFFFFFFB0  }
0x19e: {  	_ =	swait.ge [sflag:s7], $0x2800  }
0x19f: {  	[sflag:s7] =	ssyncset.done $0x0  }
0x1a0: {  	[sflag:s7] =	ssyncadd.s32 $0xFFFFD800  }
0x1a1: {  	_ =	swait.ge [sflag:s25], $0x50  }
0x1a2: {  	s7 =	simm.s32 $0x1E980;
	s11 =	rddreg [dreg:$0x7];
	[sflag:s25] =	ssyncset.done $0x0  }
0x1a3: {  	s17 =	rddreg [dreg:$0x8];
	[sflag:s25] =	ssyncadd.s32 $0xFFFFFFB0;
	s9 =	sadd.s32 s1, s11  }
0x1a4: {  	[tilespmem:s7], [sflag:$0x3] =	stream.linear.gather [hbm4b:s9+s6], $0x50, $0x38;
	[tilespmem:$0x1F1F8] =	vst v63  }
0x1a5: {  	s19 =	rddreg [dreg:$0x9];
	s17 =	sadd.s32 s1, s17  }
0x1a6: {  	[tilespmem:s15], [sflag:$0x3] =	stream.linear.gather [hbm4b:s17+s6], $0x50, $0x38;
	[tilespmem:$0x1F1F8] =	vst v63  }
0x1a7: {  	s11 =	rddreg [dreg:$0xa];
	s9 =	sadd.s32 s1, s19;
	s17 =	simm.s32 $0x1EA00  }
0x1a8: {  	[tilespmem:s17], [sflag:$0x4] =	stream.linear.gather [hbm4b:s9+s6], $0x50, $0x38;
	[tilespmem:$0x1F1F8] =	vst v63  }
0x1a9: {  	s1 =	sadd.s32 s1, s11  }
0x1aa: {  	[tilespmem:s2], [sflag:$0x4] =	stream.linear.gather [hbm4b:s1+s6], $0x50, $0x38;
	[tilespmem:$0x1F1F8] =	vst v63  }
0x1ab: {  	_ =	swait.ge [sflag:s10], $0x50  }
0x1ac: {  	[sflag:s10] =	ssyncset.done $0x0  }
0x1ad: {  	[sflag:s10] =	ssyncadd.s32 $0xFFFFFFB0  }
0x1ae: {  	_ =	swait.ge [sflag:s10], $0x50  }
0x1af: {  	[sflag:s10] =	ssyncset.done $0x0  }
0x1b0: {  	[sflag:s10] =	ssyncadd.s32 $0xFFFFFFB0  }
0x1b1: {  	[tilespmem:s20], [sflag:$0x7] =	stream.indirect.gather [hbm4b:s3+s24], $0x80, s7, s24, $0xb8;
	[tilespmem:$0x1F1F8] =	vst v63  }
0x1b2: {  	_ =	swait.ge [sflag:s0], $0x50  }
0x1b3: {  	[sflag:s0] =	ssyncset.done $0x0  }
0x1b4: {  	[sflag:s0] =	ssyncadd.s32 $0xFFFFFFB0  }
0x1b5: {  	_ =	swait.ge [sflag:s0], $0x50  }
0x1b6: {  	[sflag:s0] =	ssyncset.done $0x0  }
0x1b7: {  	[sflag:s0] =	ssyncadd.s32 $0xFFFFFFB0  }
0x1b8: {  	[tilespmem:s16], [sflag:$0x8] =	stream.indirect.gather [hbm4b:s3+s24], $0x80, s17, s24, $0xb8;
	[tilespmem:$0x1F1F8] =	vst v63  }
0x1b9: {  	s17 =	simm.s32 $0x5  }
0x1ba: {  	_ =	swait.ge [sflag:s17], $0x2800  }
0x1bb: {  	[sflag:s17] =	ssyncset.done $0x0  }
0x1bc: {  	[sflag:s17] =	ssyncadd.s32 $0xFFFFD800  }
0x1bd: {  	[spmem:s5] =	stream.indirect.scatter.add.f32 [tilespmem:s4], [sflag:$0x9], $0x80, s12, s24, $0xb8;
	[tilespmem:$0x1F1F8] =	vst v63  }
0x1be: {  	p0 =	sne.s32 s29, $0x488  }
0x1bf: {  	[spmem:s13] =	stream.indirect.scatter.add.f32 [tilespmem:s22], [sflag:$0xD], $0x1, s12, s24, $0xb8;
	[tilespmem:$0x1F1F8] =	vst v63  }
.Ltmp1:
0x1c0: {  	s29 =	sadd.s32 $0x28, s29;
	s20 =	simm.s32 $0x6;
	(pc) =	sbr.rel @p0 .LBB2_4-.Ltmp1, $4  }
0x1c1: {  	s30 =	sadd.s32 $0x140, s30;
	s19 =	smov.u32 s21;
	_ =	swait.ge [sflag:s20], $0x2800  }
0x1c2: {  	s21 =	simm.s32 $0x9;
	s11 =	simm.s32 $0x1C080;
	[sflag:s20] =	ssyncset.done $0x0  }
0x1c3: {  	s9 =	simm.s32 $0x19880;
	s1 =	simm.s32 $0x1EB00;
	[sflag:s20] =	ssyncadd.s32 $0xFFFFD800  }
0x1c4: {  	[spmem:s5] =	stream.indirect.scatter.add.f32 [tilespmem:s31], [sflag:$0xA], $0x80, s23, s24, $0xb8;
	[tilespmem:$0x1F1F8] =	vst v63  }
0x1c5: {  	[spmem:s13] =	stream.indirect.scatter.add.f32 [tilespmem:s22], [sflag:$0xE], $0x1, s1, s24, $0xb8;
	[tilespmem:$0x1F1F8] =	vst v63  }
0x1c6: {  	s12 =	simm.s32 $0x7  }
0x1c7: {  	_ =	swait.ge [sflag:s12], $0x2800  }
0x1c8: {  	[sflag:s12] =	ssyncset.done $0x0  }
0x1c9: {  	[sflag:s12] =	ssyncadd.s32 $0xFFFFD800  }
0x1ca: {  	[spmem:s5] =	stream.indirect.scatter.add.f32 [tilespmem:s9], [sflag:$0xB], $0x80, s15, s24, $0xb8;
	[tilespmem:$0x1F1F8] =	vst v63  }
0x1cb: {  	_ = 	snop  }
0x1cc: {  	[spmem:s13] =	stream.indirect.scatter.add.f32 [tilespmem:s22], [sflag:$0xF], $0x1, s15, s24, $0xb8;
	[tilespmem:$0x1F1F8] =	vst v63  }
0x1cd: {  	_ =	swait.ge [sflag:s14], $0x2800  }
0x1ce: {  	[sflag:s14] =	ssyncset.done $0x0  }
0x1cf: {  	[sflag:s14] =	ssyncadd.s32 $0xFFFFD800  }
0x1d0: {  	[spmem:s5] =	stream.indirect.scatter.add.f32 [tilespmem:s11], [sflag:$0xC], $0x80, s2, s24, $0xb8;
	[tilespmem:$0x1F1F8] =	vst v63  }
0x1d1: {  	_ = 	snop  }
0x1d2: {  	[spmem:s13] =	stream.indirect.scatter.add.f32 [tilespmem:s22], [sflag:$0x10], $0x1, s2, s24, $0xb8;
	[tilespmem:$0x1F1F8] =	vst v63  }
0x1d3: {  	_ =	swait.ge [sflag:s21], $0x2800  }
0x1d4: {  	[sflag:s21] =	ssyncset.done $0x0  }
0x1d5: {  	s4 =	simm.s32 $0xD;
	[sflag:s21] =	ssyncadd.s32 $0xFFFFD800  }
0x1d6: {  	_ =	swait.ge [sflag:s4], $0x50  }
0x1d7: {  	[sflag:s4] =	ssyncset.done $0x0  }
0x1d8: {  	s9 =	simm.s32 $0xA;
	[sflag:s4] =	ssyncadd.s32 $0xFFFFFFB0  }
0x1d9: {  	_ =	swait.ge [sflag:s9], $0x2800  }
0x1da: {  	[sflag:s9] =	ssyncset.done $0x0  }
0x1db: {  	s10 =	simm.s32 $0xE;
	[sflag:s9] =	ssyncadd.s32 $0xFFFFD800  }
0x1dc: {  	_ =	swait.ge [sflag:s10], $0x50  }
0x1dd: {  	[sflag:s10] =	ssyncset.done $0x0  }
0x1de: {  	[sflag:s10] =	ssyncadd.s32 $0xFFFFFFB0  }
0x1df: {  	_ =	swait.ge [sflag:s18], $0x2800  }
0x1e0: {  	[sflag:s18] =	ssyncset.done $0x0  }
0x1e1: {  	[sflag:s18] =	ssyncadd.s32 $0xFFFFD800  }
0x1e2: {  	_ =	swait.ge [sflag:s26], $0x50  }
0x1e3: {  	[sflag:s26] =	ssyncset.done $0x0  }
0x1e4: {  	s0 =	simm.s32 $0xC;
	[sflag:s26] =	ssyncadd.s32 $0xFFFFFFB0  }
0x1e5: {  	_ =	swait.ge [sflag:s0], $0x2800  }
0x1e6: {  	[sflag:s0] =	ssyncset.done $0x0  }
0x1e7: {  	[sflag:s0] =	ssyncadd.s32 $0xFFFFD800  }
0x1e8: {  	_ =	swait.ge [sflag:s25], $0x50  }
0x1e9: {  	s11 =	sld [smem:$0x7FC]  }
0x1ea: {  	[sflag:s25] =	ssyncset.done $0x0  }
0x1eb: {  	s14 =	simm.s32 $0x1E880;
	s15 =	sld [smem:$0x7FD];
	[sflag:s25] =	ssyncadd.s32 $0xFFFFFFB0  }
0x1ec: {  	[tilespmem:s14], [sflag:$0x1] =	stream.linear.gather [hbm4b:s11+s6], $0x50, $0x38;
	[tilespmem:$0x1F1F8] =	vst v63  }
0x1ed: {  	s16 =	simm.s32 $0x1EA80  }
0x1ee: {  	[tilespmem:s16], [sflag:$0x1] =	stream.linear.gather [hbm4b:s15+s6], $0x50, $0x38;
	[tilespmem:$0x1F1F8] =	vst v63  }
0x1ef: {  	_ =	swait.ge [sflag:s28], $0x50  }
0x1f0: {  	[sflag:s28] =	ssyncset.done $0x0  }
0x1f1: {  	[sflag:s28] =	ssyncadd.s32 $0xFFFFFFB0  }
0x1f2: {  	_ =	swait.ge [sflag:s28], $0x50  }
0x1f3: {  	[sflag:s28] =	ssyncset.done $0x0  }
0x1f4: {  	s17 =	simm.s32 $0x14880;
	s18 =	simm.s32 $0x5;
	[sflag:s28] =	ssyncadd.s32 $0xFFFFFFB0  }
0x1f5: {  	[tilespmem:s17], [sflag:$0x5] =	stream.indirect.gather [hbm4b:s3+s24], $0x80, s14, s24, $0xb8;
	[tilespmem:$0x1F1F8] =	vst v63  }
0x1f6: {  	_ =	swait.ge [sflag:s18], $0x2800  }
0x1f7: {  	[sflag:s18] =	ssyncset.done $0x0  }
0x1f8: {  	[sflag:s18] =	ssyncadd.s32 $0xFFFFD800  }
0x1f9: {  	[spmem:s5] =	stream.indirect.scatter.add.f32 [tilespmem:s17], [sflag:$0x9], $0x80, s16, s24, $0xb8;
	[tilespmem:$0x1F1F8] =	vst v63  }
0x1fa: {  	_ =	swait.ge [sflag:s21], $0x2800  }
0x1fb: {  	[sflag:s21] =	ssyncset.done $0x0  }
0x1fc: {  	[sflag:s21] =	ssyncadd.s32 $0xFFFFD800  }
0x1fd: {  	[spmem:s13] =	stream.indirect.scatter.add.f32 [tilespmem:s22], [sflag:$0xD], $0x1, s16, s24, $0xb8;
	[tilespmem:$0x1F1F8] =	vst v63  }
0x1fe: {  	_ =	swait.ge [sflag:s4], $0x50  }
0x1ff: {  	[sflag:s4] =	ssyncset.done $0x0  }
0x200: {  	[sflag:s4] =	ssyncadd.s32 $0xFFFFFFB0  }
0x201: {  	s22 =	stileid.u32;
	[bflag:$0x0] =	sbarrier.arrive $0xFFFF  }
0x202: {  	s1 =	sshll.u32 s22, $0x6;
	s21 =	rddreg [dreg:$0x16]  }
0x203: {  	s1 =	sor.u32 $0x1C05, s1;
	s25 =	rddreg [dreg:$0x1e];
	s23 =	sshrl.u32 s21, $0x3  }
0x204: {  	[hbm:s25], [sflag:s1] =	dma.local [spmem:s23], $0x2800  }
0x205: {  	s31 =	simm.s32 $0x1EEF8;
	s26 =	simm.s32 $0x6;
	s11 =	rddreg [dreg:$0x1d]  }
0x206: {  	[tilespmem:s31], [sflag:$0x6] =	stream.linear.gather [spmem:s11], $0x280, $0x38;
	[tilespmem:$0x1F1F8] =	vst v63  }
0x207: {  	_ =	swait.ge [sflag:s26], $0x280  }
0x208: {  	[sflag:s26] =	ssyncset.done $0x0  }
0x209: {  	s29 =	rddreg [dreg:$0x1a];
	[sflag:s26] =	ssyncadd.s32 $0xFFFFFD80  }
0x20a: {  	[hbm4b:s29+s6] =	stream.linear.scatter [tilespmem:s31], [sflag:$0x7], $0x280, $0x38;
	[tilespmem:$0x1F1F8] =	vst v63  }
0x20b: {  	_ =	swait.ge [sflag:s12], $0x280  }
0x20c: {  	[sflag:s12] =	ssyncset.done $0x0  }
0x20d: {  	[sflag:s12] =	ssyncadd.s32 $0xFFFFFD80  }
0x20e: {  	_ =	swait.ge [sflag:s18], $0x2800  }
0x20f: {  	s20 =	sld [smem:$0x7EC]  }
0x210: {  	s7 =	simm.s32 $0x1F178  }
0x211: {  	s8 =	simm.s32 $0x3;
	s2 =	simm.s32 $0x1EC00;
	s9 =	simm.s32 $0x1E880  }
0x212: {  	s10 =	simm.s32 $0x4;
	s30 =	rddreg [dreg:$0x1f];
	s20 =	sadd.s32 $0x1, s20  }
0x213: {  	s0 =	smov.u32 s3;
	s15 =	simm.s32 $0x1EB80;
	p0 =	sne.s32 s20, s30  }
.Ltmp2:
0x214: {  	s28 =	simm.s32 $0x2;
	s14 =	simm.s32 $0x1C080;
	(pc) =	sbr.rel @p0 .LBB2_1-.Ltmp2, $4  }
0x215: {  	s3 =	smov.u32 s13;
	s17 =	simm.s32 $0x1EB00;
	s16 =	simm.s32 $0x1E900  }
0x216: {  	s22 =	simm.s32 $0x14880;
	s4 =	simm.s32 $0x1EA80;
	s25 =	simm.s32 $0x1E980  }
0x217: {  	s23 =	simm.s32 $0x1;
	s26 =	simm.s32 $0x17080;
	[sflag:s18] =	ssyncset.done $0x0  }
0x218: {  	s12 =	simm.s32 $0x1EA00;
	[sflag:s18] =	ssyncadd.s32 $0xFFFFD800;
	s18 =	simm.s32 $0x19880  }
0x219: {  	_ =	sfence.sel $0x180000  }
0x21a: {  	[bflag:$0x0] =	sbarrier.arrive $0xFFFF  }
0x21b: {  	_ =	strace $0x90000047  }
0x21c: {  	s0 =	stileid.u32;
	[bflag:$0x2] =	sbarrier.arrive $0xFFFF  }
0x21d: {  	p0 =	sne.s32 s0, $0x0;
	s0 =	rddreg [dreg:$0x6]  }
0x21e: {  	s0 =	sadd.s32 @!p0 $0x100000, s0  }
0x21f: {  	[sflag:s0] =	ssyncadd.tile.s32 @!p0 $0x1;
	_ =	shalt  }
.Lfunc_end2:
_tile_overlayer_lowered:
.L_overlay_start_2:
0x220: {  	(tag) =	ssettag $0x2  }
0x221: {  	s0 =	rddreg [dreg:$0x0];
	s2 =	stileid.u32  }
0x222: {  	s1 =	rddreg [dreg:$0x1];
	p0 =	sne.s32 s2, $0x0  }
0x223: {  	s3 =	rddreg [dreg:$0x2];
	[bflag:$0x3] =	sbarrier.arrive $0xFFFF;
	s2 =	simm.s32 @!p0 $0x1C11  }
0x224: {  	[timem:s3], [sflag:s2] =	dma.local @!p0 [hbm:s0], s1  }
0x225: {  	s0 =	simm.s32 @!p0 $0x11  }
0x226: {  	_ =	swait.ge @!p0 [sflag:s0], s1  }
0x227: {  	s1 =	ssub.s32 @!p0 $0x0, s1;
	[sflag:s0] =	ssyncset.done @!p0 $0x0  }
0x228: {  	[sflag:s0] =	ssyncadd.s32 @!p0 s1  }
0x229: {  	[bflag:$0x3] =	sbarrier.arrive $0xFFFF  }
0x22a: {  	_ =	shalt  }

</sc_bundles>
